<compile_context>
chip_gen: v7x
topology: tpu7x:2x2x1
jax: 0.10.2.dev20260603
libtpu: 0.0.44.dev20260713+nightly
codegen_flags: <defaults>
</compile_context>

<pallas_src>
import jax
import jax.numpy as jnp
from jax import lax
from jax.experimental import pallas as pl
from jax.experimental.pallas import tpu as pltpu
from jax.experimental.pallas import tpu_sc as plsc

_A = 26
_L = 20
_D = 64
_P = _A * _L
_TILE = 160
_ROWS_T = _TILE // _L
_NC = 2
_NS = 16
_NW = _NC * _NS
_EPS = 1e-5


def _kernel_body(xr_hbm, tok_hbm, av_hbm, pos_hbm, gam_hbm, bet_hbm, out_hbm,
                 idx_v, av_v, pos_v, avpos, gam_v, bet_v, buf, bufo,
                 sem_in0, sem_in1, sem_out0, sem_out1):
  n_per_w = xr_hbm.shape[0] // _NW
  tiles_per_w = n_per_w // _TILE
  rows_per_w = n_per_w // _L
  wid = lax.axis_index("s") * _NC + lax.axis_index("c")

  pltpu.sync_copy(xr_hbm.at[pl.ds(wid * n_per_w, n_per_w)], idx_v)
  pltpu.sync_copy(av_hbm, av_v)
  pltpu.sync_copy(pos_hbm, pos_v)
  pltpu.sync_copy(gam_hbm, gam_v)
  pltpu.sync_copy(bet_hbm, bet_v)

  def build_avpos(r, _):
    a = r // _L
    l = r - a * _L
    for dd in range(_D // 16):
      sl = pl.ds(dd * 16, 16)
      avpos[r, sl] = av_v[a, sl] + pos_v[l, sl]
    return 0
  lax.fori_loop(0, _P, build_avpos, 0)

  g = [gam_v[pl.ds(dd * 16, 16)] for dd in range(_D // 16)]
  b = [bet_v[pl.ds(dd * 16, 16)] for dd in range(_D // 16)]

  sems_in = (sem_in0, sem_in1)
  sems_out = (sem_out0, sem_out1)
  _H = _TILE // 2

  def start_gather(t, s):
    for h in range(2):
      pltpu.async_copy(
          tok_hbm.at[idx_v.at[pl.ds(t * _TILE + h * _H, _H)]],
          buf.at[s, pl.ds(h * _H, _H)], sems_in[s])

  def wait_gather(t, s):
    for h in range(2):
      pltpu.make_async_copy(
          tok_hbm.at[idx_v.at[pl.ds(t * _TILE + h * _H, _H)]],
          buf.at[s, pl.ds(h * _H, _H)], sems_in[s]).wait()

  def start_out(t, s):
    row0 = wid * rows_per_w + t * _ROWS_T
    pltpu.async_copy(bufo.at[s], out_hbm.at[pl.ds(row0, _ROWS_T)],
                     sems_out[s])

  def wait_out(t, s):
    row0 = wid * rows_per_w + t * _ROWS_T
    pltpu.make_async_copy(bufo.at[s], out_hbm.at[pl.ds(row0, _ROWS_T)],
                          sems_out[s]).wait()

  def compute_tile(t, s):
    base_r = lax.rem(t * _TILE, _P)

    @plsc.parallel_loop(0, _TILE, 1, unroll=4)
    def tok(j):
      r0 = base_r + j
      r = jnp.where(r0 >= _P, r0 - _P, r0)
      x = []
      for dd in range(_D // 16):
        sl = pl.ds(dd * 16, 16)
        x.append(buf[s, j, sl] + avpos[r, sl])
      sm = (x[0] + x[1]) + (x[2] + x[3])
      sq = (x[0] * x[0] + x[1] * x[1]) + (x[2] * x[2] + x[3] * x[3])
      ssum = jnp.sum(sm)
      qsum = jnp.sum(sq)
      mean = ssum * (1.0 / _D)
      var = qsum * (1.0 / _D) - mean * mean + _EPS
      iv = lax.bitcast_convert_type(var, jnp.int32)
      iv = jnp.int32(0x5F3759DF) - lax.shift_right_logical(iv, 1)
      y = lax.bitcast_convert_type(iv, jnp.float32)
      h = var * 0.5
      y = y * (1.5 - h * y * y)
      y = y * (1.5 - h * y * y)
      y = y * (1.5 - h * y * y)
      c0 = mean * y
      q = j // _L
      l = j - q * _L
      for dd in range(_D // 16):
        bufo[s, q, l, pl.ds(dd * 16, 16)] = (
            (x[dd] * y - c0) * g[dd] + b[dd])

  start_gather(0, 0)

  def outer(tt, _):
    for s in range(2):
      t = tt * 2 + s
      wait_gather(t, s)
      compute_tile(t, s)
      start_out(t, s)
      nxt = 1 - s
      if s == 0:
        @pl.when(tt >= 1)
        def _():
          wait_out(t - 1, nxt)
        start_gather(t + 1, nxt)
      else:
        @pl.when(tt < tiles_per_w // 2 - 1)
        def _():
          wait_out(t - 1, nxt)
          start_gather(t + 1, nxt)
    return 0

  lax.fori_loop(0, tiles_per_w // 2, outer, 0)
  wait_out(tiles_per_w - 2, 0)
  wait_out(tiles_per_w - 1, 1)


@jax.jit
def kernel(X_scan, token_table, av_table, pos_table, ln_gamma, ln_beta):
  rows, seq = X_scan.shape
  n = rows * seq
  xr = X_scan.reshape(n).astype(jnp.int32)

  mesh = plsc.VectorSubcoreMesh(
      core_axis_name="c", subcore_axis_name="s",
      num_cores=_NC, num_subcores=_NS)

  run = pl.kernel(
      _kernel_body,
      out_type=jax.ShapeDtypeStruct((rows, seq, _D), jnp.float32),
      mesh=mesh,
      scratch_types=[
          pltpu.VMEM((n // _NW,), jnp.int32),
          pltpu.VMEM((_A, _D), jnp.float32),
          pltpu.VMEM((_L, _D), jnp.float32),
          pltpu.VMEM((_P, _D), jnp.float32),
          pltpu.VMEM((_D,), jnp.float32),
          pltpu.VMEM((_D,), jnp.float32),
          pltpu.VMEM((2, _TILE, _D), jnp.float32),
          pltpu.VMEM((2, _ROWS_T, _L, _D), jnp.float32),
          pltpu.SemaphoreType.DMA,
          pltpu.SemaphoreType.DMA,
          pltpu.SemaphoreType.DMA,
          pltpu.SemaphoreType.DMA,
      ],
      compiler_params=pltpu.CompilerParams(
          needs_layout_passes=False, use_tc_tiling_on_sc=False),
  )
  return run(xr, token_table, av_table, pos_table, ln_gamma, ln_beta)

# --- scband reference (transcript-rebuilt; emitter-appended) ---
"""Pipeline reference for scband-positional-embedding-44178033606844 (READ-ONLY COPY).

The authoritative reference and input builder live on the scoring server;
editing this copy changes nothing except your own understanding.
"""

import jax, jax.numpy as jnp
import numpy as np

A = 26
L = 20
D = 64
B = 1024
VOCAB = 8192


def setup_inputs(seed: int = 0) -> dict:
    key = jax.random.key(seed)
    k1, k2, k3, k4 = jax.random.split(key, 4)
    X_scan = jax.random.randint(k1, (B * A, L), 0, VOCAB)
    token_table = jax.random.normal(k2, (VOCAB, D), dtype=jnp.float32) * 0.02
    av_table = jax.random.normal(k3, (A, D), dtype=jnp.float32) * 0.02
    pos_table = jax.random.normal(k4, (L, D), dtype=jnp.float32) * 0.02
    ln_gamma = jnp.ones((D,), dtype=jnp.float32)
    ln_beta = jnp.zeros((D,), dtype=jnp.float32)
    return {
        'X_scan': X_scan,
        'token_table': token_table,
        'av_table': av_table,
        'pos_table': pos_table,
        'ln_gamma': ln_gamma,
        'ln_beta': ln_beta,
    }


def _layer_norm(x, gamma, beta, eps=1e-5):
    mean = jnp.mean(x, axis=-1, keepdims=True)
    var = jnp.mean((x - mean) ** 2, axis=-1, keepdims=True)
    return (x - mean) / jnp.sqrt(var + eps) * gamma + beta


def reference(X_scan, token_table, av_table, pos_table, ln_gamma, ln_beta):
    rows = X_scan.shape[0]
    b = rows // A
    # buffers exactly as in the torch module
    positions = jnp.arange(L, dtype=jnp.int32).reshape(1, L)
    positions = jnp.tile(positions, (A, 1)).reshape(1, -1)  # [1, A*L]
    avs = jnp.arange(A, dtype=jnp.int32).reshape(A, 1)
    avs = jnp.tile(avs, (1, L)).reshape(1, -1)  # [1, A*L]
    pos = jnp.tile(positions, (b, 1))  # [B, A*L]
    avs_b = jnp.tile(avs, (b, 1))  # [B, A*L]
    av_reshaped = avs_b.reshape(b * A, -1)  # [B*A, L]
    pos_reshaped = pos.reshape(b * A, -1)  # [B*A, L]
    X_scan_embd = jnp.take(token_table, X_scan, axis=0)  # [B*A, L, D]
    av_embd = jnp.take(av_table, av_reshaped, axis=0)  # [B*A, L, D]
    pos_embd = jnp.take(pos_table, pos_reshaped, axis=0)  # [B*A, L, D]
    token_embd = X_scan_embd + av_embd + pos_embd
    token_embd = _layer_norm(token_embd, ln_gamma, ln_beta)
    return token_embd

if __name__ == "__main__":
    import jax
    _d = setup_inputs()
    print(jax.jit(kernel)(*tuple(_d.values())))

</pallas_src>

<mosaic_0001>
#map = affine_map<(d0, d1) -> (0)>
#map1 = affine_map<(d0, d1) -> (0, 0)>
#map2 = affine_map<(d0, d1) -> (0, 0, 0)>
module attributes {stable_mosaic.version = 14 : i64} {
  func.func @_kernel_body(%arg0: i32, %arg1: i32, %arg2: memref<532480xi32, #tpu.memory_space<hbm>>, %arg3: memref<8192x64xf32, #tpu.memory_space<hbm>>, %arg4: memref<26x64xf32, #tpu.memory_space<hbm>>, %arg5: memref<20x64xf32, #tpu.memory_space<hbm>>, %arg6: memref<64xf32, #tpu.memory_space<hbm>>, %arg7: memref<64xf32, #tpu.memory_space<hbm>>, %arg8: memref<26624x20x64xf32, #tpu.memory_space<hbm>>, %arg9: memref<16640xi32, #tpu.memory_space<vmem>>, %arg10: memref<26x64xf32, #tpu.memory_space<vmem>>, %arg11: memref<20x64xf32, #tpu.memory_space<vmem>>, %arg12: memref<520x64xf32, #tpu.memory_space<vmem>>, %arg13: memref<64xf32, #tpu.memory_space<vmem>>, %arg14: memref<64xf32, #tpu.memory_space<vmem>>, %arg15: memref<2x160x64xf32, #tpu.memory_space<vmem>>, %arg16: memref<2x8x20x64xf32, #tpu.memory_space<vmem>>, %arg17: memref<!tpu.dma_semaphore, #tpu.memory_space<semaphore_mem>>, %arg18: memref<!tpu.dma_semaphore, #tpu.memory_space<semaphore_mem>>, %arg19: memref<!tpu.dma_semaphore, #tpu.memory_space<semaphore_mem>>, %arg20: memref<!tpu.dma_semaphore, #tpu.memory_space<semaphore_mem>>) attributes {dimension_semantics = [#tpu.dimension_semantics<core_parallel>, #tpu.dimension_semantics<subcore_parallel>], iteration_bounds = array<i64: 2, 16>, scalar_prefetch = 0 : i64, scratch_operands = 12 : i64, tpu.core_type = #tpu.core_type<sc_vector_subcore>, window_params = [{transform_indices = #map}, {transform_indices = #map1}, {transform_indices = #map1}, {transform_indices = #map1}, {transform_indices = #map}, {transform_indices = #map}, {transform_indices = #map2}]} {
    %mul3A = arith.constant 2 : i32
    %mul3A_0 = arith.muli %arg1, %mul3A : i32
    %add3A = arith.addi %mul3A_0, %arg0 : i32
    %mul3A_1 = arith.constant 16640 : i32
    %mul3A_2 = arith.muli %add3A, %mul3A_1 : i32
    "tpu.region"() ({
      %run_scoped3A = tpu.sem_alloc : memref<!tpu.dma_semaphore, #tpu.memory_space<semaphore_mem>>
      %dma_start3A_91 = tpu.memref_slice %arg2[%mul3A_2] : memref<532480xi32, #tpu.memory_space<hbm>> -> memref<16640xi32, #tpu.memory_space<hbm>>
      %dma_start3A_92 = tpu.memref_slice %arg2[%mul3A_2] : memref<532480xi32, #tpu.memory_space<hbm>> -> memref<16640xi32, #tpu.memory_space<hbm>>
      tpu.enqueue_dma source(%dma_start3A_92 : memref<16640xi32, #tpu.memory_space<hbm>>) target(%arg9 : memref<16640xi32, #tpu.memory_space<vmem>>) target_semaphore(%run_scoped3A : memref<!tpu.dma_semaphore, #tpu.memory_space<semaphore_mem>>)
      %dma_wait3A_93 = tpu.memref_slice %arg2[%mul3A_2] : memref<532480xi32, #tpu.memory_space<hbm>> -> memref<16640xi32, #tpu.memory_space<hbm>>
      %dma_wait3A_94 = tpu.memref_slice %arg2[%mul3A_2] : memref<532480xi32, #tpu.memory_space<hbm>> -> memref<16640xi32, #tpu.memory_space<hbm>>
      tpu.wait_dma2 semaphore(%run_scoped3A : memref<!tpu.dma_semaphore, #tpu.memory_space<semaphore_mem>>) src(%dma_wait3A_94 : memref<16640xi32, #tpu.memory_space<hbm>>) dst(%arg9 : memref<16640xi32, #tpu.memory_space<vmem>>)
      tpu.yield
    }) : () -> ()
    "tpu.region"() ({
      %run_scoped3A = tpu.sem_alloc : memref<!tpu.dma_semaphore, #tpu.memory_space<semaphore_mem>>
      tpu.enqueue_dma source(%arg4 : memref<26x64xf32, #tpu.memory_space<hbm>>) target(%arg10 : memref<26x64xf32, #tpu.memory_space<vmem>>) target_semaphore(%run_scoped3A : memref<!tpu.dma_semaphore, #tpu.memory_space<semaphore_mem>>)
      tpu.wait_dma2 semaphore(%run_scoped3A : memref<!tpu.dma_semaphore, #tpu.memory_space<semaphore_mem>>) src(%arg4 : memref<26x64xf32, #tpu.memory_space<hbm>>) dst(%arg10 : memref<26x64xf32, #tpu.memory_space<vmem>>)
      tpu.yield
    }) : () -> ()
    "tpu.region"() ({
      %run_scoped3A = tpu.sem_alloc : memref<!tpu.dma_semaphore, #tpu.memory_space<semaphore_mem>>
      tpu.enqueue_dma source(%arg5 : memref<20x64xf32, #tpu.memory_space<hbm>>) target(%arg11 : memref<20x64xf32, #tpu.memory_space<vmem>>) target_semaphore(%run_scoped3A : memref<!tpu.dma_semaphore, #tpu.memory_space<semaphore_mem>>)
      tpu.wait_dma2 semaphore(%run_scoped3A : memref<!tpu.dma_semaphore, #tpu.memory_space<semaphore_mem>>) src(%arg5 : memref<20x64xf32, #tpu.memory_space<hbm>>) dst(%arg11 : memref<20x64xf32, #tpu.memory_space<vmem>>)
      tpu.yield
    }) : () -> ()
    "tpu.region"() ({
      %run_scoped3A = tpu.sem_alloc : memref<!tpu.dma_semaphore, #tpu.memory_space<semaphore_mem>>
      tpu.enqueue_dma source(%arg6 : memref<64xf32, #tpu.memory_space<hbm>>) target(%arg13 : memref<64xf32, #tpu.memory_space<vmem>>) target_semaphore(%run_scoped3A : memref<!tpu.dma_semaphore, #tpu.memory_space<semaphore_mem>>)
      tpu.wait_dma2 semaphore(%run_scoped3A : memref<!tpu.dma_semaphore, #tpu.memory_space<semaphore_mem>>) src(%arg6 : memref<64xf32, #tpu.memory_space<hbm>>) dst(%arg13 : memref<64xf32, #tpu.memory_space<vmem>>)
      tpu.yield
    }) : () -> ()
    "tpu.region"() ({
      %run_scoped3A = tpu.sem_alloc : memref<!tpu.dma_semaphore, #tpu.memory_space<semaphore_mem>>
      tpu.enqueue_dma source(%arg7 : memref<64xf32, #tpu.memory_space<hbm>>) target(%arg14 : memref<64xf32, #tpu.memory_space<vmem>>) target_semaphore(%run_scoped3A : memref<!tpu.dma_semaphore, #tpu.memory_space<semaphore_mem>>)
      tpu.wait_dma2 semaphore(%run_scoped3A : memref<!tpu.dma_semaphore, #tpu.memory_space<semaphore_mem>>) src(%arg7 : memref<64xf32, #tpu.memory_space<hbm>>) dst(%arg14 : memref<64xf32, #tpu.memory_space<vmem>>)
      tpu.yield
    }) : () -> ()
    %scan3A = arith.constant 0 : i32
    %scan3A_3 = arith.constant 0 : i32
    %scan3A_4 = arith.constant 520 : i32
    %scan3A_5 = arith.addi %scan3A_3, %scan3A_4 : i32
    %scan3A_6 = arith.constant 1 : i32
    %scan3A_7 = scf.for %scan3A_91 = %scan3A_3 to %scan3A_5 step %scan3A_6 iter_args(%scan3A_92 = %scan3A) -> (i32)  : i32 {
      %jit3A = arith.constant 20 : i32
      %div3A = arith.divsi %scan3A_91, %jit3A : i32
      %sign3A = arith.constant 0 : i32
      %sign3A_93 = arith.cmpi sgt, %scan3A_91, %sign3A : i32
      %sign3A_94 = arith.extui %sign3A_93 : i1 to i32
      %sign3A_95 = arith.constant 0 : i32
      %sign3A_96 = arith.cmpi slt, %scan3A_91, %sign3A_95 : i32
      %sign3A_97 = arith.extui %sign3A_96 : i1 to i32
      %sign3A_98 = arith.subi %sign3A_94, %sign3A_97 : i32
      %sign3A_99 = arith.constant 0 : i32
      %sign3A_100 = arith.cmpi sgt, %jit3A, %sign3A_99 : i32
      %sign3A_101 = arith.extui %sign3A_100 : i1 to i32
      %sign3A_102 = arith.constant 0 : i32
      %sign3A_103 = arith.cmpi slt, %jit3A, %sign3A_102 : i32
      %sign3A_104 = arith.extui %sign3A_103 : i1 to i32
      %sign3A_105 = arith.subi %sign3A_101, %sign3A_104 : i32
      %ne3A = arith.cmpi ne, %sign3A_98, %sign3A_105 : i32
      %rem3A = arith.remsi %scan3A_91, %jit3A : i32
      %ne3A_106 = arith.constant 0 : i32
      %ne3A_107 = arith.cmpi ne, %rem3A, %ne3A_106 : i32
      %and3A = arith.andi %ne3A, %ne3A_107 : i1
      %sub3A = arith.constant 1 : i32
      %sub3A_108 = arith.subi %div3A, %sub3A : i32
      %select_n3A = arith.select %and3A, %sub3A_108, %div3A : i32
      %mul3A_109 = arith.constant 20 : i32
      %mul3A_110 = arith.muli %select_n3A, %mul3A_109 : i32
      %sub3A_111 = arith.subi %scan3A_91, %mul3A_110 : i32
      %get3A_112 = arith.index_cast %select_n3A : i32 to index
      %get3A_113 = arith.constant 0 : index
      %get3A_114 = tpu.vector_load %arg10[%get3A_112, %get3A_113] {strides = array<i32>} : memref<26x64xf32, #tpu.memory_space<vmem>>, vector<16xf32>,
      %get3A_115 = arith.index_cast %sub3A_111 : i32 to index
      %get3A_116 = arith.constant 0 : index
      %get3A_117 = tpu.vector_load %arg11[%get3A_115, %get3A_116] {strides = array<i32>} : memref<20x64xf32, #tpu.memory_space<vmem>>, vector<16xf32>,
      %add3A_118 = arith.addf %get3A_114, %get3A_117 : vector<16xf32>
      %swap3A = arith.index_cast %scan3A_91 : i32 to index
      %swap3A_119 = arith.constant 0 : index
      %swap3A_120 = tpu.vector_load %arg12[%swap3A, %swap3A_119] {strides = array<i32>} : memref<520x64xf32, #tpu.memory_space<vmem>>, vector<16xf32>,
      tpu.vector_store %arg12[%swap3A, %swap3A_119], %add3A_118 {strides = array<i32>} : memref<520x64xf32, #tpu.memory_space<vmem>>, vector<16xf32>,
      %get3A_121 = arith.index_cast %select_n3A : i32 to index
      %get3A_122 = arith.constant 16 : index
      %get3A_123 = tpu.vector_load %arg10[%get3A_121, %get3A_122] {strides = array<i32>} : memref<26x64xf32, #tpu.memory_space<vmem>>, vector<16xf32>,
      %get3A_124 = arith.index_cast %sub3A_111 : i32 to index
      %get3A_125 = arith.constant 16 : index
      %get3A_126 = tpu.vector_load %arg11[%get3A_124, %get3A_125] {strides = array<i32>} : memref<20x64xf32, #tpu.memory_space<vmem>>, vector<16xf32>,
      %add3A_127 = arith.addf %get3A_123, %get3A_126 : vector<16xf32>
      %swap3A_128 = arith.index_cast %scan3A_91 : i32 to index
      %swap3A_129 = arith.constant 16 : index
      %swap3A_130 = tpu.vector_load %arg12[%swap3A_128, %swap3A_129] {strides = array<i32>} : memref<520x64xf32, #tpu.memory_space<vmem>>, vector<16xf32>,
      tpu.vector_store %arg12[%swap3A_128, %swap3A_129], %add3A_127 {strides = array<i32>} : memref<520x64xf32, #tpu.memory_space<vmem>>, vector<16xf32>,
      %get3A_131 = arith.index_cast %select_n3A : i32 to index
      %get3A_132 = arith.constant 32 : index
      %get3A_133 = tpu.vector_load %arg10[%get3A_131, %get3A_132] {strides = array<i32>} : memref<26x64xf32, #tpu.memory_space<vmem>>, vector<16xf32>,
      %get3A_134 = arith.index_cast %sub3A_111 : i32 to index
      %get3A_135 = arith.constant 32 : index
      %get3A_136 = tpu.vector_load %arg11[%get3A_134, %get3A_135] {strides = array<i32>} : memref<20x64xf32, #tpu.memory_space<vmem>>, vector<16xf32>,
      %add3A_137 = arith.addf %get3A_133, %get3A_136 : vector<16xf32>
      %swap3A_138 = arith.index_cast %scan3A_91 : i32 to index
      %swap3A_139 = arith.constant 32 : index
      %swap3A_140 = tpu.vector_load %arg12[%swap3A_138, %swap3A_139] {strides = array<i32>} : memref<520x64xf32, #tpu.memory_space<vmem>>, vector<16xf32>,
      tpu.vector_store %arg12[%swap3A_138, %swap3A_139], %add3A_137 {strides = array<i32>} : memref<520x64xf32, #tpu.memory_space<vmem>>, vector<16xf32>,
      %get3A_141 = arith.index_cast %select_n3A : i32 to index
      %get3A_142 = arith.constant 48 : index
      %get3A_143 = tpu.vector_load %arg10[%get3A_141, %get3A_142] {strides = array<i32>} : memref<26x64xf32, #tpu.memory_space<vmem>>, vector<16xf32>,
      %get3A_144 = arith.index_cast %sub3A_111 : i32 to index
      %get3A_145 = arith.constant 48 : index
      %get3A_146 = tpu.vector_load %arg11[%get3A_144, %get3A_145] {strides = array<i32>} : memref<20x64xf32, #tpu.memory_space<vmem>>, vector<16xf32>,
      %add3A_147 = arith.addf %get3A_143, %get3A_146 : vector<16xf32>
      %swap3A_148 = arith.index_cast %scan3A_91 : i32 to index
      %swap3A_149 = arith.constant 48 : index
      %swap3A_150 = tpu.vector_load %arg12[%swap3A_148, %swap3A_149] {strides = array<i32>} : memref<520x64xf32, #tpu.memory_space<vmem>>, vector<16xf32>,
      tpu.vector_store %arg12[%swap3A_148, %swap3A_149], %add3A_147 {strides = array<i32>} : memref<520x64xf32, #tpu.memory_space<vmem>>, vector<16xf32>,
      %scan3A_151 = arith.constant 0 : i32
      scf.yield %scan3A_151 : i32
    }
    %scan3A_8 = arith.constant 520 : i32
    %get3A = arith.constant 0 : index
    %get3A_9 = tpu.vector_load %arg13[%get3A] {strides = array<i32>} : memref<64xf32, #tpu.memory_space<vmem>>, vector<16xf32>,
    %get3A_10 = arith.constant 16 : index
    %get3A_11 = tpu.vector_load %arg13[%get3A_10] {strides = array<i32>} : memref<64xf32, #tpu.memory_space<vmem>>, vector<16xf32>,
    %get3A_12 = arith.constant 32 : index
    %get3A_13 = tpu.vector_load %arg13[%get3A_12] {strides = array<i32>} : memref<64xf32, #tpu.memory_space<vmem>>, vector<16xf32>,
    %get3A_14 = arith.constant 48 : index
    %get3A_15 = tpu.vector_load %arg13[%get3A_14] {strides = array<i32>} : memref<64xf32, #tpu.memory_space<vmem>>, vector<16xf32>,
    %get3A_16 = arith.constant 0 : index
    %get3A_17 = tpu.vector_load %arg14[%get3A_16] {strides = array<i32>} : memref<64xf32, #tpu.memory_space<vmem>>, vector<16xf32>,
    %get3A_18 = arith.constant 16 : index
    %get3A_19 = tpu.vector_load %arg14[%get3A_18] {strides = array<i32>} : memref<64xf32, #tpu.memory_space<vmem>>, vector<16xf32>,
    %get3A_20 = arith.constant 32 : index
    %get3A_21 = tpu.vector_load %arg14[%get3A_20] {strides = array<i32>} : memref<64xf32, #tpu.memory_space<vmem>>, vector<16xf32>,
    %get3A_22 = arith.constant 48 : index
    %get3A_23 = tpu.vector_load %arg14[%get3A_22] {strides = array<i32>} : memref<64xf32, #tpu.memory_space<vmem>>, vector<16xf32>,
    %dma_start3A = arith.constant 0 : i32
    %dma_start3A_24 = arith.constant 0 : i32
    %dma_start3A_25 = arith.constant 0 : i32
    %dma_start3A_26 = tpu.memref_slice %arg15[%dma_start3A, %dma_start3A_24, %dma_start3A_25] : memref<2x160x64xf32, #tpu.memory_space<vmem>> -> memref<1x80x64xf32, #tpu.memory_space<vmem>>
    %dma_start3A_27 = tpu.memref_squeeze %dma_start3A_26 : memref<1x80x64xf32, #tpu.memory_space<vmem>> -> memref<80x64xf32, #tpu.memory_space<vmem>>
    %dma_start3A_28 = arith.constant 0 : i32
    %dma_start3A_29 = tpu.memref_slice %arg9[%dma_start3A_28] : memref<16640xi32, #tpu.memory_space<vmem>> -> memref<80xi32, #tpu.memory_space<vmem>>
    %dma_start3A_30 = arith.constant 0 : i32
    %dma_start3A_31 = arith.constant 0 : i32
    %dma_start3A_32 = tpu.memref_slice %arg3[%dma_start3A_30, %dma_start3A_31] : memref<8192x64xf32, #tpu.memory_space<hbm>> -> memref<8192x64xf32, #tpu.memory_space<hbm>>
    tpu.enqueue_indirect_dma source(%dma_start3A_32 : memref<8192x64xf32, #tpu.memory_space<hbm>>) target(%dma_start3A_27 : memref<80x64xf32, #tpu.memory_space<vmem>>) offsets(%dma_start3A_29 : memref<80xi32, #tpu.memory_space<vmem>>) semaphore(%arg17 : memref<!tpu.dma_semaphore, #tpu.memory_space<semaphore_mem>>)
    %dma_start3A_33 = arith.constant 0 : i32
    %dma_start3A_34 = arith.constant 80 : i32
    %dma_start3A_35 = arith.constant 0 : i32
    %dma_start3A_36 = tpu.memref_slice %arg15[%dma_start3A_33, %dma_start3A_34, %dma_start3A_35] : memref<2x160x64xf32, #tpu.memory_space<vmem>> -> memref<1x80x64xf32, #tpu.memory_space<vmem>>
    %dma_start3A_37 = tpu.memref_squeeze %dma_start3A_36 : memref<1x80x64xf32, #tpu.memory_space<vmem>> -> memref<80x64xf32, #tpu.memory_space<vmem>>
    %dma_start3A_38 = arith.constant 80 : i32
    %dma_start3A_39 = tpu.memref_slice %arg9[%dma_start3A_38] : memref<16640xi32, #tpu.memory_space<vmem>> -> memref<80xi32, #tpu.memory_space<vmem>>
    %dma_start3A_40 = arith.constant 0 : i32
    %dma_start3A_41 = arith.constant 0 : i32
    %dma_start3A_42 = tpu.memref_slice %arg3[%dma_start3A_40, %dma_start3A_41] : memref<8192x64xf32, #tpu.memory_space<hbm>> -> memref<8192x64xf32, #tpu.memory_space<hbm>>
    tpu.enqueue_indirect_dma source(%dma_start3A_42 : memref<8192x64xf32, #tpu.memory_space<hbm>>) target(%dma_start3A_37 : memref<80x64xf32, #tpu.memory_space<vmem>>) offsets(%dma_start3A_39 : memref<80xi32, #tpu.memory_space<vmem>>) semaphore(%arg17 : memref<!tpu.dma_semaphore, #tpu.memory_space<semaphore_mem>>)
    %scan3A_43 = arith.constant 0 : i32
    %scan3A_44 = arith.constant 0 : i32
    %scan3A_45 = arith.constant 52 : i32
    %scan3A_46 = arith.addi %scan3A_44, %scan3A_45 : i32
    %scan3A_47 = arith.constant 1 : i32
    %scan3A_48 = scf.for %scan3A_91 = %scan3A_44 to %scan3A_46 step %scan3A_47 iter_args(%scan3A_92 = %scan3A_43) -> (i32)  : i32 {
      %mul3A_93 = arith.constant 2 : i32
      %mul3A_94 = arith.muli %scan3A_91, %mul3A_93 : i32
      %add3A_95 = arith.constant 0 : i32
      %add3A_96 = arith.addi %mul3A_94, %add3A_95 : i32
      %mul3A_97 = arith.constant 160 : i32
      %mul3A_98 = arith.muli %add3A_96, %mul3A_97 : i32
      %add3A_99 = arith.constant 0 : i32
      %add3A_100 = arith.addi %mul3A_98, %add3A_99 : i32
      %dma_wait3A_101 = arith.constant 0 : i32
      %dma_wait3A_102 = arith.constant 0 : i32
      %dma_wait3A_103 = arith.constant 0 : i32
      %dma_wait3A_104 = tpu.memref_slice %arg15[%dma_wait3A_101, %dma_wait3A_102, %dma_wait3A_103] : memref<2x160x64xf32, #tpu.memory_space<vmem>> -> memref<1x80x64xf32, #tpu.memory_space<vmem>>
      %dma_wait3A_105 = tpu.memref_squeeze %dma_wait3A_104 : memref<1x80x64xf32, #tpu.memory_space<vmem>> -> memref<80x64xf32, #tpu.memory_space<vmem>>
      %dma_wait3A_106 = tpu.memref_slice %arg9[%add3A_100] : memref<16640xi32, #tpu.memory_space<vmem>> -> memref<80xi32, #tpu.memory_space<vmem>>
      %dma_wait3A_107 = arith.constant 0 : i32
      %dma_wait3A_108 = arith.constant 0 : i32
      %dma_wait3A_109 = tpu.memref_slice %arg3[%dma_wait3A_107, %dma_wait3A_108] : memref<8192x64xf32, #tpu.memory_space<hbm>> -> memref<8192x64xf32, #tpu.memory_space<hbm>>
      tpu.wait_indirect_dma semaphore(%arg17 : memref<!tpu.dma_semaphore, #tpu.memory_space<semaphore_mem>>) src(%dma_wait3A_109 : memref<8192x64xf32, #tpu.memory_space<hbm>>) dst(%dma_wait3A_105 : memref<80x64xf32, #tpu.memory_space<vmem>>)
      %mul3A_110 = arith.constant 160 : i32
      %mul3A_111 = arith.muli %add3A_96, %mul3A_110 : i32
      %add3A_112 = arith.constant 80 : i32
      %add3A_113 = arith.addi %mul3A_111, %add3A_112 : i32
      %dma_wait3A_114 = arith.constant 0 : i32
      %dma_wait3A_115 = arith.constant 80 : i32
      %dma_wait3A_116 = arith.constant 0 : i32
      %dma_wait3A_117 = tpu.memref_slice %arg15[%dma_wait3A_114, %dma_wait3A_115, %dma_wait3A_116] : memref<2x160x64xf32, #tpu.memory_space<vmem>> -> memref<1x80x64xf32, #tpu.memory_space<vmem>>
      %dma_wait3A_118 = tpu.memref_squeeze %dma_wait3A_117 : memref<1x80x64xf32, #tpu.memory_space<vmem>> -> memref<80x64xf32, #tpu.memory_space<vmem>>
      %dma_wait3A_119 = tpu.memref_slice %arg9[%add3A_113] : memref<16640xi32, #tpu.memory_space<vmem>> -> memref<80xi32, #tpu.memory_space<vmem>>
      %dma_wait3A_120 = arith.constant 0 : i32
      %dma_wait3A_121 = arith.constant 0 : i32
      %dma_wait3A_122 = tpu.memref_slice %arg3[%dma_wait3A_120, %dma_wait3A_121] : memref<8192x64xf32, #tpu.memory_space<hbm>> -> memref<8192x64xf32, #tpu.memory_space<hbm>>
      tpu.wait_indirect_dma semaphore(%arg17 : memref<!tpu.dma_semaphore, #tpu.memory_space<semaphore_mem>>) src(%dma_wait3A_122 : memref<8192x64xf32, #tpu.memory_space<hbm>>) dst(%dma_wait3A_118 : memref<80x64xf32, #tpu.memory_space<vmem>>)
      %mul3A_123 = arith.constant 160 : i32
      %mul3A_124 = arith.muli %add3A_96, %mul3A_123 : i32
      %rem3A = arith.constant 520 : i32
      %rem3A_125 = arith.remsi %mul3A_124, %rem3A : i32
      %parallel_loop3A = arith.constant 0 : i32
      %parallel_loop3A_126 = arith.constant 160 : i32
      %parallel_loop3A_127 = arith.constant 1 : i32
      scf.for %parallel_loop3A_244 = %parallel_loop3A to %parallel_loop3A_126 step %parallel_loop3A_127  : i32 {
        %parallel_loop3A_245 = arith.addi %rem3A_125, %parallel_loop3A_244 : i32
        %parallel_loop3A_246 = arith.constant 520 : i32
        %parallel_loop3A_247 = arith.cmpi sge, %parallel_loop3A_245, %parallel_loop3A_246 : i32
        %parallel_loop3A_248 = arith.constant 520 : i32
        %parallel_loop3A_249 = arith.subi %parallel_loop3A_245, %parallel_loop3A_248 : i32
        %parallel_loop3A_250 = arith.select %parallel_loop3A_247, %parallel_loop3A_249, %parallel_loop3A_245 : i32
        %parallel_loop3A_251 = arith.constant 0 : i32
        %parallel_loop3A_252 = arith.index_cast %parallel_loop3A_251 : i32 to index
        %parallel_loop3A_253 = arith.index_cast %parallel_loop3A_244 : i32 to index
        %parallel_loop3A_254 = arith.constant 0 : index
        %parallel_loop3A_255 = tpu.vector_load %arg15[%parallel_loop3A_252, %parallel_loop3A_253, %parallel_loop3A_254] {strides = array<i32>} : memref<2x160x64xf32, #tpu.memory_space<vmem>>, vector<16xf32>,
        %parallel_loop3A_256 = arith.index_cast %parallel_loop3A_250 : i32 to index
        %parallel_loop3A_257 = arith.constant 0 : index
        %parallel_loop3A_258 = tpu.vector_load %arg12[%parallel_loop3A_256, %parallel_loop3A_257] {strides = array<i32>} : memref<520x64xf32, #tpu.memory_space<vmem>>, vector<16xf32>,
        %parallel_loop3A_259 = arith.addf %parallel_loop3A_255, %parallel_loop3A_258 : vector<16xf32>
        %parallel_loop3A_260 = arith.constant 0 : i32
        %parallel_loop3A_261 = arith.index_cast %parallel_loop3A_260 : i32 to index
        %parallel_loop3A_262 = arith.index_cast %parallel_loop3A_244 : i32 to index
        %parallel_loop3A_263 = arith.constant 16 : index
        %parallel_loop3A_264 = tpu.vector_load %arg15[%parallel_loop3A_261, %parallel_loop3A_262, %parallel_loop3A_263] {strides = array<i32>} : memref<2x160x64xf32, #tpu.memory_space<vmem>>, vector<16xf32>,
        %parallel_loop3A_265 = arith.index_cast %parallel_loop3A_250 : i32 to index
        %parallel_loop3A_266 = arith.constant 16 : index
        %parallel_loop3A_267 = tpu.vector_load %arg12[%parallel_loop3A_265, %parallel_loop3A_266] {strides = array<i32>} : memref<520x64xf32, #tpu.memory_space<vmem>>, vector<16xf32>,
        %parallel_loop3A_268 = arith.addf %parallel_loop3A_264, %parallel_loop3A_267 : vector<16xf32>
        %parallel_loop3A_269 = arith.constant 0 : i32
        %parallel_loop3A_270 = arith.index_cast %parallel_loop3A_269 : i32 to index
        %parallel_loop3A_271 = arith.index_cast %parallel_loop3A_244 : i32 to index
        %parallel_loop3A_272 = arith.constant 32 : index
        %parallel_loop3A_273 = tpu.vector_load %arg15[%parallel_loop3A_270, %parallel_loop3A_271, %parallel_loop3A_272] {strides = array<i32>} : memref<2x160x64xf32, #tpu.memory_space<vmem>>, vector<16xf32>,
        %parallel_loop3A_274 = arith.index_cast %parallel_loop3A_250 : i32 to index
        %parallel_loop3A_275 = arith.constant 32 : index
        %parallel_loop3A_276 = tpu.vector_load %arg12[%parallel_loop3A_274, %parallel_loop3A_275] {strides = array<i32>} : memref<520x64xf32, #tpu.memory_space<vmem>>, vector<16xf32>,
        %parallel_loop3A_277 = arith.addf %parallel_loop3A_273, %parallel_loop3A_276 : vector<16xf32>
        %parallel_loop3A_278 = arith.constant 0 : i32
        %parallel_loop3A_279 = arith.index_cast %parallel_loop3A_278 : i32 to index
        %parallel_loop3A_280 = arith.index_cast %parallel_loop3A_244 : i32 to index
        %parallel_loop3A_281 = arith.constant 48 : index
        %parallel_loop3A_282 = tpu.vector_load %arg15[%parallel_loop3A_279, %parallel_loop3A_280, %parallel_loop3A_281] {strides = array<i32>} : memref<2x160x64xf32, #tpu.memory_space<vmem>>, vector<16xf32>,
        %parallel_loop3A_283 = arith.index_cast %parallel_loop3A_250 : i32 to index
        %parallel_loop3A_284 = arith.constant 48 : index
        %parallel_loop3A_285 = tpu.vector_load %arg12[%parallel_loop3A_283, %parallel_loop3A_284] {strides = array<i32>} : memref<520x64xf32, #tpu.memory_space<vmem>>, vector<16xf32>,
        %parallel_loop3A_286 = arith.addf %parallel_loop3A_282, %parallel_loop3A_285 : vector<16xf32>
        %parallel_loop3A_287 = arith.addf %parallel_loop3A_259, %parallel_loop3A_268 : vector<16xf32>
        %parallel_loop3A_288 = arith.addf %parallel_loop3A_277, %parallel_loop3A_286 : vector<16xf32>
        %parallel_loop3A_289 = arith.addf %parallel_loop3A_287, %parallel_loop3A_288 : vector<16xf32>
        %parallel_loop3A_290 = arith.mulf %parallel_loop3A_259, %parallel_loop3A_259 : vector<16xf32>
        %parallel_loop3A_291 = arith.mulf %parallel_loop3A_268, %parallel_loop3A_268 : vector<16xf32>
        %parallel_loop3A_292 = arith.addf %parallel_loop3A_290, %parallel_loop3A_291 : vector<16xf32>
        %parallel_loop3A_293 = arith.mulf %parallel_loop3A_277, %parallel_loop3A_277 : vector<16xf32>
        %parallel_loop3A_294 = arith.mulf %parallel_loop3A_286, %parallel_loop3A_286 : vector<16xf32>
        %parallel_loop3A_295 = arith.addf %parallel_loop3A_293, %parallel_loop3A_294 : vector<16xf32>
        %parallel_loop3A_296 = arith.addf %parallel_loop3A_292, %parallel_loop3A_295 : vector<16xf32>
        %parallel_loop3A_297 = arith.constant true
        %parallel_loop3A_298 = vector.broadcast %parallel_loop3A_297 : i1 to vector<16xi1>
        %parallel_loop3A_299 = tpu.scan <sum>, %parallel_loop3A_289 masked %parallel_loop3A_298 : vector<16xf32>, vector<16xi1> -> vector<16xf32>
        %parallel_loop3A_300 = vector.extract %parallel_loop3A_299[15] : f32 from vector<16xf32>
        %parallel_loop3A_301 = arith.constant true
        %parallel_loop3A_302 = vector.broadcast %parallel_loop3A_301 : i1 to vector<16xi1>
        %parallel_loop3A_303 = tpu.scan <sum>, %parallel_loop3A_296 masked %parallel_loop3A_302 : vector<16xf32>, vector<16xi1> -> vector<16xf32>
        %parallel_loop3A_304 = vector.extract %parallel_loop3A_303[15] : f32 from vector<16xf32>
        %parallel_loop3A_305 = arith.constant 1.562500e-02 : f32
        %parallel_loop3A_306 = arith.mulf %parallel_loop3A_300, %parallel_loop3A_305 : f32
        %parallel_loop3A_307 = arith.constant 1.562500e-02 : f32
        %parallel_loop3A_308 = arith.mulf %parallel_loop3A_304, %parallel_loop3A_307 : f32
        %parallel_loop3A_309 = arith.mulf %parallel_loop3A_306, %parallel_loop3A_306 : f32
        %parallel_loop3A_310 = arith.subf %parallel_loop3A_308, %parallel_loop3A_309 : f32
        %parallel_loop3A_311 = arith.constant 9.99999974E-6 : f32
        %parallel_loop3A_312 = arith.addf %parallel_loop3A_310, %parallel_loop3A_311 : f32
        %parallel_loop3A_313 = arith.bitcast %parallel_loop3A_312 : f32 to i32
        %parallel_loop3A_314 = arith.constant 1 : i32
        %parallel_loop3A_315 = arith.shrui %parallel_loop3A_313, %parallel_loop3A_314 : i32
        %parallel_loop3A_316 = arith.constant 1597463007 : i32
        %parallel_loop3A_317 = arith.subi %parallel_loop3A_316, %parallel_loop3A_315 : i32
        %parallel_loop3A_318 = arith.bitcast %parallel_loop3A_317 : i32 to f32
        %parallel_loop3A_319 = arith.constant 5.000000e-01 : f32
        %parallel_loop3A_320 = arith.mulf %parallel_loop3A_312, %parallel_loop3A_319 : f32
        %parallel_loop3A_321 = arith.mulf %parallel_loop3A_320, %parallel_loop3A_318 : f32
        %parallel_loop3A_322 = arith.mulf %parallel_loop3A_321, %parallel_loop3A_318 : f32
        %parallel_loop3A_323 = arith.constant 1.500000e+00 : f32
        %parallel_loop3A_324 = arith.subf %parallel_loop3A_323, %parallel_loop3A_322 : f32
        %parallel_loop3A_325 = arith.mulf %parallel_loop3A_318, %parallel_loop3A_324 : f32
        %parallel_loop3A_326 = arith.mulf %parallel_loop3A_320, %parallel_loop3A_325 : f32
        %parallel_loop3A_327 = arith.mulf %parallel_loop3A_326, %parallel_loop3A_325 : f32
        %parallel_loop3A_328 = arith.constant 1.500000e+00 : f32
        %parallel_loop3A_329 = arith.subf %parallel_loop3A_328, %parallel_loop3A_327 : f32
        %parallel_loop3A_330 = arith.mulf %parallel_loop3A_325, %parallel_loop3A_329 : f32
        %parallel_loop3A_331 = arith.mulf %parallel_loop3A_320, %parallel_loop3A_330 : f32
        %parallel_loop3A_332 = arith.mulf %parallel_loop3A_331, %parallel_loop3A_330 : f32
        %parallel_loop3A_333 = arith.constant 1.500000e+00 : f32
        %parallel_loop3A_334 = arith.subf %parallel_loop3A_333, %parallel_loop3A_332 : f32
        %parallel_loop3A_335 = arith.mulf %parallel_loop3A_330, %parallel_loop3A_334 : f32
        %parallel_loop3A_336 = arith.mulf %parallel_loop3A_306, %parallel_loop3A_335 : f32
        %parallel_loop3A_337 = arith.constant 20 : i32
        %parallel_loop3A_338 = arith.divsi %parallel_loop3A_244, %parallel_loop3A_337 : i32
        %parallel_loop3A_339 = arith.constant 0 : i32
        %parallel_loop3A_340 = arith.cmpi sgt, %parallel_loop3A_244, %parallel_loop3A_339 : i32
        %parallel_loop3A_341 = arith.extui %parallel_loop3A_340 : i1 to i32
        %parallel_loop3A_342 = arith.constant 0 : i32
        %parallel_loop3A_343 = arith.cmpi slt, %parallel_loop3A_244, %parallel_loop3A_342 : i32
        %parallel_loop3A_344 = arith.extui %parallel_loop3A_343 : i1 to i32
        %parallel_loop3A_345 = arith.subi %parallel_loop3A_341, %parallel_loop3A_344 : i32
        %parallel_loop3A_346 = arith.constant 0 : i32
        %parallel_loop3A_347 = arith.cmpi sgt, %parallel_loop3A_337, %parallel_loop3A_346 : i32
        %parallel_loop3A_348 = arith.extui %parallel_loop3A_347 : i1 to i32
        %parallel_loop3A_349 = arith.constant 0 : i32
        %parallel_loop3A_350 = arith.cmpi slt, %parallel_loop3A_337, %parallel_loop3A_349 : i32
        %parallel_loop3A_351 = arith.extui %parallel_loop3A_350 : i1 to i32
        %parallel_loop3A_352 = arith.subi %parallel_loop3A_348, %parallel_loop3A_351 : i32
        %parallel_loop3A_353 = arith.cmpi ne, %parallel_loop3A_345, %parallel_loop3A_352 : i32
        %parallel_loop3A_354 = arith.remsi %parallel_loop3A_244, %parallel_loop3A_337 : i32
        %parallel_loop3A_355 = arith.constant 0 : i32
        %parallel_loop3A_356 = arith.cmpi ne, %parallel_loop3A_354, %parallel_loop3A_355 : i32
        %parallel_loop3A_357 = arith.andi %parallel_loop3A_353, %parallel_loop3A_356 : i1
        %parallel_loop3A_358 = arith.constant 1 : i32
        %parallel_loop3A_359 = arith.subi %parallel_loop3A_338, %parallel_loop3A_358 : i32
        %parallel_loop3A_360 = arith.select %parallel_loop3A_357, %parallel_loop3A_359, %parallel_loop3A_338 : i32
        %parallel_loop3A_361 = arith.constant 20 : i32
        %parallel_loop3A_362 = arith.muli %parallel_loop3A_360, %parallel_loop3A_361 : i32
        %parallel_loop3A_363 = arith.subi %parallel_loop3A_244, %parallel_loop3A_362 : i32
        %parallel_loop3A_364 = vector.broadcast %parallel_loop3A_335 : f32 to vector<16xf32>
        %parallel_loop3A_365 = arith.mulf %parallel_loop3A_259, %parallel_loop3A_364 : vector<16xf32>
        %parallel_loop3A_366 = vector.broadcast %parallel_loop3A_336 : f32 to vector<16xf32>
        %parallel_loop3A_367 = arith.subf %parallel_loop3A_365, %parallel_loop3A_366 : vector<16xf32>
        %parallel_loop3A_368 = arith.mulf %parallel_loop3A_367, %get3A_9 : vector<16xf32>
        %parallel_loop3A_369 = arith.addf %parallel_loop3A_368, %get3A_17 : vector<16xf32>
        %parallel_loop3A_370 = arith.constant 0 : i32
        %parallel_loop3A_371 = arith.index_cast %parallel_loop3A_370 : i32 to index
        %parallel_loop3A_372 = arith.index_cast %parallel_loop3A_360 : i32 to index
        %parallel_loop3A_373 = arith.index_cast %parallel_loop3A_363 : i32 to index
        %parallel_loop3A_374 = arith.constant 0 : index
        %parallel_loop3A_375 = tpu.vector_load %arg16[%parallel_loop3A_371, %parallel_loop3A_372, %parallel_loop3A_373, %parallel_loop3A_374] {strides = array<i32>} : memref<2x8x20x64xf32, #tpu.memory_space<vmem>>, vector<16xf32>,
        tpu.vector_store %arg16[%parallel_loop3A_371, %parallel_loop3A_372, %parallel_loop3A_373, %parallel_loop3A_374], %parallel_loop3A_369 {strides = array<i32>} : memref<2x8x20x64xf32, #tpu.memory_space<vmem>>, vector<16xf32>,
        %parallel_loop3A_376 = vector.broadcast %parallel_loop3A_335 : f32 to vector<16xf32>
        %parallel_loop3A_377 = arith.mulf %parallel_loop3A_268, %parallel_loop3A_376 : vector<16xf32>
        %parallel_loop3A_378 = vector.broadcast %parallel_loop3A_336 : f32 to vector<16xf32>
        %parallel_loop3A_379 = arith.subf %parallel_loop3A_377, %parallel_loop3A_378 : vector<16xf32>
        %parallel_loop3A_380 = arith.mulf %parallel_loop3A_379, %get3A_11 : vector<16xf32>
        %parallel_loop3A_381 = arith.addf %parallel_loop3A_380, %get3A_19 : vector<16xf32>
        %parallel_loop3A_382 = arith.constant 0 : i32
        %parallel_loop3A_383 = arith.index_cast %parallel_loop3A_382 : i32 to index
        %parallel_loop3A_384 = arith.index_cast %parallel_loop3A_360 : i32 to index
        %parallel_loop3A_385 = arith.index_cast %parallel_loop3A_363 : i32 to index
        %parallel_loop3A_386 = arith.constant 16 : index
        %parallel_loop3A_387 = tpu.vector_load %arg16[%parallel_loop3A_383, %parallel_loop3A_384, %parallel_loop3A_385, %parallel_loop3A_386] {strides = array<i32>} : memref<2x8x20x64xf32, #tpu.memory_space<vmem>>, vector<16xf32>,
        tpu.vector_store %arg16[%parallel_loop3A_383, %parallel_loop3A_384, %parallel_loop3A_385, %parallel_loop3A_386], %parallel_loop3A_381 {strides = array<i32>} : memref<2x8x20x64xf32, #tpu.memory_space<vmem>>, vector<16xf32>,
        %parallel_loop3A_388 = vector.broadcast %parallel_loop3A_335 : f32 to vector<16xf32>
        %parallel_loop3A_389 = arith.mulf %parallel_loop3A_277, %parallel_loop3A_388 : vector<16xf32>
        %parallel_loop3A_390 = vector.broadcast %parallel_loop3A_336 : f32 to vector<16xf32>
        %parallel_loop3A_391 = arith.subf %parallel_loop3A_389, %parallel_loop3A_390 : vector<16xf32>
        %parallel_loop3A_392 = arith.mulf %parallel_loop3A_391, %get3A_13 : vector<16xf32>
        %parallel_loop3A_393 = arith.addf %parallel_loop3A_392, %get3A_21 : vector<16xf32>
        %parallel_loop3A_394 = arith.constant 0 : i32
        %parallel_loop3A_395 = arith.index_cast %parallel_loop3A_394 : i32 to index
        %parallel_loop3A_396 = arith.index_cast %parallel_loop3A_360 : i32 to index
        %parallel_loop3A_397 = arith.index_cast %parallel_loop3A_363 : i32 to index
        %parallel_loop3A_398 = arith.constant 32 : index
        %parallel_loop3A_399 = tpu.vector_load %arg16[%parallel_loop3A_395, %parallel_loop3A_396, %parallel_loop3A_397, %parallel_loop3A_398] {strides = array<i32>} : memref<2x8x20x64xf32, #tpu.memory_space<vmem>>, vector<16xf32>,
        tpu.vector_store %arg16[%parallel_loop3A_395, %parallel_loop3A_396, %parallel_loop3A_397, %parallel_loop3A_398], %parallel_loop3A_393 {strides = array<i32>} : memref<2x8x20x64xf32, #tpu.memory_space<vmem>>, vector<16xf32>,
        %parallel_loop3A_400 = vector.broadcast %parallel_loop3A_335 : f32 to vector<16xf32>
        %parallel_loop3A_401 = arith.mulf %parallel_loop3A_286, %parallel_loop3A_400 : vector<16xf32>
        %parallel_loop3A_402 = vector.broadcast %parallel_loop3A_336 : f32 to vector<16xf32>
        %parallel_loop3A_403 = arith.subf %parallel_loop3A_401, %parallel_loop3A_402 : vector<16xf32>
        %parallel_loop3A_404 = arith.mulf %parallel_loop3A_403, %get3A_15 : vector<16xf32>
        %parallel_loop3A_405 = arith.addf %parallel_loop3A_404, %get3A_23 : vector<16xf32>
        %parallel_loop3A_406 = arith.constant 0 : i32
        %parallel_loop3A_407 = arith.index_cast %parallel_loop3A_406 : i32 to index
        %parallel_loop3A_408 = arith.index_cast %parallel_loop3A_360 : i32 to index
        %parallel_loop3A_409 = arith.index_cast %parallel_loop3A_363 : i32 to index
        %parallel_loop3A_410 = arith.constant 48 : index
        %parallel_loop3A_411 = tpu.vector_load %arg16[%parallel_loop3A_407, %parallel_loop3A_408, %parallel_loop3A_409, %parallel_loop3A_410] {strides = array<i32>} : memref<2x8x20x64xf32, #tpu.memory_space<vmem>>, vector<16xf32>,
        tpu.vector_store %arg16[%parallel_loop3A_407, %parallel_loop3A_408, %parallel_loop3A_409, %parallel_loop3A_410], %parallel_loop3A_405 {strides = array<i32>} : memref<2x8x20x64xf32, #tpu.memory_space<vmem>>, vector<16xf32>,
      } {sc.loop_unroll_factor = 4 : i64, sc.parallel_access}
      %mul3A_128 = arith.constant 832 : i32
      %mul3A_129 = arith.muli %add3A, %mul3A_128 : i32
      %mul3A_130 = arith.constant 8 : i32
      %mul3A_131 = arith.muli %add3A_96, %mul3A_130 : i32
      %add3A_132 = arith.addi %mul3A_129, %mul3A_131 : i32
      %dma_start3A_133 = arith.constant 0 : i32
      %dma_start3A_134 = arith.constant 0 : i32
      %dma_start3A_135 = arith.constant 0 : i32
      %dma_start3A_136 = arith.constant 0 : i32
      %dma_start3A_137 = tpu.memref_slice %arg16[%dma_start3A_133, %dma_start3A_134, %dma_start3A_135, %dma_start3A_136] : memref<2x8x20x64xf32, #tpu.memory_space<vmem>> -> memref<1x8x20x64xf32, #tpu.memory_space<vmem>>
      %dma_start3A_138 = tpu.memref_squeeze %dma_start3A_137 : memref<1x8x20x64xf32, #tpu.memory_space<vmem>> -> memref<8x20x64xf32, #tpu.memory_space<vmem>>
      %dma_start3A_139 = arith.constant 0 : i32
      %dma_start3A_140 = arith.constant 0 : i32
      %dma_start3A_141 = tpu.memref_slice %arg8[%add3A_132, %dma_start3A_139, %dma_start3A_140] : memref<26624x20x64xf32, #tpu.memory_space<hbm>> -> memref<8x20x64xf32, #tpu.memory_space<hbm>>
      %dma_start3A_142 = arith.constant 0 : i32
      %dma_start3A_143 = arith.constant 0 : i32
      %dma_start3A_144 = tpu.memref_slice %arg8[%add3A_132, %dma_start3A_142, %dma_start3A_143] : memref<26624x20x64xf32, #tpu.memory_space<hbm>> -> memref<8x20x64xf32, #tpu.memory_space<hbm>>
      %dma_start3A_145 = arith.constant 0 : i32
      %dma_start3A_146 = arith.constant 0 : i32
      %dma_start3A_147 = arith.constant 0 : i32
      %dma_start3A_148 = tpu.memref_slice %arg16[%dma_start3A_133, %dma_start3A_145, %dma_start3A_146, %dma_start3A_147] : memref<2x8x20x64xf32, #tpu.memory_space<vmem>> -> memref<1x8x20x64xf32, #tpu.memory_space<vmem>>
      %dma_start3A_149 = tpu.memref_squeeze %dma_start3A_148 : memref<1x8x20x64xf32, #tpu.memory_space<vmem>> -> memref<8x20x64xf32, #tpu.memory_space<vmem>>
      tpu.enqueue_dma source(%dma_start3A_149 : memref<8x20x64xf32, #tpu.memory_space<vmem>>) target(%dma_start3A_144 : memref<8x20x64xf32, #tpu.memory_space<hbm>>) target_semaphore(%arg19 : memref<!tpu.dma_semaphore, #tpu.memory_space<semaphore_mem>>)
      %ge3A = arith.constant 1 : i32
      %ge3A_150 = arith.cmpi sge, %scan3A_91, %ge3A : i32
      %convert_element_type3A = arith.extui %ge3A_150 : i1 to i32
      %cond3A = arith.constant 0 : i32
      %cond3A_151 = arith.cmpi ne, %convert_element_type3A, %cond3A : i32
      scf.if %cond3A_151 {
        %sub3A = arith.constant 1 : i32
        %sub3A_244 = arith.subi %add3A_96, %sub3A : i32
        %mul3A_245 = arith.constant 832 : i32
        %mul3A_246 = arith.muli %add3A, %mul3A_245 : i32
        %mul3A_247 = arith.constant 8 : i32
        %mul3A_248 = arith.muli %sub3A_244, %mul3A_247 : i32
        %add3A_249 = arith.addi %mul3A_246, %mul3A_248 : i32
        %dma_wait3A_250 = arith.constant 1 : i32
        %dma_wait3A_251 = arith.constant 0 : i32
        %dma_wait3A_252 = arith.constant 0 : i32
        %dma_wait3A_253 = arith.constant 0 : i32
        %dma_wait3A_254 = tpu.memref_slice %arg16[%dma_wait3A_250, %dma_wait3A_251, %dma_wait3A_252, %dma_wait3A_253] : memref<2x8x20x64xf32, #tpu.memory_space<vmem>> -> memref<1x8x20x64xf32, #tpu.memory_space<vmem>>
        %dma_wait3A_255 = tpu.memref_squeeze %dma_wait3A_254 : memref<1x8x20x64xf32, #tpu.memory_space<vmem>> -> memref<8x20x64xf32, #tpu.memory_space<vmem>>
        %dma_wait3A_256 = arith.constant 0 : i32
        %dma_wait3A_257 = arith.constant 0 : i32
        %dma_wait3A_258 = tpu.memref_slice %arg8[%add3A_249, %dma_wait3A_256, %dma_wait3A_257] : memref<26624x20x64xf32, #tpu.memory_space<hbm>> -> memref<8x20x64xf32, #tpu.memory_space<hbm>>
        %dma_wait3A_259 = arith.constant 0 : i32
        %dma_wait3A_260 = arith.constant 0 : i32
        %dma_wait3A_261 = tpu.memref_slice %arg8[%add3A_249, %dma_wait3A_259, %dma_wait3A_260] : memref<26624x20x64xf32, #tpu.memory_space<hbm>> -> memref<8x20x64xf32, #tpu.memory_space<hbm>>
        %dma_wait3A_262 = arith.constant 0 : i32
        %dma_wait3A_263 = arith.constant 0 : i32
        %dma_wait3A_264 = arith.constant 0 : i32
        %dma_wait3A_265 = tpu.memref_slice %arg16[%dma_wait3A_250, %dma_wait3A_262, %dma_wait3A_263, %dma_wait3A_264] : memref<2x8x20x64xf32, #tpu.memory_space<vmem>> -> memref<1x8x20x64xf32, #tpu.memory_space<vmem>>
        %dma_wait3A_266 = tpu.memref_squeeze %dma_wait3A_265 : memref<1x8x20x64xf32, #tpu.memory_space<vmem>> -> memref<8x20x64xf32, #tpu.memory_space<vmem>>
        tpu.wait_dma2 semaphore(%arg20 : memref<!tpu.dma_semaphore, #tpu.memory_space<semaphore_mem>>) src(%dma_wait3A_266 : memref<8x20x64xf32, #tpu.memory_space<vmem>>) dst(%dma_wait3A_261 : memref<8x20x64xf32, #tpu.memory_space<hbm>>)
      } else {
      }
      %add3A_152 = arith.constant 1 : i32
      %add3A_153 = arith.addi %add3A_96, %add3A_152 : i32
      %mul3A_154 = arith.constant 160 : i32
      %mul3A_155 = arith.muli %add3A_153, %mul3A_154 : i32
      %add3A_156 = arith.constant 0 : i32
      %add3A_157 = arith.addi %mul3A_155, %add3A_156 : i32
      %dma_start3A_158 = arith.constant 1 : i32
      %dma_start3A_159 = arith.constant 0 : i32
      %dma_start3A_160 = arith.constant 0 : i32
      %dma_start3A_161 = tpu.memref_slice %arg15[%dma_start3A_158, %dma_start3A_159, %dma_start3A_160] : memref<2x160x64xf32, #tpu.memory_space<vmem>> -> memref<1x80x64xf32, #tpu.memory_space<vmem>>
      %dma_start3A_162 = tpu.memref_squeeze %dma_start3A_161 : memref<1x80x64xf32, #tpu.memory_space<vmem>> -> memref<80x64xf32, #tpu.memory_space<vmem>>
      %dma_start3A_163 = tpu.memref_slice %arg9[%add3A_157] : memref<16640xi32, #tpu.memory_space<vmem>> -> memref<80xi32, #tpu.memory_space<vmem>>
      %dma_start3A_164 = arith.constant 0 : i32
      %dma_start3A_165 = arith.constant 0 : i32
      %dma_start3A_166 = tpu.memref_slice %arg3[%dma_start3A_164, %dma_start3A_165] : memref<8192x64xf32, #tpu.memory_space<hbm>> -> memref<8192x64xf32, #tpu.memory_space<hbm>>
      tpu.enqueue_indirect_dma source(%dma_start3A_166 : memref<8192x64xf32, #tpu.memory_space<hbm>>) target(%dma_start3A_162 : memref<80x64xf32, #tpu.memory_space<vmem>>) offsets(%dma_start3A_163 : memref<80xi32, #tpu.memory_space<vmem>>) semaphore(%arg18 : memref<!tpu.dma_semaphore, #tpu.memory_space<semaphore_mem>>)
      %mul3A_167 = arith.constant 160 : i32
      %mul3A_168 = arith.muli %add3A_153, %mul3A_167 : i32
      %add3A_169 = arith.constant 80 : i32
      %add3A_170 = arith.addi %mul3A_168, %add3A_169 : i32
      %dma_start3A_171 = arith.constant 1 : i32
      %dma_start3A_172 = arith.constant 80 : i32
      %dma_start3A_173 = arith.constant 0 : i32
      %dma_start3A_174 = tpu.memref_slice %arg15[%dma_start3A_171, %dma_start3A_172, %dma_start3A_173] : memref<2x160x64xf32, #tpu.memory_space<vmem>> -> memref<1x80x64xf32, #tpu.memory_space<vmem>>
      %dma_start3A_175 = tpu.memref_squeeze %dma_start3A_174 : memref<1x80x64xf32, #tpu.memory_space<vmem>> -> memref<80x64xf32, #tpu.memory_space<vmem>>
      %dma_start3A_176 = tpu.memref_slice %arg9[%add3A_170] : memref<16640xi32, #tpu.memory_space<vmem>> -> memref<80xi32, #tpu.memory_space<vmem>>
      %dma_start3A_177 = arith.constant 0 : i32
      %dma_start3A_178 = arith.constant 0 : i32
      %dma_start3A_179 = tpu.memref_slice %arg3[%dma_start3A_177, %dma_start3A_178] : memref<8192x64xf32, #tpu.memory_space<hbm>> -> memref<8192x64xf32, #tpu.memory_space<hbm>>
      tpu.enqueue_indirect_dma source(%dma_start3A_179 : memref<8192x64xf32, #tpu.memory_space<hbm>>) target(%dma_start3A_175 : memref<80x64xf32, #tpu.memory_space<vmem>>) offsets(%dma_start3A_176 : memref<80xi32, #tpu.memory_space<vmem>>) semaphore(%arg18 : memref<!tpu.dma_semaphore, #tpu.memory_space<semaphore_mem>>)
      %mul3A_180 = arith.constant 2 : i32
      %mul3A_181 = arith.muli %scan3A_91, %mul3A_180 : i32
      %add3A_182 = arith.constant 1 : i32
      %add3A_183 = arith.addi %mul3A_181, %add3A_182 : i32
      %mul3A_184 = arith.constant 160 : i32
      %mul3A_185 = arith.muli %add3A_183, %mul3A_184 : i32
      %add3A_186 = arith.constant 0 : i32
      %add3A_187 = arith.addi %mul3A_185, %add3A_186 : i32
      %dma_wait3A_188 = arith.constant 1 : i32
      %dma_wait3A_189 = arith.constant 0 : i32
      %dma_wait3A_190 = arith.constant 0 : i32
      %dma_wait3A_191 = tpu.memref_slice %arg15[%dma_wait3A_188, %dma_wait3A_189, %dma_wait3A_190] : memref<2x160x64xf32, #tpu.memory_space<vmem>> -> memref<1x80x64xf32, #tpu.memory_space<vmem>>
      %dma_wait3A_192 = tpu.memref_squeeze %dma_wait3A_191 : memref<1x80x64xf32, #tpu.memory_space<vmem>> -> memref<80x64xf32, #tpu.memory_space<vmem>>
      %dma_wait3A_193 = tpu.memref_slice %arg9[%add3A_187] : memref<16640xi32, #tpu.memory_space<vmem>> -> memref<80xi32, #tpu.memory_space<vmem>>
      %dma_wait3A_194 = arith.constant 0 : i32
      %dma_wait3A_195 = arith.constant 0 : i32
      %dma_wait3A_196 = tpu.memref_slice %arg3[%dma_wait3A_194, %dma_wait3A_195] : memref<8192x64xf32, #tpu.memory_space<hbm>> -> memref<8192x64xf32, #tpu.memory_space<hbm>>
      tpu.wait_indirect_dma semaphore(%arg18 : memref<!tpu.dma_semaphore, #tpu.memory_space<semaphore_mem>>) src(%dma_wait3A_196 : memref<8192x64xf32, #tpu.memory_space<hbm>>) dst(%dma_wait3A_192 : memref<80x64xf32, #tpu.memory_space<vmem>>)
      %mul3A_197 = arith.constant 160 : i32
      %mul3A_198 = arith.muli %add3A_183, %mul3A_197 : i32
      %add3A_199 = arith.constant 80 : i32
      %add3A_200 = arith.addi %mul3A_198, %add3A_199 : i32
      %dma_wait3A_201 = arith.constant 1 : i32
      %dma_wait3A_202 = arith.constant 80 : i32
      %dma_wait3A_203 = arith.constant 0 : i32
      %dma_wait3A_204 = tpu.memref_slice %arg15[%dma_wait3A_201, %dma_wait3A_202, %dma_wait3A_203] : memref<2x160x64xf32, #tpu.memory_space<vmem>> -> memref<1x80x64xf32, #tpu.memory_space<vmem>>
      %dma_wait3A_205 = tpu.memref_squeeze %dma_wait3A_204 : memref<1x80x64xf32, #tpu.memory_space<vmem>> -> memref<80x64xf32, #tpu.memory_space<vmem>>
      %dma_wait3A_206 = tpu.memref_slice %arg9[%add3A_200] : memref<16640xi32, #tpu.memory_space<vmem>> -> memref<80xi32, #tpu.memory_space<vmem>>
      %dma_wait3A_207 = arith.constant 0 : i32
      %dma_wait3A_208 = arith.constant 0 : i32
      %dma_wait3A_209 = tpu.memref_slice %arg3[%dma_wait3A_207, %dma_wait3A_208] : memref<8192x64xf32, #tpu.memory_space<hbm>> -> memref<8192x64xf32, #tpu.memory_space<hbm>>
      tpu.wait_indirect_dma semaphore(%arg18 : memref<!tpu.dma_semaphore, #tpu.memory_space<semaphore_mem>>) src(%dma_wait3A_209 : memref<8192x64xf32, #tpu.memory_space<hbm>>) dst(%dma_wait3A_205 : memref<80x64xf32, #tpu.memory_space<vmem>>)
      %mul3A_210 = arith.constant 160 : i32
      %mul3A_211 = arith.muli %add3A_183, %mul3A_210 : i32
      %rem3A_212 = arith.constant 520 : i32
      %rem3A_213 = arith.remsi %mul3A_211, %rem3A_212 : i32
      %parallel_loop3A_214 = arith.constant 0 : i32
      %parallel_loop3A_215 = arith.constant 160 : i32
      %parallel_loop3A_216 = arith.constant 1 : i32
      scf.for %parallel_loop3A_244 = %parallel_loop3A_214 to %parallel_loop3A_215 step %parallel_loop3A_216  : i32 {
        %parallel_loop3A_245 = arith.addi %rem3A_213, %parallel_loop3A_244 : i32
        %parallel_loop3A_246 = arith.constant 520 : i32
        %parallel_loop3A_247 = arith.cmpi sge, %parallel_loop3A_245, %parallel_loop3A_246 : i32
        %parallel_loop3A_248 = arith.constant 520 : i32
        %parallel_loop3A_249 = arith.subi %parallel_loop3A_245, %parallel_loop3A_248 : i32
        %parallel_loop3A_250 = arith.select %parallel_loop3A_247, %parallel_loop3A_249, %parallel_loop3A_245 : i32
        %parallel_loop3A_251 = arith.constant 1 : i32
        %parallel_loop3A_252 = arith.index_cast %parallel_loop3A_251 : i32 to index
        %parallel_loop3A_253 = arith.index_cast %parallel_loop3A_244 : i32 to index
        %parallel_loop3A_254 = arith.constant 0 : index
        %parallel_loop3A_255 = tpu.vector_load %arg15[%parallel_loop3A_252, %parallel_loop3A_253, %parallel_loop3A_254] {strides = array<i32>} : memref<2x160x64xf32, #tpu.memory_space<vmem>>, vector<16xf32>,
        %parallel_loop3A_256 = arith.index_cast %parallel_loop3A_250 : i32 to index
        %parallel_loop3A_257 = arith.constant 0 : index
        %parallel_loop3A_258 = tpu.vector_load %arg12[%parallel_loop3A_256, %parallel_loop3A_257] {strides = array<i32>} : memref<520x64xf32, #tpu.memory_space<vmem>>, vector<16xf32>,
        %parallel_loop3A_259 = arith.addf %parallel_loop3A_255, %parallel_loop3A_258 : vector<16xf32>
        %parallel_loop3A_260 = arith.constant 1 : i32
        %parallel_loop3A_261 = arith.index_cast %parallel_loop3A_260 : i32 to index
        %parallel_loop3A_262 = arith.index_cast %parallel_loop3A_244 : i32 to index
        %parallel_loop3A_263 = arith.constant 16 : index
        %parallel_loop3A_264 = tpu.vector_load %arg15[%parallel_loop3A_261, %parallel_loop3A_262, %parallel_loop3A_263] {strides = array<i32>} : memref<2x160x64xf32, #tpu.memory_space<vmem>>, vector<16xf32>,
        %parallel_loop3A_265 = arith.index_cast %parallel_loop3A_250 : i32 to index
        %parallel_loop3A_266 = arith.constant 16 : index
        %parallel_loop3A_267 = tpu.vector_load %arg12[%parallel_loop3A_265, %parallel_loop3A_266] {strides = array<i32>} : memref<520x64xf32, #tpu.memory_space<vmem>>, vector<16xf32>,
        %parallel_loop3A_268 = arith.addf %parallel_loop3A_264, %parallel_loop3A_267 : vector<16xf32>
        %parallel_loop3A_269 = arith.constant 1 : i32
        %parallel_loop3A_270 = arith.index_cast %parallel_loop3A_269 : i32 to index
        %parallel_loop3A_271 = arith.index_cast %parallel_loop3A_244 : i32 to index
        %parallel_loop3A_272 = arith.constant 32 : index
        %parallel_loop3A_273 = tpu.vector_load %arg15[%parallel_loop3A_270, %parallel_loop3A_271, %parallel_loop3A_272] {strides = array<i32>} : memref<2x160x64xf32, #tpu.memory_space<vmem>>, vector<16xf32>,
        %parallel_loop3A_274 = arith.index_cast %parallel_loop3A_250 : i32 to index
        %parallel_loop3A_275 = arith.constant 32 : index
        %parallel_loop3A_276 = tpu.vector_load %arg12[%parallel_loop3A_274, %parallel_loop3A_275] {strides = array<i32>} : memref<520x64xf32, #tpu.memory_space<vmem>>, vector<16xf32>,
        %parallel_loop3A_277 = arith.addf %parallel_loop3A_273, %parallel_loop3A_276 : vector<16xf32>
        %parallel_loop3A_278 = arith.constant 1 : i32
        %parallel_loop3A_279 = arith.index_cast %parallel_loop3A_278 : i32 to index
        %parallel_loop3A_280 = arith.index_cast %parallel_loop3A_244 : i32 to index
        %parallel_loop3A_281 = arith.constant 48 : index
        %parallel_loop3A_282 = tpu.vector_load %arg15[%parallel_loop3A_279, %parallel_loop3A_280, %parallel_loop3A_281] {strides = array<i32>} : memref<2x160x64xf32, #tpu.memory_space<vmem>>, vector<16xf32>,
        %parallel_loop3A_283 = arith.index_cast %parallel_loop3A_250 : i32 to index
        %parallel_loop3A_284 = arith.constant 48 : index
        %parallel_loop3A_285 = tpu.vector_load %arg12[%parallel_loop3A_283, %parallel_loop3A_284] {strides = array<i32>} : memref<520x64xf32, #tpu.memory_space<vmem>>, vector<16xf32>,
        %parallel_loop3A_286 = arith.addf %parallel_loop3A_282, %parallel_loop3A_285 : vector<16xf32>
        %parallel_loop3A_287 = arith.addf %parallel_loop3A_259, %parallel_loop3A_268 : vector<16xf32>
        %parallel_loop3A_288 = arith.addf %parallel_loop3A_277, %parallel_loop3A_286 : vector<16xf32>
        %parallel_loop3A_289 = arith.addf %parallel_loop3A_287, %parallel_loop3A_288 : vector<16xf32>
        %parallel_loop3A_290 = arith.mulf %parallel_loop3A_259, %parallel_loop3A_259 : vector<16xf32>
        %parallel_loop3A_291 = arith.mulf %parallel_loop3A_268, %parallel_loop3A_268 : vector<16xf32>
        %parallel_loop3A_292 = arith.addf %parallel_loop3A_290, %parallel_loop3A_291 : vector<16xf32>
        %parallel_loop3A_293 = arith.mulf %parallel_loop3A_277, %parallel_loop3A_277 : vector<16xf32>
        %parallel_loop3A_294 = arith.mulf %parallel_loop3A_286, %parallel_loop3A_286 : vector<16xf32>
        %parallel_loop3A_295 = arith.addf %parallel_loop3A_293, %parallel_loop3A_294 : vector<16xf32>
        %parallel_loop3A_296 = arith.addf %parallel_loop3A_292, %parallel_loop3A_295 : vector<16xf32>
        %parallel_loop3A_297 = arith.constant true
        %parallel_loop3A_298 = vector.broadcast %parallel_loop3A_297 : i1 to vector<16xi1>
        %parallel_loop3A_299 = tpu.scan <sum>, %parallel_loop3A_289 masked %parallel_loop3A_298 : vector<16xf32>, vector<16xi1> -> vector<16xf32>
        %parallel_loop3A_300 = vector.extract %parallel_loop3A_299[15] : f32 from vector<16xf32>
        %parallel_loop3A_301 = arith.constant true
        %parallel_loop3A_302 = vector.broadcast %parallel_loop3A_301 : i1 to vector<16xi1>
        %parallel_loop3A_303 = tpu.scan <sum>, %parallel_loop3A_296 masked %parallel_loop3A_302 : vector<16xf32>, vector<16xi1> -> vector<16xf32>
        %parallel_loop3A_304 = vector.extract %parallel_loop3A_303[15] : f32 from vector<16xf32>
        %parallel_loop3A_305 = arith.constant 1.562500e-02 : f32
        %parallel_loop3A_306 = arith.mulf %parallel_loop3A_300, %parallel_loop3A_305 : f32
        %parallel_loop3A_307 = arith.constant 1.562500e-02 : f32
        %parallel_loop3A_308 = arith.mulf %parallel_loop3A_304, %parallel_loop3A_307 : f32
        %parallel_loop3A_309 = arith.mulf %parallel_loop3A_306, %parallel_loop3A_306 : f32
        %parallel_loop3A_310 = arith.subf %parallel_loop3A_308, %parallel_loop3A_309 : f32
        %parallel_loop3A_311 = arith.constant 9.99999974E-6 : f32
        %parallel_loop3A_312 = arith.addf %parallel_loop3A_310, %parallel_loop3A_311 : f32
        %parallel_loop3A_313 = arith.bitcast %parallel_loop3A_312 : f32 to i32
        %parallel_loop3A_314 = arith.constant 1 : i32
        %parallel_loop3A_315 = arith.shrui %parallel_loop3A_313, %parallel_loop3A_314 : i32
        %parallel_loop3A_316 = arith.constant 1597463007 : i32
        %parallel_loop3A_317 = arith.subi %parallel_loop3A_316, %parallel_loop3A_315 : i32
        %parallel_loop3A_318 = arith.bitcast %parallel_loop3A_317 : i32 to f32
        %parallel_loop3A_319 = arith.constant 5.000000e-01 : f32
        %parallel_loop3A_320 = arith.mulf %parallel_loop3A_312, %parallel_loop3A_319 : f32
        %parallel_loop3A_321 = arith.mulf %parallel_loop3A_320, %parallel_loop3A_318 : f32
        %parallel_loop3A_322 = arith.mulf %parallel_loop3A_321, %parallel_loop3A_318 : f32
        %parallel_loop3A_323 = arith.constant 1.500000e+00 : f32
        %parallel_loop3A_324 = arith.subf %parallel_loop3A_323, %parallel_loop3A_322 : f32
        %parallel_loop3A_325 = arith.mulf %parallel_loop3A_318, %parallel_loop3A_324 : f32
        %parallel_loop3A_326 = arith.mulf %parallel_loop3A_320, %parallel_loop3A_325 : f32
        %parallel_loop3A_327 = arith.mulf %parallel_loop3A_326, %parallel_loop3A_325 : f32
        %parallel_loop3A_328 = arith.constant 1.500000e+00 : f32
        %parallel_loop3A_329 = arith.subf %parallel_loop3A_328, %parallel_loop3A_327 : f32
        %parallel_loop3A_330 = arith.mulf %parallel_loop3A_325, %parallel_loop3A_329 : f32
        %parallel_loop3A_331 = arith.mulf %parallel_loop3A_320, %parallel_loop3A_330 : f32
        %parallel_loop3A_332 = arith.mulf %parallel_loop3A_331, %parallel_loop3A_330 : f32
        %parallel_loop3A_333 = arith.constant 1.500000e+00 : f32
        %parallel_loop3A_334 = arith.subf %parallel_loop3A_333, %parallel_loop3A_332 : f32
        %parallel_loop3A_335 = arith.mulf %parallel_loop3A_330, %parallel_loop3A_334 : f32
        %parallel_loop3A_336 = arith.mulf %parallel_loop3A_306, %parallel_loop3A_335 : f32
        %parallel_loop3A_337 = arith.constant 20 : i32
        %parallel_loop3A_338 = arith.divsi %parallel_loop3A_244, %parallel_loop3A_337 : i32
        %parallel_loop3A_339 = arith.constant 0 : i32
        %parallel_loop3A_340 = arith.cmpi sgt, %parallel_loop3A_244, %parallel_loop3A_339 : i32
        %parallel_loop3A_341 = arith.extui %parallel_loop3A_340 : i1 to i32
        %parallel_loop3A_342 = arith.constant 0 : i32
        %parallel_loop3A_343 = arith.cmpi slt, %parallel_loop3A_244, %parallel_loop3A_342 : i32
        %parallel_loop3A_344 = arith.extui %parallel_loop3A_343 : i1 to i32
        %parallel_loop3A_345 = arith.subi %parallel_loop3A_341, %parallel_loop3A_344 : i32
        %parallel_loop3A_346 = arith.constant 0 : i32
        %parallel_loop3A_347 = arith.cmpi sgt, %parallel_loop3A_337, %parallel_loop3A_346 : i32
        %parallel_loop3A_348 = arith.extui %parallel_loop3A_347 : i1 to i32
        %parallel_loop3A_349 = arith.constant 0 : i32
        %parallel_loop3A_350 = arith.cmpi slt, %parallel_loop3A_337, %parallel_loop3A_349 : i32
        %parallel_loop3A_351 = arith.extui %parallel_loop3A_350 : i1 to i32
        %parallel_loop3A_352 = arith.subi %parallel_loop3A_348, %parallel_loop3A_351 : i32
        %parallel_loop3A_353 = arith.cmpi ne, %parallel_loop3A_345, %parallel_loop3A_352 : i32
        %parallel_loop3A_354 = arith.remsi %parallel_loop3A_244, %parallel_loop3A_337 : i32
        %parallel_loop3A_355 = arith.constant 0 : i32
        %parallel_loop3A_356 = arith.cmpi ne, %parallel_loop3A_354, %parallel_loop3A_355 : i32
        %parallel_loop3A_357 = arith.andi %parallel_loop3A_353, %parallel_loop3A_356 : i1
        %parallel_loop3A_358 = arith.constant 1 : i32
        %parallel_loop3A_359 = arith.subi %parallel_loop3A_338, %parallel_loop3A_358 : i32
        %parallel_loop3A_360 = arith.select %parallel_loop3A_357, %parallel_loop3A_359, %parallel_loop3A_338 : i32
        %parallel_loop3A_361 = arith.constant 20 : i32
        %parallel_loop3A_362 = arith.muli %parallel_loop3A_360, %parallel_loop3A_361 : i32
        %parallel_loop3A_363 = arith.subi %parallel_loop3A_244, %parallel_loop3A_362 : i32
        %parallel_loop3A_364 = vector.broadcast %parallel_loop3A_335 : f32 to vector<16xf32>
        %parallel_loop3A_365 = arith.mulf %parallel_loop3A_259, %parallel_loop3A_364 : vector<16xf32>
        %parallel_loop3A_366 = vector.broadcast %parallel_loop3A_336 : f32 to vector<16xf32>
        %parallel_loop3A_367 = arith.subf %parallel_loop3A_365, %parallel_loop3A_366 : vector<16xf32>
        %parallel_loop3A_368 = arith.mulf %parallel_loop3A_367, %get3A_9 : vector<16xf32>
        %parallel_loop3A_369 = arith.addf %parallel_loop3A_368, %get3A_17 : vector<16xf32>
        %parallel_loop3A_370 = arith.constant 1 : i32
        %parallel_loop3A_371 = arith.index_cast %parallel_loop3A_370 : i32 to index
        %parallel_loop3A_372 = arith.index_cast %parallel_loop3A_360 : i32 to index
        %parallel_loop3A_373 = arith.index_cast %parallel_loop3A_363 : i32 to index
        %parallel_loop3A_374 = arith.constant 0 : index
        %parallel_loop3A_375 = tpu.vector_load %arg16[%parallel_loop3A_371, %parallel_loop3A_372, %parallel_loop3A_373, %parallel_loop3A_374] {strides = array<i32>} : memref<2x8x20x64xf32, #tpu.memory_space<vmem>>, vector<16xf32>,
        tpu.vector_store %arg16[%parallel_loop3A_371, %parallel_loop3A_372, %parallel_loop3A_373, %parallel_loop3A_374], %parallel_loop3A_369 {strides = array<i32>} : memref<2x8x20x64xf32, #tpu.memory_space<vmem>>, vector<16xf32>,
        %parallel_loop3A_376 = vector.broadcast %parallel_loop3A_335 : f32 to vector<16xf32>
        %parallel_loop3A_377 = arith.mulf %parallel_loop3A_268, %parallel_loop3A_376 : vector<16xf32>
        %parallel_loop3A_378 = vector.broadcast %parallel_loop3A_336 : f32 to vector<16xf32>
        %parallel_loop3A_379 = arith.subf %parallel_loop3A_377, %parallel_loop3A_378 : vector<16xf32>
        %parallel_loop3A_380 = arith.mulf %parallel_loop3A_379, %get3A_11 : vector<16xf32>
        %parallel_loop3A_381 = arith.addf %parallel_loop3A_380, %get3A_19 : vector<16xf32>
        %parallel_loop3A_382 = arith.constant 1 : i32
        %parallel_loop3A_383 = arith.index_cast %parallel_loop3A_382 : i32 to index
        %parallel_loop3A_384 = arith.index_cast %parallel_loop3A_360 : i32 to index
        %parallel_loop3A_385 = arith.index_cast %parallel_loop3A_363 : i32 to index
        %parallel_loop3A_386 = arith.constant 16 : index
        %parallel_loop3A_387 = tpu.vector_load %arg16[%parallel_loop3A_383, %parallel_loop3A_384, %parallel_loop3A_385, %parallel_loop3A_386] {strides = array<i32>} : memref<2x8x20x64xf32, #tpu.memory_space<vmem>>, vector<16xf32>,
        tpu.vector_store %arg16[%parallel_loop3A_383, %parallel_loop3A_384, %parallel_loop3A_385, %parallel_loop3A_386], %parallel_loop3A_381 {strides = array<i32>} : memref<2x8x20x64xf32, #tpu.memory_space<vmem>>, vector<16xf32>,
        %parallel_loop3A_388 = vector.broadcast %parallel_loop3A_335 : f32 to vector<16xf32>
        %parallel_loop3A_389 = arith.mulf %parallel_loop3A_277, %parallel_loop3A_388 : vector<16xf32>
        %parallel_loop3A_390 = vector.broadcast %parallel_loop3A_336 : f32 to vector<16xf32>
        %parallel_loop3A_391 = arith.subf %parallel_loop3A_389, %parallel_loop3A_390 : vector<16xf32>
        %parallel_loop3A_392 = arith.mulf %parallel_loop3A_391, %get3A_13 : vector<16xf32>
        %parallel_loop3A_393 = arith.addf %parallel_loop3A_392, %get3A_21 : vector<16xf32>
        %parallel_loop3A_394 = arith.constant 1 : i32
        %parallel_loop3A_395 = arith.index_cast %parallel_loop3A_394 : i32 to index
        %parallel_loop3A_396 = arith.index_cast %parallel_loop3A_360 : i32 to index
        %parallel_loop3A_397 = arith.index_cast %parallel_loop3A_363 : i32 to index
        %parallel_loop3A_398 = arith.constant 32 : index
        %parallel_loop3A_399 = tpu.vector_load %arg16[%parallel_loop3A_395, %parallel_loop3A_396, %parallel_loop3A_397, %parallel_loop3A_398] {strides = array<i32>} : memref<2x8x20x64xf32, #tpu.memory_space<vmem>>, vector<16xf32>,
        tpu.vector_store %arg16[%parallel_loop3A_395, %parallel_loop3A_396, %parallel_loop3A_397, %parallel_loop3A_398], %parallel_loop3A_393 {strides = array<i32>} : memref<2x8x20x64xf32, #tpu.memory_space<vmem>>, vector<16xf32>,
        %parallel_loop3A_400 = vector.broadcast %parallel_loop3A_335 : f32 to vector<16xf32>
        %parallel_loop3A_401 = arith.mulf %parallel_loop3A_286, %parallel_loop3A_400 : vector<16xf32>
        %parallel_loop3A_402 = vector.broadcast %parallel_loop3A_336 : f32 to vector<16xf32>
        %parallel_loop3A_403 = arith.subf %parallel_loop3A_401, %parallel_loop3A_402 : vector<16xf32>
        %parallel_loop3A_404 = arith.mulf %parallel_loop3A_403, %get3A_15 : vector<16xf32>
        %parallel_loop3A_405 = arith.addf %parallel_loop3A_404, %get3A_23 : vector<16xf32>
        %parallel_loop3A_406 = arith.constant 1 : i32
        %parallel_loop3A_407 = arith.index_cast %parallel_loop3A_406 : i32 to index
        %parallel_loop3A_408 = arith.index_cast %parallel_loop3A_360 : i32 to index
        %parallel_loop3A_409 = arith.index_cast %parallel_loop3A_363 : i32 to index
        %parallel_loop3A_410 = arith.constant 48 : index
        %parallel_loop3A_411 = tpu.vector_load %arg16[%parallel_loop3A_407, %parallel_loop3A_408, %parallel_loop3A_409, %parallel_loop3A_410] {strides = array<i32>} : memref<2x8x20x64xf32, #tpu.memory_space<vmem>>, vector<16xf32>,
        tpu.vector_store %arg16[%parallel_loop3A_407, %parallel_loop3A_408, %parallel_loop3A_409, %parallel_loop3A_410], %parallel_loop3A_405 {strides = array<i32>} : memref<2x8x20x64xf32, #tpu.memory_space<vmem>>, vector<16xf32>,
      } {sc.loop_unroll_factor = 4 : i64, sc.parallel_access}
      %mul3A_217 = arith.constant 832 : i32
      %mul3A_218 = arith.muli %add3A, %mul3A_217 : i32
      %mul3A_219 = arith.constant 8 : i32
      %mul3A_220 = arith.muli %add3A_183, %mul3A_219 : i32
      %add3A_221 = arith.addi %mul3A_218, %mul3A_220 : i32
      %dma_start3A_222 = arith.constant 1 : i32
      %dma_start3A_223 = arith.constant 0 : i32
      %dma_start3A_224 = arith.constant 0 : i32
      %dma_start3A_225 = arith.constant 0 : i32
      %dma_start3A_226 = tpu.memref_slice %arg16[%dma_start3A_222, %dma_start3A_223, %dma_start3A_224, %dma_start3A_225] : memref<2x8x20x64xf32, #tpu.memory_space<vmem>> -> memref<1x8x20x64xf32, #tpu.memory_space<vmem>>
      %dma_start3A_227 = tpu.memref_squeeze %dma_start3A_226 : memref<1x8x20x64xf32, #tpu.memory_space<vmem>> -> memref<8x20x64xf32, #tpu.memory_space<vmem>>
      %dma_start3A_228 = arith.constant 0 : i32
      %dma_start3A_229 = arith.constant 0 : i32
      %dma_start3A_230 = tpu.memref_slice %arg8[%add3A_221, %dma_start3A_228, %dma_start3A_229] : memref<26624x20x64xf32, #tpu.memory_space<hbm>> -> memref<8x20x64xf32, #tpu.memory_space<hbm>>
      %dma_start3A_231 = arith.constant 0 : i32
      %dma_start3A_232 = arith.constant 0 : i32
      %dma_start3A_233 = tpu.memref_slice %arg8[%add3A_221, %dma_start3A_231, %dma_start3A_232] : memref<26624x20x64xf32, #tpu.memory_space<hbm>> -> memref<8x20x64xf32, #tpu.memory_space<hbm>>
      %dma_start3A_234 = arith.constant 0 : i32
      %dma_start3A_235 = arith.constant 0 : i32
      %dma_start3A_236 = arith.constant 0 : i32
      %dma_start3A_237 = tpu.memref_slice %arg16[%dma_start3A_222, %dma_start3A_234, %dma_start3A_235, %dma_start3A_236] : memref<2x8x20x64xf32, #tpu.memory_space<vmem>> -> memref<1x8x20x64xf32, #tpu.memory_space<vmem>>
      %dma_start3A_238 = tpu.memref_squeeze %dma_start3A_237 : memref<1x8x20x64xf32, #tpu.memory_space<vmem>> -> memref<8x20x64xf32, #tpu.memory_space<vmem>>
      tpu.enqueue_dma source(%dma_start3A_238 : memref<8x20x64xf32, #tpu.memory_space<vmem>>) target(%dma_start3A_233 : memref<8x20x64xf32, #tpu.memory_space<hbm>>) target_semaphore(%arg20 : memref<!tpu.dma_semaphore, #tpu.memory_space<semaphore_mem>>)
      %lt3A = arith.constant 51 : i32
      %lt3A_239 = arith.cmpi slt, %scan3A_91, %lt3A : i32
      %convert_element_type3A_240 = arith.extui %lt3A_239 : i1 to i32
      %cond3A_241 = arith.constant 0 : i32
      %cond3A_242 = arith.cmpi ne, %convert_element_type3A_240, %cond3A_241 : i32
      scf.if %cond3A_242 {
        %sub3A = arith.constant 1 : i32
        %sub3A_244 = arith.subi %add3A_183, %sub3A : i32
        %mul3A_245 = arith.constant 832 : i32
        %mul3A_246 = arith.muli %add3A, %mul3A_245 : i32
        %mul3A_247 = arith.constant 8 : i32
        %mul3A_248 = arith.muli %sub3A_244, %mul3A_247 : i32
        %add3A_249 = arith.addi %mul3A_246, %mul3A_248 : i32
        %dma_wait3A_250 = arith.constant 0 : i32
        %dma_wait3A_251 = arith.constant 0 : i32
        %dma_wait3A_252 = arith.constant 0 : i32
        %dma_wait3A_253 = arith.constant 0 : i32
        %dma_wait3A_254 = tpu.memref_slice %arg16[%dma_wait3A_250, %dma_wait3A_251, %dma_wait3A_252, %dma_wait3A_253] : memref<2x8x20x64xf32, #tpu.memory_space<vmem>> -> memref<1x8x20x64xf32, #tpu.memory_space<vmem>>
        %dma_wait3A_255 = tpu.memref_squeeze %dma_wait3A_254 : memref<1x8x20x64xf32, #tpu.memory_space<vmem>> -> memref<8x20x64xf32, #tpu.memory_space<vmem>>
        %dma_wait3A_256 = arith.constant 0 : i32
        %dma_wait3A_257 = arith.constant 0 : i32
        %dma_wait3A_258 = tpu.memref_slice %arg8[%add3A_249, %dma_wait3A_256, %dma_wait3A_257] : memref<26624x20x64xf32, #tpu.memory_space<hbm>> -> memref<8x20x64xf32, #tpu.memory_space<hbm>>
        %dma_wait3A_259 = arith.constant 0 : i32
        %dma_wait3A_260 = arith.constant 0 : i32
        %dma_wait3A_261 = tpu.memref_slice %arg8[%add3A_249, %dma_wait3A_259, %dma_wait3A_260] : memref<26624x20x64xf32, #tpu.memory_space<hbm>> -> memref<8x20x64xf32, #tpu.memory_space<hbm>>
        %dma_wait3A_262 = arith.constant 0 : i32
        %dma_wait3A_263 = arith.constant 0 : i32
        %dma_wait3A_264 = arith.constant 0 : i32
        %dma_wait3A_265 = tpu.memref_slice %arg16[%dma_wait3A_250, %dma_wait3A_262, %dma_wait3A_263, %dma_wait3A_264] : memref<2x8x20x64xf32, #tpu.memory_space<vmem>> -> memref<1x8x20x64xf32, #tpu.memory_space<vmem>>
        %dma_wait3A_266 = tpu.memref_squeeze %dma_wait3A_265 : memref<1x8x20x64xf32, #tpu.memory_space<vmem>> -> memref<8x20x64xf32, #tpu.memory_space<vmem>>
        tpu.wait_dma2 semaphore(%arg19 : memref<!tpu.dma_semaphore, #tpu.memory_space<semaphore_mem>>) src(%dma_wait3A_266 : memref<8x20x64xf32, #tpu.memory_space<vmem>>) dst(%dma_wait3A_261 : memref<8x20x64xf32, #tpu.memory_space<hbm>>)
        %add3A_267 = arith.constant 1 : i32
        %add3A_268 = arith.addi %add3A_183, %add3A_267 : i32
        %mul3A_269 = arith.constant 160 : i32
        %mul3A_270 = arith.muli %add3A_268, %mul3A_269 : i32
        %add3A_271 = arith.constant 0 : i32
        %add3A_272 = arith.addi %mul3A_270, %add3A_271 : i32
        %dma_start3A_273 = arith.constant 0 : i32
        %dma_start3A_274 = arith.constant 0 : i32
        %dma_start3A_275 = arith.constant 0 : i32
        %dma_start3A_276 = tpu.memref_slice %arg15[%dma_start3A_273, %dma_start3A_274, %dma_start3A_275] : memref<2x160x64xf32, #tpu.memory_space<vmem>> -> memref<1x80x64xf32, #tpu.memory_space<vmem>>
        %dma_start3A_277 = tpu.memref_squeeze %dma_start3A_276 : memref<1x80x64xf32, #tpu.memory_space<vmem>> -> memref<80x64xf32, #tpu.memory_space<vmem>>
        %dma_start3A_278 = tpu.memref_slice %arg9[%add3A_272] : memref<16640xi32, #tpu.memory_space<vmem>> -> memref<80xi32, #tpu.memory_space<vmem>>
        %dma_start3A_279 = arith.constant 0 : i32
        %dma_start3A_280 = arith.constant 0 : i32
        %dma_start3A_281 = tpu.memref_slice %arg3[%dma_start3A_279, %dma_start3A_280] : memref<8192x64xf32, #tpu.memory_space<hbm>> -> memref<8192x64xf32, #tpu.memory_space<hbm>>
        tpu.enqueue_indirect_dma source(%dma_start3A_281 : memref<8192x64xf32, #tpu.memory_space<hbm>>) target(%dma_start3A_277 : memref<80x64xf32, #tpu.memory_space<vmem>>) offsets(%dma_start3A_278 : memref<80xi32, #tpu.memory_space<vmem>>) semaphore(%arg17 : memref<!tpu.dma_semaphore, #tpu.memory_space<semaphore_mem>>)
        %mul3A_282 = arith.constant 160 : i32
        %mul3A_283 = arith.muli %add3A_268, %mul3A_282 : i32
        %add3A_284 = arith.constant 80 : i32
        %add3A_285 = arith.addi %mul3A_283, %add3A_284 : i32
        %dma_start3A_286 = arith.constant 0 : i32
        %dma_start3A_287 = arith.constant 80 : i32
        %dma_start3A_288 = arith.constant 0 : i32
        %dma_start3A_289 = tpu.memref_slice %arg15[%dma_start3A_286, %dma_start3A_287, %dma_start3A_288] : memref<2x160x64xf32, #tpu.memory_space<vmem>> -> memref<1x80x64xf32, #tpu.memory_space<vmem>>
        %dma_start3A_290 = tpu.memref_squeeze %dma_start3A_289 : memref<1x80x64xf32, #tpu.memory_space<vmem>> -> memref<80x64xf32, #tpu.memory_space<vmem>>
        %dma_start3A_291 = tpu.memref_slice %arg9[%add3A_285] : memref<16640xi32, #tpu.memory_space<vmem>> -> memref<80xi32, #tpu.memory_space<vmem>>
        %dma_start3A_292 = arith.constant 0 : i32
        %dma_start3A_293 = arith.constant 0 : i32
        %dma_start3A_294 = tpu.memref_slice %arg3[%dma_start3A_292, %dma_start3A_293] : memref<8192x64xf32, #tpu.memory_space<hbm>> -> memref<8192x64xf32, #tpu.memory_space<hbm>>
        tpu.enqueue_indirect_dma source(%dma_start3A_294 : memref<8192x64xf32, #tpu.memory_space<hbm>>) target(%dma_start3A_290 : memref<80x64xf32, #tpu.memory_space<vmem>>) offsets(%dma_start3A_291 : memref<80xi32, #tpu.memory_space<vmem>>) semaphore(%arg17 : memref<!tpu.dma_semaphore, #tpu.memory_space<semaphore_mem>>)
      } else {
      }
      %scan3A_243 = arith.constant 0 : i32
      scf.yield %scan3A_243 : i32
    }
    %scan3A_49 = arith.constant 52 : i32
    %mul3A_50 = arith.constant 832 : i32
    %mul3A_51 = arith.muli %add3A, %mul3A_50 : i32
    %add3A_52 = arith.constant 816 : i32
    %add3A_53 = arith.addi %mul3A_51, %add3A_52 : i32
    %dma_wait3A = arith.constant 0 : i32
    %dma_wait3A_54 = arith.constant 0 : i32
    %dma_wait3A_55 = arith.constant 0 : i32
    %dma_wait3A_56 = arith.constant 0 : i32
    %dma_wait3A_57 = tpu.memref_slice %arg16[%dma_wait3A, %dma_wait3A_54, %dma_wait3A_55, %dma_wait3A_56] : memref<2x8x20x64xf32, #tpu.memory_space<vmem>> -> memref<1x8x20x64xf32, #tpu.memory_space<vmem>>
    %dma_wait3A_58 = tpu.memref_squeeze %dma_wait3A_57 : memref<1x8x20x64xf32, #tpu.memory_space<vmem>> -> memref<8x20x64xf32, #tpu.memory_space<vmem>>
    %dma_wait3A_59 = arith.constant 0 : i32
    %dma_wait3A_60 = arith.constant 0 : i32
    %dma_wait3A_61 = tpu.memref_slice %arg8[%add3A_53, %dma_wait3A_59, %dma_wait3A_60] : memref<26624x20x64xf32, #tpu.memory_space<hbm>> -> memref<8x20x64xf32, #tpu.memory_space<hbm>>
    %dma_wait3A_62 = arith.constant 0 : i32
    %dma_wait3A_63 = arith.constant 0 : i32
    %dma_wait3A_64 = tpu.memref_slice %arg8[%add3A_53, %dma_wait3A_62, %dma_wait3A_63] : memref<26624x20x64xf32, #tpu.memory_space<hbm>> -> memref<8x20x64xf32, #tpu.memory_space<hbm>>
    %dma_wait3A_65 = arith.constant 0 : i32
    %dma_wait3A_66 = arith.constant 0 : i32
    %dma_wait3A_67 = arith.constant 0 : i32
    %dma_wait3A_68 = tpu.memref_slice %arg16[%dma_wait3A, %dma_wait3A_65, %dma_wait3A_66, %dma_wait3A_67] : memref<2x8x20x64xf32, #tpu.memory_space<vmem>> -> memref<1x8x20x64xf32, #tpu.memory_space<vmem>>
    %dma_wait3A_69 = tpu.memref_squeeze %dma_wait3A_68 : memref<1x8x20x64xf32, #tpu.memory_space<vmem>> -> memref<8x20x64xf32, #tpu.memory_space<vmem>>
    tpu.wait_dma2 semaphore(%arg19 : memref<!tpu.dma_semaphore, #tpu.memory_space<semaphore_mem>>) src(%dma_wait3A_69 : memref<8x20x64xf32, #tpu.memory_space<vmem>>) dst(%dma_wait3A_64 : memref<8x20x64xf32, #tpu.memory_space<hbm>>)
    %mul3A_70 = arith.constant 832 : i32
    %mul3A_71 = arith.muli %add3A, %mul3A_70 : i32
    %add3A_72 = arith.constant 824 : i32
    %add3A_73 = arith.addi %mul3A_71, %add3A_72 : i32
    %dma_wait3A_74 = arith.constant 1 : i32
    %dma_wait3A_75 = arith.constant 0 : i32
    %dma_wait3A_76 = arith.constant 0 : i32
    %dma_wait3A_77 = arith.constant 0 : i32
    %dma_wait3A_78 = tpu.memref_slice %arg16[%dma_wait3A_74, %dma_wait3A_75, %dma_wait3A_76, %dma_wait3A_77] : memref<2x8x20x64xf32, #tpu.memory_space<vmem>> -> memref<1x8x20x64xf32, #tpu.memory_space<vmem>>
    %dma_wait3A_79 = tpu.memref_squeeze %dma_wait3A_78 : memref<1x8x20x64xf32, #tpu.memory_space<vmem>> -> memref<8x20x64xf32, #tpu.memory_space<vmem>>
    %dma_wait3A_80 = arith.constant 0 : i32
    %dma_wait3A_81 = arith.constant 0 : i32
    %dma_wait3A_82 = tpu.memref_slice %arg8[%add3A_73, %dma_wait3A_80, %dma_wait3A_81] : memref<26624x20x64xf32, #tpu.memory_space<hbm>> -> memref<8x20x64xf32, #tpu.memory_space<hbm>>
    %dma_wait3A_83 = arith.constant 0 : i32
    %dma_wait3A_84 = arith.constant 0 : i32
    %dma_wait3A_85 = tpu.memref_slice %arg8[%add3A_73, %dma_wait3A_83, %dma_wait3A_84] : memref<26624x20x64xf32, #tpu.memory_space<hbm>> -> memref<8x20x64xf32, #tpu.memory_space<hbm>>
    %dma_wait3A_86 = arith.constant 0 : i32
    %dma_wait3A_87 = arith.constant 0 : i32
    %dma_wait3A_88 = arith.constant 0 : i32
    %dma_wait3A_89 = tpu.memref_slice %arg16[%dma_wait3A_74, %dma_wait3A_86, %dma_wait3A_87, %dma_wait3A_88] : memref<2x8x20x64xf32, #tpu.memory_space<vmem>> -> memref<1x8x20x64xf32, #tpu.memory_space<vmem>>
    %dma_wait3A_90 = tpu.memref_squeeze %dma_wait3A_89 : memref<1x8x20x64xf32, #tpu.memory_space<vmem>> -> memref<8x20x64xf32, #tpu.memory_space<vmem>>
    tpu.wait_dma2 semaphore(%arg20 : memref<!tpu.dma_semaphore, #tpu.memory_space<semaphore_mem>>) src(%dma_wait3A_90 : memref<8x20x64xf32, #tpu.memory_space<vmem>>) dst(%dma_wait3A_85 : memref<8x20x64xf32, #tpu.memory_space<hbm>>)
    return
  }
}

</mosaic_0001>

<sc_bundles>
// kernel: kernel.3.cloned.1.call-start
scs
__scs_entry_jumppad:
0x0: {  	(pc) =	sbr.rel $0x88, $3  }
0x1: {  	(tag) =	ssettag $0x0;
	lr =	simm.s32 $0x1  }
0x2: {  	[smem:$0x3F9B] =	sst lr;
	_ =	strace $0xD0000000  }
0x3: {  	_ = 	snop  }
0x4: {  	_ = 	snop  }
0x5: {  	_ = 	snop  }
0x6: {  	_ = 	snop  }
0x7: {  	_ = 	snop  }
__scs_overlays_trampoline_lowered:
0x8: {  	[smem:$0x3FAA] =	sst s0  }
0x9: {  	[smem:$0x3FAB] =	sst s1  }
0xa: {  	[smem:$0x3FAC] =	sst s2  }
0xb: {  	[smem:$0x3FAD] =	sst s3  }
0xc: {  	[smem:$0x3FAE] =	sst s4  }
0xd: {  	[smem:$0x3FAF] =	sst s5  }
0xe: {  	[smem:$0x3FB0] =	sst s6  }
0xf: {  	[smem:$0x3FB1] =	sst s7  }
0x10: {  	[smem:$0x3FB2] =	sst s8  }
0x11: {  	[smem:$0x3FB3] =	sst s9;
	s0 =	simm.s32 @!p0 $0x0  }
0x12: {  	s1 =	sld [smem:$0x3F99];
	s0 =	simm.s32 @p0 $0x1  }
0x13: {  	[smem:$0x3FB4] =	sst s0;
	s0 =	simm.s32 @!p1 $0x0  }
0x14: {  	s2 =	sld [smem:$0x3F98];
	s0 =	simm.s32 @p1 $0x1  }
0x15: {  	[smem:$0x3FB5] =	sst s0;
	s0 =	simm.s32 @!p2 $0x0  }
0x16: {  	s3 =	sld [smem:$0x3FDB];
	s0 =	simm.s32 @p2 $0x1  }
0x17: {  	s4 =	simm.s32 $0x1BF5;
	[smem:$0x3FB7] =	sst s0  }
0x18: {  	s0 =	sld [smem:$0x3F9A];
	_ =	swait.ge [sflag:s4], $0x0  }
0x19: {  	s7 =	sld [smem:$0x3F9B]  }
0x1a: {  	s8 =	sadd.s32 $0xFFFFE003, lr  }
0x1b: {  	s9 =	sadd.s32 $0xFFFFFEF7, lr;
	s5 =	simm.s32 $0xFFFFFFFF;
	p2 =	slt.u32 s8, $0xFFFFF086  }
0x1c: {  	p1 =	slt.u32 s9, $0xF7A;
	s5 =	simm.s32 @!p2 $0x0  }
0x1d: {  	s5 =	simm.s32 @p1 $0x1;
	p0 =	seq.s32 s7, s2  }
0x1e: {  	s7 =	smul.u32 @!p0 $0xF7A, s2;
	p2 =	seq.s32 @!p0 s5, $0x0  }
0x1f: {  	s9 =	smul.u32 $0xF7A, s1;
	s8 =	simm.s32 @!p0 $0x1BF5;
	p2 =	por !p2, p0  }
0x20: {  	[sflag:s8] =	ssyncset.s32 @!p0 $0xFFFFF086;
	s6 =	sadd.s32 @!p0 s3, s7;
	s7 =	simm.s32 @!p0 $0x108  }
0x21: {  	s3 =	sadd.s32 s3, s9;
	s6 =	sadd.s32 @!p0 $0x88, s6;
	s7 =	simm.s32 @p2 $0x1082  }
0x22: {  	[simem:s7], [sflag:s8] =	dma.local @!p0 [hbm:s6], $0xF7A  }
0x23: {  	s9 =	sor.u32 $0xD0000000, s2;
	s6 =	simm.s32 $0x108;
	_ =	swait.ge @!p0 [sflag:s8], $0x0  }
0x24: {  	s3 =	sadd.s32 $0x88, s3;
	s6 =	simm.s32 @!p1 $0x1082;
	[sflag:s4] =	ssyncset.s32 $0xFFFFF086  }
0x25: {  	[simem:s6], [sflag:s4] =	dma.local [hbm:s3], $0xF7A  }
0x26: {  	[smem:$0x3F9B] =	sst s1;
	(tag) =	ssettag s2;
	_ =	strace s9  }
0x27: {  	s1 =	sld [smem:$0x3FAB]  }
0x28: {  	s2 =	sld [smem:$0x3FAC]  }
0x29: {  	s4 =	sld [smem:$0x3FAE]  }
0x2a: {  	p0 =	seq.s32 s5, $0x0;
	s5 =	sld [smem:$0x3FAF]  }
0x2b: {  	s6 =	sld [smem:$0x3FB0]  }
0x2c: {  	s7 =	sld [smem:$0x3FB1]  }
0x2d: {  	s3 =	simm.s32 $0x108;
	s8 =	sld [smem:$0x3FB2]  }
0x2e: {  	s3 =	simm.s32 @!p0 $0x1082;
	s9 =	sld [smem:$0x3FB3]  }
0x2f: {  	lr =	sadd.s32 s0, s3;
	s0 =	sld [smem:$0x3FAA]  }
0x30: {  	s3 =	sld [smem:$0x3FAD]  }
0x31: {  	[smem:$0x3FB6] =	sst s10  }
0x32: {  	s10 =	sld [smem:$0x3FB4];
	_ =	sdelay $0x3  }
0x33: {  	p0 =	seq.s32 s10, $0x1;
	s10 =	sld [smem:$0x3FB6];
	_ =	sdelay $0x3  }
0x34: {  	[smem:$0x3FB6] =	sst s10  }
0x35: {  	s10 =	sld [smem:$0x3FB5];
	_ =	sdelay $0x3  }
0x36: {  	p1 =	seq.s32 s10, $0x1;
	s10 =	sld [smem:$0x3FB6];
	_ =	sdelay $0x3  }
0x37: {  	[smem:$0x3FB6] =	sst s10  }
0x38: {  	s10 =	sld [smem:$0x3FB7]  }
0x39: {  	_ = 	snop;
	(pc) =	sbr.ind lr, $3  }
0x3a: {  	_ = 	snop  }
0x3b: {  	_ = 	snop  }
0x3c: {  	p2 =	seq.s32 s10, $0x1;
	s10 =	sld [smem:$0x3FB6]  }
0x3d: {  	_ =	shalt  }
0x3e: {  	_ =	shalt  }
0x3f: {  	_ =	shalt  }
0x40: {  	_ =	shalt  }
0x41: {  	_ =	shalt  }
0x42: {  	_ =	shalt  }
0x43: {  	_ =	shalt  }
0x44: {  	_ =	shalt  }
0x45: {  	_ =	shalt  }
0x46: {  	_ =	shalt  }
0x47: {  	_ =	shalt  }
0x48: {  	_ =	shalt  }
0x49: {  	_ =	shalt  }
0x4a: {  	_ =	shalt  }
0x4b: {  	_ =	shalt  }
0x4c: {  	_ =	shalt  }
0x4d: {  	_ =	shalt  }
0x4e: {  	_ =	shalt  }
0x4f: {  	_ =	shalt  }
0x50: {  	_ =	shalt  }
0x51: {  	_ =	shalt  }
0x52: {  	_ =	shalt  }
0x53: {  	_ =	shalt  }
0x54: {  	_ =	shalt  }
0x55: {  	_ =	shalt  }
0x56: {  	_ =	shalt  }
0x57: {  	_ =	shalt  }
0x58: {  	_ =	shalt  }
0x59: {  	_ =	shalt  }
0x5a: {  	_ =	shalt  }
0x5b: {  	_ =	shalt  }
0x5c: {  	_ =	shalt  }
0x5d: {  	_ =	shalt  }
0x5e: {  	_ =	shalt  }
0x5f: {  	_ =	shalt  }
0x60: {  	_ =	shalt  }
0x61: {  	_ =	shalt  }
0x62: {  	_ =	shalt  }
0x63: {  	_ =	shalt  }
0x64: {  	_ =	shalt  }
0x65: {  	_ =	shalt  }
0x66: {  	_ =	shalt  }
0x67: {  	_ =	shalt  }
0x68: {  	_ =	shalt  }
0x69: {  	_ =	shalt  }
0x6a: {  	_ =	shalt  }
0x6b: {  	_ =	shalt  }
0x6c: {  	_ =	shalt  }
0x6d: {  	_ =	shalt  }
0x6e: {  	_ =	shalt  }
0x6f: {  	_ =	shalt  }
0x70: {  	_ =	shalt  }
0x71: {  	_ =	shalt  }
0x72: {  	_ =	shalt  }
0x73: {  	_ =	shalt  }
0x74: {  	_ =	shalt  }
0x75: {  	_ =	shalt  }
0x76: {  	_ =	shalt  }
0x77: {  	_ =	shalt  }
0x78: {  	_ =	shalt  }
0x79: {  	_ =	shalt  }
0x7a: {  	_ =	shalt  }
0x7b: {  	_ =	shalt  }
0x7c: {  	_ =	shalt  }
0x7d: {  	_ =	shalt  }
0x7e: {  	_ =	shalt  }
0x7f: {  	_ =	shalt  }
0x80: {  	_ =	shalt  }
0x81: {  	_ =	shalt  }
0x82: {  	_ =	shalt  }
0x83: {  	_ =	shalt  }
0x84: {  	_ =	shalt  }
0x85: {  	_ =	shalt  }
0x86: {  	_ =	shalt  }
0x87: {  	_ =	shalt  }
.Lfunc_end0:
.L_simem_size_0:
called_computation.1_lowered:
.L_overlay_start_0:
0x88: {  	s2 =	sld [smem:$0x3FD9]  }
0x89: {  	s3 =	sld [smem:$0x3FFE];
	_ =	sdelay $0x1  }
0x8a: {  	s1 =	srdreg.scid  }
0x8b: {  	s0 =	sand.u32 $0x1, s1  }
0x8c: {  	s17 =	sshll.u32 s0, $0xA;
	s2 =	sadd.s32 s3, s2  }
0x8d: {  	s2 =	sadd.s32 s2, s17  }
0x8e: {  	[smem:$0x3FC2] =	sst s2  }
0x8f: {  	_ = 	snop  }
0x90: {  	s2 =	sld [smem:$0x3FC5]  }
0x91: {  	s18 =	sld [smem:$0x3FC4]  }
0x92: {  	s4 =	sld [smem:$0x3FD0];
	(tm) =	ssettm $0x1  }
0x93: {  	s5 =	sld [smem:$0x3FFB];
	_ =	sdelay $0x3  }
0x94: {  	_ =	strace s5  }
0x95: {  	s5 =	sld [smem:$0x3FFC];
	_ =	sdelay $0x3  }
0x96: {  	_ =	strace s5  }
0x97: {  	s5 =	sld [smem:$0x3FFD];
	_ =	sdelay $0x3  }
0x98: {  	_ =	strace s5  }
0x99: {  	_ =	strace $0x8FFFFFFF  }
0x9a: {  	s19 =	sld [smem:$0x3FDB];
	_ =	sdelay $0x1  }
0x9b: {  	s6 =	simm.s32 $_scs_section_size  }
0x9c: {  	s7 =	simm.s32 $_size__tile_overlayer_lowered;
	s8 =	simm.s32 $_tile_overlayer_lowered  }
0x9d: {  	s22 =	simm.s32 $0x1BFF;
	s21 =	sshll.u32 s8, $0x1;
	s5 =	sadd.s32 s6, s19  }
0x9e: {  	s9 =	simm.s32 $0x0;
	s20 =	sshll.u32 s7, $0x1;
	s7 =	sadd.s32 s21, s5  }
0x9f: {  	[timem:s9], [sflag:s22] =	dma.local [hbm:s7], s20  }
0xa0: {  	_ =	swait.ge [sflag:s22], s20  }
0xa1: {  	s6 =	ssub.s32 $0x0, s20;
	[sflag:s22] =	ssyncset.done $0x0  }
0xa2: {  	[sflag:s22] =	ssyncadd.s32 s6;
	_ =	sdelay $0x1  }
0xa3: {  	s23 =	simm.s32 $0x1B8B  }
0xa4: {  	_ =	swait.ge [sflag:s23], $0x1  }
0xa5: {  	[sflag:s23] =	ssyncset.done $0x0  }
0xa6: {  	s25 =	simm.s32 $0x1B8E;
	s24 =	sld [smem:$0x3FFE];
	[sflag:s23] =	ssyncadd.s32 $0xFFFFFFFF  }
0xa7: {  	s26 =	simm.s32 $execute0_lowered;
	[smem:$0x3FD2] =	sst s25  }
0xa8: {  	s7 =	sshll.u32 s26, $0x1;
	_ =	strace $0x80000046;
	[dreg:$0x1] =	wrdreg $0xFFFFFFFF  }
0xa9: {  	s28 =	simm.s32 $_size_execute0_lowered;
	s5 =	sadd.s32 s5, s7;
	[dreg:$0x0] =	wrdreg $0x0  }
0xaa: {  	s7 =	sshll.u32 s28, $0x1;
	[dreg:$0x2] =	wrdreg s5  }
0xab: {  	[dreg:$0x3] =	wrdreg s7  }
0xac: {  	[dreg:$0x4] =	wrdreg $0xC0  }
0xad: {  	_ =	task [dreg:s9], $0x5FFFF  }
0xae: {  	[dreg:$0x1] =	wrdreg $0xFFFFFFFF  }
0xaf: {  	[dreg:$0x0] =	wrdreg $0x60  }
0xb0: {  	[dreg:$0x2] =	wrdreg s24  }
0xb1: {  	[dreg:$0x3] =	wrdreg s2  }
0xb2: {  	[dreg:$0x4] =	wrdreg s18  }
0xb3: {  	[dreg:$0x5] =	wrdreg s4  }
0xb4: {  	[dreg:$0x6] =	wrdreg $0x9  }
0xb5: {  	_ =	task.clear_ibuf [dreg:s9], $0x7FFFF;
	_ =	strace $0x90000046  }
0xb6: {  	s29 =	simm.s32 $0x9;
	_ =	strace $0x80000048  }
0xb7: {  	_ =	swait.ge [sflag:s29], $0x1  }
0xb8: {  	[sflag:s29] =	ssyncadd.s32 $0xFFFFFFFF  }
0xb9: {  	_ =	strace $0x90000048  }
0xba: {  	_ =	sfence  }
0xbb: {  	s30 =	sld [smem:$0x0];
	_ =	sdelay $0x2  }
0xbc: {  	s31 =	sshll.u32 s1, $0xD;
	s1 =	sshrl.u32 s1, $0x2  }
0xbd: {  	s3 =	sand.u32 $0x4000, s31;
	s1 =	sadd.s32 s1, s30  }
0xbe: {  	s0 =	sor.u32 s3, s0;
	s1 =	sshll.u32 s1, $0x11  }
0xbf: {  	s0 =	sor.u32 s1, s0  }
0xc0: {  	s0 =	sadd.s32 $0x8F2B, s0  }
0xc1: {  	[sflag:s0] =	ssyncadd.remote.s32 $0x1  }
0xc2: {  	_ =	sfence.sel $0xFFFF  }
0xc3: {  	[dreg:$0x0] =	wrdreg $0xFFFFFFFF;
	(pc) =	sbr.abs _section_cstart, $3  }
0xc4: {  	[dreg:$0x1] =	wrdreg $0xFFFFFFFF  }
0xc5: {  	_ =	task.clear_ibuf [dreg:s9], $0x2FFFF;
	_ =	strace $0x9FFFFFFF  }
0xc6: {  	(tm) =	ssettm $0x7FFFFFFF  }
0xc7: {  	_ =	shalt  }
tec
execute0_lowered:
.L_overlay_start_1:
0x0: {  	(tag) =	ssettag $0x1  }
0x1: {  	s0 =	rddreg [dreg:$0x0]  }
0x2: {  	s1 =	srdreg.scid;
	s2 =	stileid.u32  }
0x3: {  	s20 =	rddreg [dreg:$0x3];
	s3 =	simm.s32 $0x0;
	s25 =	simm.s32 $0xFFFF7E40  }
0x4: {  	s26 =	simm.s32 $0xFFFF7E80;
	[smem:$0x7FF] =	sst s3;
	s4 =	sadd.s32 $0xA00, s0  }
0x5: {  	s28 =	simm.s32 $0xFFFF7EC0;
	_ =	strace $0x80000047;
	[dreg:$0xe] =	wrdreg s4  }
0x6: {  	s29 =	simm.s32 $0xFFFF7D40;
	s30 =	simm.s32 $0xFFFF7D80;
	[dreg:$0x6] =	wrdreg s25  }
0x7: {  	s1 =	sand.u32 $0x1, s1;
	s2 =	sshll.u32 s2, $0x1;
	[dreg:$0x7] =	wrdreg s26  }
0x8: {  	s31 =	simm.s32 $0xFFFF7DC0;
	s2 =	sor.u32 s1, s2;
	[dreg:$0x8] =	wrdreg s28  }
0x9: {  	s6 =	sadd.s32 $0xE00, s0;
	[dreg:$0xb] =	wrdreg s29;
	s21 =	smul.u32 $0x820, s2  }
0xa: {  	s1 =	ssub.s32 $0x2, s1;
	[dreg:$0xc] =	wrdreg s30;
	s24 =	smul.u32 $0x340, s2  }
.Ltmp0:
0xb: {  	[dreg:$0xd] =	wrdreg s31;
	s22 =	sshrl.u32 s1, $0x1;
	(pc) =	sbr.rel .LBB2_1-.Ltmp0, $4  }
0xc: {  	s3 =	sadd.s32 s21, s0;
	s0 =	sadd.s32 $0xC00, s0;
	[dreg:$0x11] =	wrdreg s24  }
0xd: {  	[dreg:$0xf] =	wrdreg s0;
	s0 =	ssub.s32 s1, s22;
	s23 =	sadd.s32 $0x10E00, s3  }
0xe: {  	[dreg:$0x10] =	wrdreg s23;
	s0 =	smax.u32 s0, $0x1  }
0xf: {  	s2 =	simm.s32 $0x0;
	[dreg:$0x12] =	wrdreg s0  }
.LBB2_10:
0x10: {  	s1 =	simm.s32 $0x4  }
0x11: {  	_ =	swait.ge [sflag:s1], $0x2800  }
0x12: {  	s2 =	rddreg [dreg:$0x13]  }
0x13: {  	s0 =	rddreg [dreg:$0x12];
	s2 =	sadd.s32 $0x1, s2  }
0x14: {  	p0 =	sne.s32 s2, s0  }
.Ltmp1:
0x15: {  	_ = 	snop;
	(pc) =	sbr.rel @!p0 .LBB2_11-.Ltmp1, $3  }
0x16: {  	_ =	sdelay $0x1  }
0x17: {  	[sflag:s1] =	ssyncset.done $0x0  }
0x18: {  	[sflag:s1] =	ssyncadd.s32 $0xFFFFD800  }
.LBB2_1:
0x19: {  	[dreg:$0x13] =	wrdreg s2  }
0x1a: {  	s21 =	simm.s32 $0x0;
	s0 =	rddreg [dreg:$0x10];
	s3 =	simm.s32 $0x5  }
0x1b: {  	[tilespmem:s21], [sflag:$0x5] =	stream.linear.gather [hbm4b:s0+s21], $0x4100, $0x38;
	[tilespmem:$0x16F00] =	vst v63  }
0x1c: {  	_ =	swait.ge [sflag:s3], $0x4100  }
0x1d: {  	[sflag:s3] =	ssyncset.done $0x0  }
0x1e: {  	s1 =	simm.s32 $0x4100;
	s22 =	rddreg [dreg:$0xe];
	[sflag:s3] =	ssyncadd.s32 $0xFFFFBF00  }
0x1f: {  	[tilespmem:s1], [sflag:$0x5] =	stream.linear.gather [hbm4b:s22+s21], $0x680, $0x38;
	[tilespmem:$0x16F00] =	vst v63  }
0x20: {  	_ =	swait.ge [sflag:s3], $0x680  }
0x21: {  	[sflag:s3] =	ssyncset.done $0x0  }
0x22: {  	s24 =	simm.s32 $0x4780;
	s23 =	rddreg [dreg:$0xf];
	[sflag:s3] =	ssyncadd.s32 $0xFFFFF980  }
0x23: {  	[tilespmem:s24], [sflag:$0x5] =	stream.linear.gather [hbm4b:s23+s21], $0x500, $0x38;
	[tilespmem:$0x16F00] =	vst v63  }
0x24: {  	_ =	swait.ge [sflag:s3], $0x500  }
0x25: {  	[sflag:s3] =	ssyncset.done $0x0  }
0x26: {  	[sflag:s3] =	ssyncadd.s32 $0xFFFFFB00  }
0x27: {  	s26 =	simm.s32 $0xCE80;
	s25 =	rddreg [dreg:$0x1]  }
0x28: {  	[tilespmem:s26], [sflag:$0x5] =	stream.linear.gather [hbm4b:s25+s21], $0x40, $0x38;
	[tilespmem:$0x16F00] =	vst v63  }
0x29: {  	_ =	swait.ge [sflag:s3], $0x40  }
0x2a: {  	s28 =	smulhi.u32 $0xCCCCCCCD, s21;
	[sflag:s3] =	ssyncset.done $0x0  }
0x2b: {  	s4 =	simm.s32 $0xCEC0;
	[sflag:s3] =	ssyncadd.s32 $0xFFFFFFC0  }
0x2c: {  	s30 =	smul.u32 $0xCCCD, s21;
	s0 =	sshrl.u32 s28, $0x4;
	s29 =	rddreg [dreg:$0x2]  }
0x2d: {  	[tilespmem:s4], [sflag:$0x5] =	stream.linear.gather [hbm4b:s29+s21], $0x40, $0x38;
	[tilespmem:$0x16F00] =	vst v63  }
0x2e: {  	s0 =	smul.u32 $0xFFFFEC00, s0;
	_ =	swait.ge [sflag:s3], $0x40  }
0x2f: {  	s1 =	sshrl.u32 s30, $0xE;
	[sflag:s3] =	ssyncset.done $0x0  }
0x30: {  	s0 =	sshra.s32 s0, $0x2;
	s1 =	sand.u32 $0x3FFC0, s1;
	[sflag:s3] =	ssyncadd.s32 $0xFFFFFFC0  }
0x31: {  	s31 =	sadd.s32 $0x0, s0;
	v0 =	vld [tilespmem:s1+$0x4100]  }
0x32: {  	v1 =	vld [tilespmem:s31+$0x4780];
	_ =	sdelay $0x4  }
0x33: {  	v0 =	vadd.f32 v1, v0  }
0x34: {  	s0 =	simm.s32 $0x0  }
0x35: {  	[tilespmem:s0+$0x4C80] =	vst v0  }
0x36: {  	v0 =	vld [tilespmem:s1+$0x4110]  }
0x37: {  	v1 =	vld [tilespmem:s31+$0x4790];
	_ =	sdelay $0x4  }
0x38: {  	v0 =	vadd.f32 v1, v0;
	_ =	sdelay $0x1  }
0x39: {  	[tilespmem:s0+$0x4C90] =	vst v0  }
0x3a: {  	v0 =	vld [tilespmem:s1+$0x4120]  }
0x3b: {  	v1 =	vld [tilespmem:s31+$0x47A0];
	_ =	sdelay $0x4  }
0x3c: {  	v0 =	vadd.f32 v1, v0;
	_ =	sdelay $0x1  }
0x3d: {  	[tilespmem:s0+$0x4CA0] =	vst v0  }
0x3e: {  	v0 =	vld [tilespmem:s1+$0x4130]  }
0x3f: {  	v1 =	vld [tilespmem:s31+$0x47B0]  }
0x40: {  	s2 =	simm.s32 $0x1  }
0x41: {  	s4 =	smulhi.u32 $0xCCCCCCCD, s2;
	s3 =	simm.s32 $0x200;
	s1 =	simm.s32 $0x100  }
.LBB2_2:
0x42: {  	_ = 	snop  }
0x43: {  	p0 =	sne.s32 s3, $0x20700;
	s5 =	smul.u32 $0xCCCD, s2;
	s4 =	sshrl.u32 s4, $0x4  }
0x44: {  	s7 =	smov.u32 s3;
	s3 =	sadd.s32 $0x100, s3;
	s4 =	smul.u32 $0xFFFFEC00, s4;
	v0 =	vadd.f32 v1, v0  }
0x45: {  	s5 =	sshrl.u32 s5, $0xE  }
0x46: {  	s5 =	sand.u32 $0x3FFC0, s5;
	s4 =	sshra.s32 s4, $0x2;
	[tilespmem:s0+$0x4CB0] =	vst v0;
	s0 =	sshra.s32 s1, $0x2  }
0x47: {  	s1 =	smov.u32 s7;
	s4 =	sadd.s32 s0, s4;
	v0 =	vld [tilespmem:s5+$0x4100]  }
0x48: {  	v1 =	vld [tilespmem:s4+$0x4780];
	_ =	sdelay $0x4  }
0x49: {  	v0 =	vadd.f32 v1, v0;
	_ =	sdelay $0x1  }
0x4a: {  	[tilespmem:s0+$0x4C80] =	vst v0  }
0x4b: {  	v0 =	vld [tilespmem:s5+$0x4110]  }
0x4c: {  	v1 =	vld [tilespmem:s4+$0x4790];
	_ =	sdelay $0x4  }
0x4d: {  	v0 =	vadd.f32 v1, v0;
	_ =	sdelay $0x1  }
0x4e: {  	[tilespmem:s0+$0x4C90] =	vst v0  }
0x4f: {  	v0 =	vld [tilespmem:s5+$0x4120]  }
0x50: {  	v1 =	vld [tilespmem:s4+$0x47A0];
	_ =	sdelay $0x4  }
0x51: {  	v0 =	vadd.f32 v1, v0;
	_ =	sdelay $0x1  }
.Ltmp2:
0x52: {  	[tilespmem:s0+$0x4CA0] =	vst v0;
	(pc) =	sbr.rel @p0 .LBB2_2-.Ltmp2, $4  }
0x53: {  	v0 =	vld [tilespmem:s5+$0x4130]  }
0x54: {  	v1 =	vld [tilespmem:s4+$0x47B0]  }
0x55: {  	s2 =	sadd.s32 $0x1, s2  }
0x56: {  	s4 =	smulhi.u32 $0xCCCCCCCD, s2  }
0x57: {  	_ = 	snop  }
0x58: {  	s2 =	smul.u32 $0xCCCD, s2;
	s3 =	sshrl.u32 s4, $0x4  }
0x59: {  	s3 =	smul.u32 $0xFFFFEC00, s3;
	v0 =	vadd.f32 v1, v0  }
0x5a: {  	s2 =	sshrl.u32 s2, $0xE  }
0x5b: {  	s1 =	sshra.s32 s1, $0x2;
	s2 =	sand.u32 $0x3FFC0, s2;
	s3 =	sshra.s32 s3, $0x2;
	[tilespmem:s0+$0x4CB0] =	vst v0  }
0x5c: {  	s25 =	sadd.s32 s1, s3;
	v0 =	vld [tilespmem:s2+$0x4100]  }
0x5d: {  	v1 =	vld [tilespmem:s25+$0x4780];
	_ =	sdelay $0x4  }
0x5e: {  	v0 =	vadd.f32 v1, v0;
	_ =	sdelay $0x1  }
0x5f: {  	[tilespmem:s1+$0x4C80] =	vst v0  }
0x60: {  	v0 =	vld [tilespmem:s2+$0x4110]  }
0x61: {  	v1 =	vld [tilespmem:s25+$0x4790];
	_ =	sdelay $0x4  }
0x62: {  	v0 =	vadd.f32 v1, v0;
	_ =	sdelay $0x1  }
0x63: {  	[tilespmem:s1+$0x4C90] =	vst v0  }
0x64: {  	v0 =	vld [tilespmem:s2+$0x4120]  }
0x65: {  	v1 =	vld [tilespmem:s25+$0x47A0];
	_ =	sdelay $0x4  }
0x66: {  	v0 =	vadd.f32 v1, v0;
	_ =	sdelay $0x1  }
0x67: {  	[tilespmem:s1+$0x4CA0] =	vst v0  }
0x68: {  	v0 =	vld [tilespmem:s2+$0x4130]  }
0x69: {  	v1 =	vld [tilespmem:s25+$0x47B0];
	_ =	sdelay $0x4  }
0x6a: {  	v0 =	vadd.f32 v1, v0;
	_ =	sdelay $0x1  }
0x6b: {  	[tilespmem:s1+$0x4CB0] =	vst v0  }
0x6c: {  	v0 =	vld [tilespmem:$0xCEE0]  }
0x6d: {  	v2 =	vld [tilespmem:$0xCE80]  }
0x6e: {  	v3 =	vld [tilespmem:$0xCE90]  }
0x6f: {  	v4 =	vld [tilespmem:$0xCEA0]  }
0x70: {  	v5 =	vld [tilespmem:$0xCEB0]  }
0x71: {  	[tilespmem:$0x1FFE0] =	vst v0;
	v0 =	vld [tilespmem:$0xCEF0]  }
0x72: {  	s30 =	simm.s32 $0x0;
	s26 =	simm.s32 $0x50;
	s28 =	simm.s32 $0xCF00;
	v6 =	vld [tilespmem:$0xCEC0]  }
0x73: {  	v7 =	vld [tilespmem:$0xCED0];
	[tilespmem:s28], [sflag:$0x1] =	stream.indirect.gather [hbm4b:s6+s26], $0x40, s30, s26, $0xb8  }
0x74: {  	s29 =	simm.s32 $0xE300;
	s31 =	simm.s32 $0xA0  }
0x75: {  	[tilespmem:s29], [sflag:$0x1] =	stream.indirect.gather [hbm4b:s6+s26], $0x40, s26, s26, $0xb8;
	[tilespmem:$0x16F00] =	vst v63  }
0x76: {  	s0 =	simm.s32 $0x0;
	s2 =	simm.s32 $0x28C0;
	s1 =	simm.s32 $0x0;
	[tilespmem:$0x1FFF0] =	vst v0  }
.LBB2_4:
0x77: {  	s3 =	smulhi.u32 $0xFC0FC0FD, s31;
	_ =	sdelay $0x1  }
0x78: {  	s4 =	smulhi.u32 $0xFC0FC0FD, s0;
	s3 =	sshrl.u32 s3, $0x9  }
0x79: {  	s5 =	smul.u32 $0x208, s3  }
0x7a: {  	s7 =	sshrl.u32 s4, $0x9;
	s3 =	smul.u32 $0xFFFF7E00, s3  }
0x7b: {  	s26 =	smul.u32 $0x208, s7  }
0x7c: {  	s25 =	ssub.s32 s0, s5;
	[dreg:$0xa] =	wrdreg s3  }
0x7d: {  	s8 =	ssub.s32 s0, s26;
	[dreg:$0x9] =	wrdreg s25  }
0x7e: {  	s9 =	simm.s32 $0x1;
	[dreg:$0x5] =	wrdreg s8  }
0x7f: {  	_ =	swait.ge [sflag:s9], $0x1400  }
0x80: {  	[sflag:s9] =	ssyncset.done $0x0  }
0x81: {  	[sflag:s9] =	ssyncadd.s32 $0xFFFFEC00  }
0x82: {  	_ =	swait.ge [sflag:s9], $0x1400  }
0x83: {  	[sflag:s9] =	ssyncset.done $0x0  }
0x84: {  	s11 =	simm.s32 $0xCF80;
	s10 =	rddreg [dreg:$0x5];
	[sflag:s9] =	ssyncadd.s32 $0xFFFFEC00  }
0x85: {  	s12 =	sadd.s32 $0xFFFFFFFC, s10;
	v8 =	vld [tilespmem:s11+$0x40]  }
0x86: {  	s13 =	smul.u32 $0x8200, s7;
	s14 =	sadd.s32 $0x7, s12;
	v9 =	vld [tilespmem:s11+$0x50]  }
0x87: {  	s8 =	rddreg [dreg:$0x8];
	v10 =	vld [tilespmem:s11+$0x60];
	p0 =	sgt.u32 s14, $0x207  }
0x88: {  	s3 =	ssub.s32 s30, s13;
	v11 =	vld [tilespmem:s11+$0x70];
	s8 =	simm.s32 @!p0 $0xC0  }
0x89: {  	v24 =	vld [tilespmem:s11+$0xFFFFFF80];
	s15 =	sadd.s32 s8, s3  }
0x8a: {  	v12 =	vld [tilespmem:s15+$0x4C80]  }
0x8b: {  	v13 =	vld [tilespmem:s15+$0x4C90]  }
0x8c: {  	v14 =	vld [tilespmem:s15+$0x4CA0]  }
0x8d: {  	v15 =	vld [tilespmem:s15+$0x4CB0]  }
0x8e: {  	v25 =	vld [tilespmem:s11+$0xFFFFFF90]  }
0x8f: {  	v26 =	vld [tilespmem:s11+$0xFFFFFFA0]  }
0x90: {  	v27 =	vld [tilespmem:s11+$0xFFFFFFB0]  }
0x91: {  	s16 =	sadd.s32 $0x5, s12;
	v28 =	vld [tilespmem:s11+$0xFFFFFFC0];
	v22 =	vadd.f32 v12, v8;
	v21 =	vadd.f32 v13, v9  }
0x92: {  	v30 =	vld [tilespmem:s11+$0xFFFFFFD0];
	p0 =	sgt.u32 s16, $0x207;
	s8 =	rddreg [dreg:$0x6];
	v20 =	vadd.f32 v14, v10;
	v23 =	vadd.f32 v15, v11  }
0x93: {  	v31 =	vld [tilespmem:s11+$0xFFFFFFE0];
	s8 =	simm.s32 @!p0 $0x40;
	v10 =	vmul.f32 v22, v22;
	v11 =	vmul.f32 v21, v21  }
0x94: {  	v32 =	vld [tilespmem:s11+$0xFFFFFFF0];
	s8 =	sadd.s32 s8, s3;
	v13 =	vmul.f32 v20, v20;
	v14 =	vmul.f32 v23, v23  }
0x95: {  	s9 =	sadd.s32 $0x6, s12;
	v8 =	vld [tilespmem:s8+$0x4C80];
	v16 =	vadd.f32 v21, v22;
	v17 =	vadd.f32 v23, v20  }
0x96: {  	s7 =	rddreg [dreg:$0x7];
	p0 =	sgt.u32 s9, $0x207;
	v9 =	vld [tilespmem:s8+$0x4C90];
	v10 =	vadd.f32 v11, v10;
	v11 =	vadd.f32 v14, v13  }
0x97: {  	s5 =	sadd.s32 $0x4, s12;
	s7 =	simm.s32 @!p0 $0x80;
	v12 =	vld [tilespmem:s8+$0x4CA0];
	v14 =	vadd.f32 v17, v16  }
0x98: {  	p0 =	sgt.u32 s5, $0x207;
	s5 =	sadd.s32 $0xFFFF7E00, s3;
	v15 =	vld [tilespmem:s8+$0x4CB0];
	s8 =	smov.u32 s3;
	v10 =	vadd.f32 v11, v10  }
0x99: {  	v33 =	vld [tilespmem:s11+$0x0];
	s8 =	smov.u32 @p0 s5;
	(xrf2) =	vadd.scan.msk.f32 $0xffff, v14  }
0x9a: {  	v14 =	vld [tilespmem:s8+$0x4C80];
	(xrf2) =	vadd.scan.msk.f32 $0xffff, v10  }
0x9b: {  	s7 =	sadd.s32 s7, s3;
	v10 =	vld [tilespmem:s8+$0x4C90]  }
0x9c: {  	v18 =	vld [tilespmem:s7+$0x4C80]  }
0x9d: {  	v19 =	vld [tilespmem:s8+$0x4CB0]  }
0x9e: {  	v13 =	vld [tilespmem:s7+$0x4C90]  }
0x9f: {  	v17 =	vld [tilespmem:s8+$0x4CA0];
	v24 =	vadd.f32 v14, v24  }
0xa0: {  	v16 =	vld [tilespmem:s7+$0x4CA0];
	v25 =	vadd.f32 v10, v25  }
0xa1: {  	v11 =	vld [tilespmem:s7+$0x4CB0];
	[tilespmem:$0x1FFC0] =	vst v24  }
0xa2: {  	[tilespmem:$0x1FFD0] =	vst v25  }
0xa3: {  	v0 =	vadd.f32 v19, v27;
	v29, _, _ =	vpop (xrf2);
	v10 =	vld [tilespmem:s11+$0x10]  }
0xa4: {  	v1 =	vadd.f32 v17, v26;
	v14 =	vld [tilespmem:s11+$0x20];
	(v2sf) =	vpush v29, $0xF;
	v29, _, _ =	vpop (xrf2)  }
0xa5: {  	v17 =	vmul.f32 v24, v24;
	v19 =	vadd.f32 v25, v24;
	v24 =	vld [tilespmem:s11+$0x30];
	(v2sf) =	vpush v29, $0xF  }
0xa6: {  	v39 =	vadd.f32 v8, v28;
	v44 =	vadd.f32 v9, v30  }
0xa7: {  	v41 =	vadd.f32 v18, v33;
	v45 =	vadd.f32 v12, v31  }
0xa8: {  	v46 =	vadd.f32 v15, v32;
	v15 =	vadd.f32 v44, v39  }
0xa9: {  	v42 =	vadd.f32 v13, v10;
	v43 =	vadd.f32 v16, v14  }
0xaa: {  	v12 =	vmul.f32 v39, v39;
	v27 =	vadd.f32 v11, v24;
	v11 =	vadd.f32 v46, v45  }
0xab: {  	v26 =	vmul.f32 v44, v44;
	v10 =	vmul.f32 v45, v45;
	v16 =	vadd.f32 v42, v41  }
0xac: {  	v13 =	vmul.f32 v46, v46;
	v18 =	vadd.f32 v27, v43;
	v11 =	vadd.f32 v11, v15  }
0xad: {  	v9 =	vadd.f32 v0, v1;
	v12 =	vadd.f32 v26, v12  }
0xae: {  	v8 =	vmul.f32 v1, v1;
	v10 =	vadd.f32 v13, v10;
	v16 =	vadd.f32 v18, v16;
	(xrf2) =	vadd.scan.msk.f32 $0xffff, v11  }
0xaf: {  	v9 =	vadd.f32 v9, v19;
	v14 =	vmul.f32 v41, v41;
	v24 =	vmul.f32 v42, v42  }
0xb0: {  	v13 =	vmul.f32 v43, v43;
	v15 =	vmul.f32 v27, v27;
	v10 =	vadd.f32 v10, v12;
	(xrf2) =	vadd.scan.msk.f32 $0xffff, v16  }
0xb1: {  	s21 =	rddreg [dreg:$0x5];
	v25 =	vmul.f32 v25, v25;
	v18 =	vmul.f32 v0, v0;
	(xrf2) =	vadd.scan.msk.f32 $0xffff, v9  }
0xb2: {  	s22 =	sadd.s32 $0x0, s21;
	v14 =	vadd.f32 v24, v14;
	v11 =	vadd.f32 v15, v13;
	(xrf2) =	vadd.scan.msk.f32 $0xffff, v10  }
0xb3: {  	s23 =	sadd.s32 $0x7, s22;
	s8 =	rddreg [dreg:$0x8];
	v12 =	vadd.f32 v25, v17;
	v8 =	vadd.f32 v18, v8;
	s17 =	spop (v2sf)  }
0xb4: {  	p0 =	sgt.u32 s23, $0x207;
	v9 =	vadd.f32 v11, v14;
	s7 =	smul.f32 $1.562500000e-02, s17;
	s18 =	spop (v2sf)  }
0xb5: {  	s8 =	simm.s32 @!p0 $0xC0;
	s11 =	sadd.s32 $0x100, s3;
	v8 =	vadd.f32 v8, v12;
	s4 =	smul.f32 $1.562500000e-02, s18  }
0xb6: {  	s8 =	sadd.s32 s8, s11;
	[tilespmem:$0x1FFB0] =	vst v27;
	(xrf2) =	vadd.scan.msk.f32 $0xffff, v9;
	s19 =	smul.f32 s7, s7  }
0xb7: {  	s12 =	simm.s32 $0xD080;
	v15 =	vld [tilespmem:s8+$0x4CA0];
	(xrf2) =	vadd.scan.msk.f32 $0xffff, v8  }
0xb8: {  	v10 =	vld [tilespmem:s12+$0x60];
	v11, _, _ =	vpop (xrf2);
	s4 =	ssub.f32 s4, s19  }
0xb9: {  	v12 =	vld [tilespmem:s12+$0x70];
	(v2sf) =	vpush v11, $0xF  }
0xba: {  	v9 =	vld [tilespmem:s12+$0x50];
	v13, _, _ =	vpop (xrf2);
	s4 =	sadd.f32 $9.999999740e-06, s4  }
0xbb: {  	v8 =	vld [tilespmem:s12+$0x40];
	v14, _, _ =	vpop (xrf2);
	(v2sf) =	vpush v13, $0xF  }
0xbc: {  	v11 =	vld [tilespmem:s8+$0x4C80];
	(v2sf) =	vpush v14, $0xF;
	v14, _, _ =	vpop (xrf2);
	s24 =	sshrl.u32 s4, $0x1;
	s4 =	smul.f32 $5.000000000e-01, s4  }
0xbd: {  	v13 =	vld [tilespmem:s8+$0x4C90];
	(v2sf) =	vpush v14, $0xF;
	s3 =	ssub.s32 $0x5F3759DF, s24  }
0xbe: {  	v14 =	vld [tilespmem:s8+$0x4CB0];
	s25 =	smul.f32 s3, s4;
	_ =	sdelay $0x1  }
0xbf: {  	v16, _, _ =	vpop (xrf2);
	s9 =	smul.f32 s3, s25  }
0xc0: {  	v30 =	vadd.f32 v15, v10;
	(v2sf) =	vpush v16, $0xF;
	v16, _, _ =	vpop (xrf2)  }
0xc1: {  	s13 =	sadd.s32 $0x5, s22;
	v31 =	vadd.f32 v11, v8;
	(v2sf) =	vpush v16, $0xF;
	s26 =	ssub.f32 $1.500000000e+00, s9  }
0xc2: {  	p0 =	sgt.u32 s13, $0x207;
	v28 =	vadd.f32 v13, v9;
	v32 =	vadd.f32 v14, v12;
	s9 =	rddreg [dreg:$0x6]  }
0xc3: {  	v10 =	vmul.f32 v30, v30;
	v8 =	vmul.f32 v31, v31;
	s9 =	simm.s32 @!p0 $0x40  }
0xc4: {  	v9 =	vmul.f32 v28, v28;
	v11 =	vmul.f32 v32, v32;
	s9 =	sadd.s32 s9, s11  }
0xc5: {  	v13 =	vadd.f32 v28, v31;
	v14 =	vadd.f32 v32, v30;
	s3 =	smul.f32 s3, s26;
	v12 =	vld [tilespmem:s9+$0x4C80]  }
0xc6: {  	v8 =	vadd.f32 v9, v8;
	v9 =	vadd.f32 v11, v10;
	v15 =	vld [tilespmem:s9+$0x4C90]  }
0xc7: {  	v10 =	vadd.f32 v14, v13;
	v16 =	vld [tilespmem:s9+$0x4CA0];
	s8 =	smul.f32 s3, s4;
	s17 =	spop (v2sf)  }
0xc8: {  	s13 =	rddreg [dreg:$0x7];
	v13 =	vld [tilespmem:s9+$0x4CB0];
	v8 =	vadd.f32 v9, v8;
	s9 =	smul.f32 $1.562500000e-02, s17  }
0xc9: {  	s14 =	sadd.s32 $0x6, s22;
	v19 =	vld [tilespmem:s12+$0xFFFFFF90];
	(xrf2) =	vadd.scan.msk.f32 $0xffff, v10;
	s8 =	smul.f32 s8, s3;
	s18 =	spop (v2sf)  }
0xca: {  	s5 =	sadd.s32 $0x4, s22;
	v26 =	vld [tilespmem:s12+$0xFFFFFFA0];
	(xrf2) =	vadd.scan.msk.f32 $0xffff, v8;
	s19 =	spop (v2sf);
	s23 =	smul.f32 s9, s9  }
0xcb: {  	p1 =	sgt.u32 s5, $0x207;
	v61 =	vld [tilespmem:s12+$0xFFFFFFB0];
	s8 =	ssub.f32 $1.500000000e+00, s8;
	s16 =	spop (v2sf)  }
0xcc: {  	s5 =	sadd.s32 $0xFFFF7E00, s11;
	s15 =	smov.u32 s11;
	v34 =	vld [tilespmem:s12+$0xFFFFFFC0];
	s21 =	smul.f32 $1.562500000e-02, s16  }
0xcd: {  	s15 =	smov.u32 @p1 s5;
	v48 =	vld [tilespmem:s12+$0x0];
	p0 =	sgt.u32 s14, $0x207;
	s14 =	smul.f32 s8, s3  }
0xce: {  	v18 =	vld [tilespmem:s15+$0x4CB0];
	s13 =	simm.s32 @!p0 $0x80;
	s8 =	smul.f32 $1.562500000e-02, s18  }
0xcf: {  	v11 =	vld [tilespmem:s15+$0x4CA0];
	s10 =	sadd.s32 s13, s11;
	s22 =	spop (v2sf);
	s3 =	smul.f32 $1.562500000e-02, s19  }
0xd0: {  	v14 =	vld [tilespmem:s10+$0x4C80];
	s18 =	spop (v2sf);
	s13 =	smul.f32 $1.562500000e-02, s22  }
0xd1: {  	v17 =	vld [tilespmem:s10+$0x4C90];
	s5 =	ssub.f32 s21, s23;
	s25 =	smul.f32 $1.562500000e-02, s18  }
0xd2: {  	v24 =	vld [tilespmem:s10+$0x4CA0];
	s24 =	smul.f32 s8, s8  }
0xd3: {  	v25 =	vld [tilespmem:s10+$0x4CB0];
	s26 =	smul.f32 s3, s3;
	s5 =	sadd.f32 $9.999999740e-06, s5;
	v27, _, _ =	vpop (xrf2)  }
0xd4: {  	v10 =	vld [tilespmem:s15+$0x4C90];
	s4 =	smul.f32 s14, s4;
	s13 =	ssub.f32 s13, s24;
	(v2sf) =	vpush v27, $0xF;
	v27, _, _ =	vpop (xrf2)  }
0xd5: {  	v8 =	vld [tilespmem:s15+$0x4C80];
	s10 =	ssub.f32 s25, s26;
	s19 =	sshrl.u32 s5, $0x1;
	s15 =	smul.f32 $5.000000000e-01, s5;
	(v2sf) =	vpush v27, $0xF  }
0xd6: {  	v49 =	vld [tilespmem:s12+$0x10];
	s4 =	smul.f32 s4, s14;
	s16 =	ssub.s32 $0x5F3759DF, s19;
	s13 =	sadd.f32 $9.999999740e-06, s13  }
0xd7: {  	v9 =	vld [tilespmem:s12+$0xFFFFFF80];
	s5 =	sadd.f32 $9.999999740e-06, s10;
	s17 =	smul.f32 s16, s15  }
0xd8: {  	v35 =	vld [tilespmem:s12+$0xFFFFFFE0];
	s22 =	smul.f32 $5.000000000e-01, s13  }
0xd9: {  	v50 =	vld [tilespmem:s12+$0x20];
	s24 =	sshrl.u32 s13, $0x1;
	s13 =	smul.f32 $5.000000000e-01, s5  }
0xda: {  	v27 =	vld [tilespmem:s12+$0xFFFFFFD0];
	s21 =	sshrl.u32 s5, $0x1;
	s25 =	ssub.s32 $0x5F3759DF, s24;
	s18 =	smul.f32 s16, s17  }
0xdb: {  	v47 =	vld [tilespmem:s12+$0xFFFFFFF0];
	v11 =	vadd.f32 v11, v26;
	v14 =	vadd.f32 v14, v48;
	s26 =	ssub.s32 $0x5F3759DF, s21;
	s10 =	smul.f32 s25, s22  }
0xdc: {  	v26 =	vld [tilespmem:s12+$0x30];
	v17 =	vadd.f32 v17, v49;
	v9 =	vadd.f32 v8, v9;
	s23 =	smul.f32 s26, s13  }
0xdd: {  	v8 =	vadd.f32 v10, v19;
	v10 =	vadd.f32 v18, v61;
	s18 =	ssub.f32 $1.500000000e+00, s18;
	s21 =	smul.f32 s25, s10  }
0xde: {  	v18 =	vadd.f32 v12, v34;
	v12 =	vadd.f32 v24, v50;
	s4 =	ssub.f32 $1.500000000e+00, s4;
	s23 =	smul.f32 s26, s23  }
0xdf: {  	v62 =	vadd.f32 v8, v9;
	v19 =	vadd.f32 v15, v27;
	s16 =	smul.f32 s16, s18  }
0xe0: {  	s12 =	smul.f32 s4, s14;
	v15 =	vadd.f32 v16, v35;
	v16 =	vadd.f32 v13, v47;
	s17 =	ssub.f32 $1.500000000e+00, s21  }
0xe1: {  	v52 =	vadd.f32 v10, v11;
	v13 =	vadd.f32 v25, v26;
	s21 =	ssub.f32 $1.500000000e+00, s23;
	s23 =	smul.f32 s16, s15  }
0xe2: {  	v36 =	vmul.f32 v18, v18;
	v24 =	vadd.f32 v19, v18;
	v25 =	vadd.f32 v16, v15;
	s5 =	smul.f32 s25, s17  }
0xe3: {  	v27 =	vadd.f32 v17, v14;
	v63 =	vadd.f32 v13, v12;
	v37 =	vmul.f32 v19, v19;
	s21 =	smul.f32 s26, s21;
	s26 =	spop (v2sf)  }
0xe4: {  	v38 =	vmul.f32 v16, v16;
	v24 =	vadd.f32 v25, v24;
	v25 =	vmul.f32 v15, v15;
	s18 =	smul.f32 $1.562500000e-02, s26;
	s10 =	spop (v2sf)  }
0xe5: {  	v55 =	vmul.f32 v11, v11;
	v33 =	vadd.f32 v52, v62;
	v27 =	vadd.f32 v63, v27;
	s19 =	smul.f32 $1.562500000e-02, s10  }
0xe6: {  	v53 =	vmul.f32 v17, v17;
	v35 =	vadd.f32 v37, v36;
	(xrf2) =	vadd.scan.msk.f32 $0xffff, v24;
	v25 =	vadd.f32 v38, v25;
	s17 =	smul.f32 s18, s18  }
0xe7: {  	v40 =	vmul.f32 v8, v8;
	v54 =	vmul.f32 v13, v13;
	s4 =	smul.f32 s23, s16;
	(xrf2) =	vadd.scan.msk.f32 $0xffff, v27  }
0xe8: {  	s24 =	smul.f32 s5, s22;
	v24 =	vmul.f32 v14, v14;
	v27 =	vmul.f32 v12, v12;
	v25 =	vadd.f32 v25, v35;
	(xrf2) =	vadd.scan.msk.f32 $0xffff, v33;
	s19 =	ssub.f32 s19, s17  }
0xe9: {  	v56 =	vmul.f32 v10, v10;
	v26 =	vmul.f32 v9, v9;
	s25 =	smul.f32 s21, s13  }
0xea: {  	v24 =	vadd.f32 v53, v24;
	s14 =	smul.f32 s24, s5;
	v27 =	vadd.f32 v54, v27;
	(xrf2) =	vadd.scan.msk.f32 $0xffff, v25;
	s19 =	sadd.f32 $9.999999740e-06, s19  }
0xeb: {  	v57 =	vadd.f32 v56, v55;
	v26 =	vadd.f32 v40, v26;
	s4 =	ssub.f32 $1.500000000e+00, s4;
	s28 =	smul.f32 s25, s21  }
0xec: {  	v24 =	vadd.f32 v27, v24;
	s24 =	sshrl.u32 s19, $0x1;
	s25 =	smul.f32 $5.000000000e-01, s19  }
0xed: {  	s4 =	smul.f32 s4, s16;
	s14 =	ssub.f32 $1.500000000e+00, s14;
	v25 =	vadd.f32 v57, v26;
	s16 =	ssub.s32 $0x5F3759DF, s24  }
0xee: {  	(xrf2) =	vadd.scan.msk.f32 $0xffff, v24;
	s10 =	smul.f32 s16, s25  }
0xef: {  	s26 =	rddreg [dreg:$0x5];
	(xrf2) =	vadd.scan.msk.f32 $0xffff, v25;
	s19 =	smul.f32 s14, s5;
	s14 =	simm.s32 $0xD180  }
0xf0: {  	s29 =	sadd.s32 $0x4, s26;
	v24, _, _ =	vpop (xrf2);
	v25 =	vld [tilespmem:s14+$0x40];
	s5 =	smul.f32 s16, s10  }
0xf1: {  	s26 =	rddreg [dreg:$0x8];
	v26, _, _ =	vpop (xrf2);
	(v2sf) =	vpush v24, $0xF;
	v27 =	vld [tilespmem:s14+$0x50];
	s10 =	sadd.s32 $0x7, s29  }
0xf2: {  	s23 =	smul.f32 s12, s7;
	(v2sf) =	vpush v26, $0xF;
	v26 =	vld [tilespmem:s14+$0x60];
	v24, _, _ =	vpop (xrf2);
	p0 =	sgt.u32 s10, $0x207;
	s24 =	ssub.f32 $1.500000000e+00, s5  }
0xf3: {  	s17 =	ssub.f32 $1.500000000e+00, s28;
	v58 =	vld [tilespmem:s14+$0x70];
	(v2sf) =	vpush v24, $0xF;
	s5 =	sadd.s32 $0x100, s11;
	s26 =	simm.s32 @!p0 $0xC0  }
0xf4: {  	v29 =	vld [tilespmem:s14+$0xFFFFFFE0];
	v24, _, _ =	vpop (xrf2);
	s11 =	sadd.s32 s26, s5;
	s10 =	smul.f32 s16, s24  }
0xf5: {  	s21 =	smul.f32 s17, s21;
	s17 =	sadd.s32 $0x5, s29;
	(v2sf) =	vpush v24, $0xF;
	v59 =	vld [tilespmem:s11+$0x4C80]  }
0xf6: {  	s7 =	rddreg [dreg:$0x6];
	p0 =	sgt.u32 s17, $0x207;
	v60 =	vld [tilespmem:s11+$0x4C90];
	s16 =	smul.f32 s10, s25  }
0xf7: {  	s15 =	smul.f32 s4, s15;
	s7 =	simm.s32 @!p0 $0x40;
	v61 =	vld [tilespmem:s11+$0x4CA0]  }
0xf8: {  	v24, _, _ =	vpop (xrf2);
	s7 =	sadd.s32 s7, s5;
	v62 =	vld [tilespmem:s11+$0x4CB0];
	s16 =	smul.f32 s16, s10  }
0xf9: {  	s15 =	smul.f32 s15, s4;
	s26 =	rddreg [dreg:$0x7];
	(v2sf) =	vpush v24, $0xF;
	v24, _, _ =	vpop (xrf2);
	s24 =	sadd.s32 $0x6, s29;
	v49 =	vld [tilespmem:s7+$0x4C80]  }
0xfa: {  	s22 =	smul.f32 s19, s22;
	(v2sf) =	vpush v24, $0xF;
	p0 =	sgt.u32 s24, $0x207;
	v50 =	vld [tilespmem:s7+$0x4C90];
	s17 =	ssub.f32 $1.500000000e+00, s16  }
0xfb: {  	s11 =	smul.f32 s21, s13;
	v51 =	vld [tilespmem:s7+$0x4CA0];
	s26 =	simm.s32 @!p0 $0x80  }
0xfc: {  	v52 =	vld [tilespmem:s7+$0x4CB0];
	s24 =	sadd.s32 s26, s5;
	s10 =	smul.f32 s17, s10  }
0xfd: {  	s26 =	smul.f32 s22, s19;
	v34 =	vld [tilespmem:s24+$0x4C80];
	v24 =	vadd.f32 v59, v25;
	v25 =	vadd.f32 v60, v27  }
0xfe: {  	v23 =	vmul.f32 s12, v23;
	v35 =	vld [tilespmem:s24+$0x4C90];
	v26 =	vadd.f32 v61, v26;
	v27 =	vadd.f32 v62, v58;
	s22 =	smul.f32 s10, s25  }
0xff: {  	v40 =	vmov s23;
	s28 =	smov.u32 s5;
	s7 =	ssub.f32 $1.500000000e+00, s15;
	s11 =	smul.f32 s11, s21;
	v47 =	vld [tilespmem:s24+$0x4CA0];
	v63 =	vmul.f32 v24, v24;
	v36 =	vmul.f32 v25, v25  }
0x100: {  	s13 =	sadd.s32 $0xFFFF7E00, s5;
	v53 =	vld [tilespmem:s24+$0x4CB0];
	v61 =	vsub.f32 v23, v40;
	v54 =	vmul.f32 v26, v26;
	v55 =	vmul.f32 v27, v27;
	s24 =	spop (v2sf);
	s15 =	smul.f32 s22, s10  }
0x101: {  	v60 =	vld [tilespmem:s14+$0xFFFFFF90];
	v56 =	vadd.f32 v25, v24;
	v57 =	vadd.f32 v27, v26;
	s17 =	sadd.s32 $0x4, s29;
	s25 =	spop (v2sf);
	s22 =	smul.f32 s7, s4  }
0x102: {  	v23 =	vld [tilespmem:s14+$0xFFFFFFA0];
	p0 =	sgt.u32 s17, $0x207;
	v33 =	vadd.f32 v36, v63;
	v37 =	vadd.f32 v55, v54;
	s17 =	spop (v2sf);
	s7 =	smul.f32 $1.562500000e-02, s24  }
0x103: {  	v38 =	vadd.f32 v57, v56;
	v54 =	vld [tilespmem:s14+$0xFFFFFF80];
	s28 =	smov.u32 @p0 s13;
	s13 =	smul.f32 $1.562500000e-02, s17  }
0x104: {  	v58 =	vld [tilespmem:s28+$0x4C80];
	v33 =	vadd.f32 v37, v33;
	s23 =	spop (v2sf);
	s16 =	ssub.f32 $1.500000000e+00, s15  }
0x105: {  	v20 =	vmul.f32 s12, v20;
	v59 =	vld [tilespmem:s28+$0x4C90];
	(xrf2) =	vadd.scan.msk.f32 $0xffff, v38;
	s4 =	smul.f32 $1.562500000e-02, s23  }
0x106: {  	v21 =	vmul.f32 s12, v21;
	v55 =	vld [tilespmem:s28+$0x4CA0];
	(xrf2) =	vadd.scan.msk.f32 $0xffff, v33;
	s10 =	smul.f32 s16, s10  }
0x107: {  	v22 =	vmul.f32 s12, v22;
	v48 =	vsub.f32 v20, v40;
	v56 =	vld [tilespmem:s28+$0x4CB0];
	s15 =	smul.f32 $1.562500000e-02, s25  }
0x108: {  	v62 =	vsub.f32 v21, v40;
	v29 =	vadd.f32 v51, v29;
	v33 =	vld [tilespmem:s14+$0xFFFFFFD0];
	s25 =	spop (v2sf);
	s24 =	smul.f32 s10, s18  }
0x109: {  	v57 =	vsub.f32 v22, v40;
	s9 =	smul.f32 s22, s9;
	s17 =	spop (v2sf);
	v20 =	vmul.f32 s10, v31;
	v21 =	vmul.f32 s10, v32;
	v31 =	vld [tilespmem:s14+$0xFFFFFFB0]  }
0x10a: {  	s16 =	ssub.f32 $1.500000000e+00, s26;
	s26 =	smul.f32 s7, s7;
	v22 =	vmul.f32 s10, v28;
	v28 =	vmul.f32 s10, v30;
	v32 =	vld [tilespmem:s14+$0xFFFFFFC0];
	v30 =	vmov s24  }
0x10b: {  	s23 =	ssub.f32 $1.500000000e+00, s11;
	s10 =	smul.f32 $1.562500000e-02, s17;
	v63 =	vsub.f32 v20, v30;
	v40 =	vsub.f32 v21, v30  }
0x10c: {  	v51 =	vld [tilespmem:s14+$0x30];
	s17 =	smul.f32 s13, s13;
	v37 =	vsub.f32 v22, v30;
	v38 =	vsub.f32 v28, v30  }
0x10d: {  	v48 =	vmul.f32 v48, v4;
	s4 =	ssub.f32 s4, s26;
	s18 =	smul.f32 s23, s21;
	v22 =	vadd.f32 v58, v54;
	v21 =	vadd.f32 v59, v60;
	v54 =	vld [tilespmem:s14+$0xFFFFFFF0]  }
0x10e: {  	v39 =	vmul.f32 s22, v39;
	s24 =	smul.f32 $1.562500000e-02, s25;
	v20 =	vadd.f32 v55, v23;
	v23 =	vadd.f32 v56, v31;
	v31 =	vld [tilespmem:s14+$0x0]  }
0x10f: {  	v44 =	vmul.f32 s22, v44;
	s25 =	smul.f32 s15, s15;
	s26 =	sadd.f32 $9.999999740e-06, s4;
	v60, _, _ =	vpop (xrf2);
	v30 =	vadd.f32 v50, v33;
	v28 =	vadd.f32 v49, v32;
	v32 =	vld [tilespmem:s14+$0x10]  }
0x110: {  	v45 =	vmul.f32 s22, v45;
	s4 =	smul.f32 s16, s19;
	s10 =	ssub.f32 s10, s17;
	v50 =	vld [tilespmem:s14+$0x20];
	(v2sf) =	vpush v60, $0xF;
	v55 =	vadd.f32 v21, v22;
	v36, _, _ =	vpop (xrf2)  }
0x111: {  	s12 =	ssub.f32 s24, s25;
	s24 =	sshrl.u32 s26, $0x1;
	s11 =	smul.f32 $5.000000000e-01, s26;
	v49 =	vmul.f32 v30, v30;
	(v2sf) =	vpush v36, $0xF;
	v59 =	vmul.f32 v28, v28  }
0x112: {  	v46 =	vmul.f32 s22, v46;
	s10 =	sadd.f32 $9.999999740e-06, s10;
	s8 =	smul.f32 s4, s8;
	s16 =	ssub.s32 $0x5F3759DF, s24;
	v56 =	vadd.f32 v23, v20;
	v33 =	vadd.f32 v52, v54  }
0x113: {  	v43 =	vmul.f32 s4, v43;
	s12 =	sadd.f32 $9.999999740e-06, s12;
	s26 =	smul.f32 s16, s11;
	v52 =	vadd.f32 v30, v28;
	v49 =	vadd.f32 v49, v59  }
0x114: {  	s21 =	smul.f32 $5.000000000e-01, s10;
	v54 =	vmul.f32 v29, v29;
	v31 =	vadd.f32 v34, v31;
	v32 =	vadd.f32 v35, v32  }
0x115: {  	s19 =	smul.f32 $5.000000000e-01, s12;
	s12 =	sshrl.u32 s12, $0x1;
	v36 =	vmul.f32 v33, v33;
	v34 =	vadd.f32 v47, v50;
	v35 =	vadd.f32 v53, v51  }
0x116: {  	v58 =	vmul.f32 v22, v22;
	s10 =	sshrl.u32 s10, $0x1;
	s23 =	smul.f32 s16, s26;
	s12 =	ssub.s32 $0x5F3759DF, s12;
	v55 =	vadd.f32 v56, v55;
	v53 =	vadd.f32 v32, v31  }
0x117: {  	s10 =	ssub.s32 $0x5F3759DF, s10;
	v59 =	vmul.f32 v20, v20;
	s17 =	smul.f32 s12, s19;
	v36 =	vadd.f32 v36, v54;
	v54 =	vadd.f32 v35, v34  }
0x118: {  	s24 =	smul.f32 s10, s21;
	v60 =	vadd.f32 v33, v29;
	v51 =	vmul.f32 v21, v21;
	s23 =	ssub.f32 $1.500000000e+00, s23;
	v47 =	vmul.f32 v31, v31  }
0x119: {  	v50 =	vmul.f32 v32, v32;
	s25 =	smul.f32 s12, s17;
	v53 =	vadd.f32 v54, v53;
	v54 =	vmul.f32 v62, v3;
	v62 =	vld [tilespmem:$0x1FFF0]  }
0x11a: {  	v52 =	vadd.f32 v60, v52;
	s16 =	smul.f32 s16, s23;
	v56 =	vmul.f32 v34, v34;
	v60 =	vmul.f32 v35, v35  }
0x11b: {  	s17 =	smul.f32 s10, s24;
	v51 =	vadd.f32 v51, v58;
	v58 =	vmul.f32 s4, v42;
	v47 =	vadd.f32 v50, v47  }
0x11c: {  	v50 =	vmul.f32 v23, v23;
	s25 =	ssub.f32 $1.500000000e+00, s25;
	v60 =	vadd.f32 v60, v56;
	v56 =	vmul.f32 v61, v5;
	s23 =	smul.f32 s16, s11;
	v61 =	vld [tilespmem:$0x1FFB0]  }
0x11d: {  	v42 =	vmul.f32 v37, v3;
	s22 =	ssub.f32 $1.500000000e+00, s17;
	v36 =	vadd.f32 v36, v49;
	v49 =	vmul.f32 v57, v2;
	s17 =	smul.f32 s18, s3  }
0x11e: {  	v57 =	vmul.f32 s4, v41;
	s3 =	smul.u32 $0x140, s1;
	v50 =	vadd.f32 v50, v59;
	v56 =	vadd.f32 v56, v62  }
0x11f: {  	s25 =	smul.f32 s12, s25;
	v47 =	vadd.f32 v60, v47;
	v60 =	vmov s9;
	s9 =	simm.s32 $0x11F80;
	v49 =	vadd.f32 v49, v6  }
0x120: {  	v41 =	vmul.f32 v63, v2;
	s22 =	smul.f32 s10, s22;
	v54 =	vadd.f32 v54, v7;
	v39 =	vsub.f32 v39, v60;
	[tilespmem:s9+$0x70] =	vst v56  }
0x121: {  	s10 =	smul.f32 s23, s16;
	v44 =	vsub.f32 v44, v60;
	v50 =	vadd.f32 v50, v51;
	v51 =	vmul.f32 s4, v61;
	v61 =	vld [tilespmem:$0x1FFE0]  }
0x122: {  	(xrf2) =	vadd.scan.msk.f32 $0xffff, v52;
	v59 =	vmov s8;
	v45 =	vsub.f32 v45, v60;
	v46 =	vsub.f32 v46, v60;
	s24 =	smul.f32 s25, s19;
	v52 =	vld [tilespmem:$0x1FFC0]  }
0x123: {  	(xrf2) =	vadd.scan.msk.f32 $0xffff, v53;
	v60 =	vmul.f32 v40, v5;
	v53 =	vsub.f32 v57, v59;
	s26 =	smul.f32 s22, s21;
	v44 =	vmul.f32 v44, v3;
	v56 =	vld [tilespmem:$0x1FFD0]  }
0x124: {  	v40 =	vmul.f32 v38, v4;
	v43 =	vsub.f32 v43, v59;
	(xrf2) =	vadd.scan.msk.f32 $0xffff, v55;
	s8 =	ssub.f32 $1.500000000e+00, s10;
	v46 =	vmul.f32 v46, v5;
	s12 =	smul.f32 s24, s25  }
0x125: {  	v57 =	vmul.f32 s18, v0;
	(xrf2) =	vadd.scan.msk.f32 $0xffff, v36;
	s23 =	spop (v2sf);
	v53 =	vmul.f32 v53, v2;
	s4 =	smul.f32 s26, s22;
	v44 =	vadd.f32 v44, v7  }
0x126: {  	(xrf2) =	vadd.scan.msk.f32 $0xffff, v47;
	v47 =	vadd.f32 v46, v62;
	s10 =	ssub.f32 $1.500000000e+00, s12;
	s12 =	smul.f32 s8, s16;
	[tilespmem:s9+$0x40] =	vst v49;
	v49 =	vsub.f32 v51, v59  }
0x127: {  	s29 =	smul.f32 $1.562500000e-02, s23;
	v51 =	vmov s17;
	[tilespmem:s9+$0x50] =	vst v54;
	v54 =	vadd.f32 v60, v62;
	v60 =	vmul.f32 v39, v2  }
0x128: {  	s26 =	smul.f32 s12, s11;
	v63 =	vadd.f32 v48, v61;
	v38 =	vmul.f32 s18, v52;
	v48 =	vmul.f32 s18, v56  }
0x129: {  	s24 =	spop (v2sf);
	v37 =	vadd.f32 v60, v6;
	v52 =	vmul.f32 s18, v1;
	v56 =	vsub.f32 v58, v59;
	s18 =	smul.f32 s10, s25  }
0x12a: {  	s4 =	ssub.f32 $1.500000000e+00, s4;
	v60 =	vmul.f32 v49, v5;
	s10 =	smul.f32 $1.562500000e-02, s24;
	v38 =	vsub.f32 v38, v51;
	[tilespmem:s9+$0x60] =	vst v63;
	v63 =	vsub.f32 v48, v51  }
0x12b: {  	s25 =	smul.f32 s29, s29;
	v52 =	vsub.f32 v52, v51;
	v51 =	vsub.f32 v57, v51;
	v57 =	vmul.f32 v45, v4  }
0x12c: {  	v46 =	vadd.f32 v53, v6;
	s8 =	simm.s32 $0x12080;
	[tilespmem:s9+$0xFFFFFFD0] =	vst v44;
	s28 =	smul.f32 s4, s22;
	v59 =	vmul.f32 v43, v4;
	v58 =	vmul.f32 v56, v3  }
0x12d: {  	[tilespmem:s8+$0x70] =	vst v54;
	s16 =	smul.f32 s26, s12;
	s10 =	ssub.f32 s10, s25;
	v45 =	vmul.f32 v38, v2;
	v38 =	vmul.f32 v63, v3;
	v63 =	vadd.f32 v57, v61  }
0x12e: {  	(xrf2) =	vadd.scan.msk.f32 $0xffff, v50;
	[tilespmem:s9+$0xFFFFFFC0] =	vst v37;
	v37 =	vadd.f32 v60, v62;
	s4 =	smul.f32 s18, s19;
	v44 =	vadd.f32 v59, v61;
	v48, _, _ =	vpop (xrf2)  }
0x12f: {  	s11 =	simm.s32 $0x8;
	s19 =	smul.f32 s28, s21;
	v39 =	vmul.f32 v52, v4;
	v43 =	vadd.f32 v58, v7;
	v36 =	vmul.f32 v51, v5;
	s21 =	sadd.f32 $9.999999740e-06, s10;
	v49, _, _ =	vpop (xrf2);
	[tilespmem:s9+$0xFFFFFFE0] =	vst v63  }
.LBB2_5:
0x130: {  	_ = 	snop  }
0x131: {  	v41 =	vadd.f32 v41, v6;
	s10 =	sshrl.u32 s21, $0x1;
	s21 =	smul.f32 $5.000000000e-01, s21  }
0x132: {  	v42 =	vadd.f32 v42, v7;
	s17 =	rddreg [dreg:$0x5];
	s22 =	smul.f32 s4, s18  }
0x133: {  	(v2sf) =	vpush v48, $0xF;
	v40 =	vadd.f32 v40, v61;
	s16 =	ssub.f32 $1.500000000e+00, s16;
	s19 =	smul.f32 s19, s28;
	s10 =	ssub.s32 $0x5F3759DF, s10;
	[tilespmem:s8+$0x40] =	vst v41  }
0x134: {  	s14 =	sadd.s32 $0x100, s14;
	[tilespmem:s8+$0x50] =	vst v42;
	s25 =	smul.f32 s10, s21;
	s26 =	ssub.f32 $1.500000000e+00, s22  }
0x135: {  	(v2sf) =	vpush v49, $0xF;
	s17 =	sadd.s32 s11, s17;
	[tilespmem:s8+$0x60] =	vst v40;
	s22 =	ssub.f32 $1.500000000e+00, s19;
	s19 =	smul.f32 s16, s12  }
0x136: {  	s24 =	sadd.s32 $0x7, s17;
	v40 =	vld [tilespmem:s14+$0x40];
	v50, _, _ =	vpop (xrf2);
	s25 =	smul.f32 s10, s25  }
0x137: {  	p0 =	sgt.u32 s24, $0x207;
	v42 =	vld [tilespmem:s14+$0x50];
	(v2sf) =	vpush v50, $0xF;
	s12 =	smul.f32 s26, s18;
	s18 =	rddreg [dreg:$0x8];
	v59, _, _ =	vpop (xrf2)  }
0x138: {  	s5 =	sadd.s32 $0x100, s5;
	v53 =	vld [tilespmem:s14+$0x60];
	s18 =	simm.s32 @!p0 $0xC0;
	s16 =	ssub.f32 $1.500000000e+00, s25;
	(v2sf) =	vpush v59, $0xF  }
0x139: {  	v54 =	vld [tilespmem:s14+$0x70];
	s18 =	sadd.s32 s18, s5  }
0x13a: {  	[tilespmem:s9+$0x10] =	vst v43;
	v43 =	vmul.f32 s12, v14;
	v14 =	vmov v31;
	v52, _, _ =	vpop (xrf2);
	v31 =	vld [tilespmem:s18+$0x4C80];
	s10 =	smul.f32 s10, s16  }
0x13b: {  	[tilespmem:s9+$0xFFFFFFF0] =	vst v47;
	v56 =	vld [tilespmem:s18+$0x4CA0];
	(v2sf) =	vpush v52, $0xF  }
0x13c: {  	[tilespmem:s9+$0x0] =	vst v46;
	s26 =	sadd.s32 $0x6, s17;
	v57 =	vld [tilespmem:s18+$0x4CB0];
	s16 =	smul.f32 s10, s21  }
0x13d: {  	s4 =	rddreg [dreg:$0x7];
	v45 =	vadd.f32 v45, v6;
	[tilespmem:s9+$0x20] =	vst v44;
	p2 =	sgt.u32 s26, $0x207;
	v55 =	vld [tilespmem:s18+$0x4C90]  }
0x13e: {  	v60 =	vadd.f32 v38, v7;
	[tilespmem:s9+$0x30] =	vst v37;
	v37 =	vmul.f32 s19, v18;
	v18 =	vmov v28;
	s25 =	sadd.s32 $0x5, s17;
	s4 =	simm.s32 @!p2 $0x80;
	v28, _, _ =	vpop (xrf2);
	s16 =	smul.f32 s16, s10  }
0x13f: {  	s23 =	rddreg [dreg:$0x6];
	v61 =	vadd.f32 v39, v61;
	v0 =	vld [tilespmem:s14+$0x30];
	[tilespmem:s9+$0xFFFFFF80] =	vst v45;
	p1 =	sgt.u32 s25, $0x207;
	s4 =	sadd.s32 s4, s5;
	(v2sf) =	vpush v28, $0xF  }
0x140: {  	v63 =	vadd.f32 v36, v62;
	[tilespmem:s9+$0xFFFFFF90] =	vst v60;
	v36 =	vmul.f32 s19, v19;
	v44 =	vmul.f32 s12, v17;
	v17 =	vmovc v32;
	s23 =	simm.s32 @!p1 $0x40;
	v32 =	vld [tilespmem:s4+$0x4C90];
	s25 =	ssub.f32 $1.500000000e+00, s16  }
0x141: {  	[tilespmem:s9+$0xFFFFFFA0] =	vst v61;
	s24 =	sadd.s32 $0x4, s17;
	s28 =	smul.f32 s22, s28;
	v46 =	vmul.f32 s12, v13;
	v13 =	vmovc v35;
	v35 =	vld [tilespmem:s4+$0x4CB0];
	s17 =	sadd.s32 s23, s5;
	v47 =	vadd.f32 v56, v53;
	v41 =	vadd.f32 v57, v54  }
0x142: {  	[tilespmem:s9+$0xFFFFFFB0] =	vst v63;
	s9 =	sadd.s32 $0xFFFF7E00, s5;
	v38 =	vmul.f32 s19, v15;
	v28 =	vld [tilespmem:s17+$0x4C80];
	v40 =	vadd.f32 v31, v40;
	v42 =	vadd.f32 v55, v42;
	s26 =	spop (v2sf);
	s10 =	smul.f32 s25, s10  }
0x143: {  	p3 =	sgt.u32 s24, $0x207;
	v19 =	vmov v30;
	v30 =	vld [tilespmem:s17+$0x4C90];
	s16 =	smov.u32 s5;
	v52 =	vmul.f32 v47, v47;
	v53 =	vmul.f32 v41, v41;
	s25 =	smul.f32 $1.562500000e-02, s26  }
0x144: {  	v15 =	vmov v29;
	v29 =	vld [tilespmem:s17+$0x4CA0];
	v60 =	vmul.f32 v40, v40;
	v51 =	vmul.f32 v42, v42;
	s16 =	smov.u32 @p3 s9;
	s24 =	spop (v2sf);
	s21 =	smul.f32 s10, s21  }
0x145: {  	s23 =	smul.f32 $1.562500000e-02, s24;
	v61 =	vadd.f32 v53, v52;
	v52 =	vld [tilespmem:s16+$0x4CA0]  }
0x146: {  	v50 =	vadd.f32 v51, v60;
	v60 =	vld [tilespmem:s14+$0xFFFFFFA0];
	s26 =	spop (v2sf);
	s21 =	smul.f32 s21, s10  }
0x147: {  	v39 =	vmul.f32 s19, v16;
	v16 =	vmovc v33;
	v33 =	vld [tilespmem:s17+$0x4CB0];
	v58 =	vadd.f32 v42, v40;
	v59 =	vadd.f32 v41, v47;
	s18 =	smul.f32 $1.562500000e-02, s26;
	s24 =	spop (v2sf)  }
0x148: {  	v54 =	vld [tilespmem:s16+$0x4C80];
	s21 =	ssub.f32 $1.500000000e+00, s21;
	s17 =	smul.f32 $1.562500000e-02, s24  }
0x149: {  	v48 =	vadd.f32 v59, v58;
	v49 =	vld [tilespmem:s16+$0x4C90];
	s24 =	smul.f32 s25, s25  }
0x14a: {  	v55 =	vld [tilespmem:s16+$0x4CB0];
	s26 =	spop (v2sf);
	s10 =	smul.f32 s21, s10  }
0x14b: {  	(xrf2) =	vadd.scan.msk.f32 $0xffff, v48;
	v56 =	vadd.f32 v61, v50;
	v50 =	vadd.f32 v52, v60;
	v52 =	vld [tilespmem:s14+$0xFFFFFFF0];
	s16 =	smul.f32 $1.562500000e-02, s26  }
0x14c: {  	v45 =	vmul.f32 s12, v12;
	v12 =	vmov v34;
	v34 =	vld [tilespmem:s4+$0x4CA0];
	s26 =	smul.f32 s18, s18  }
0x14d: {  	v31 =	vld [tilespmem:s4+$0x4C80];
	s4 =	ssub.f32 s17, s24;
	s24 =	smul.f32 s23, s23  }
0x14e: {  	(xrf2) =	vadd.scan.msk.f32 $0xffff, v56;
	s21 =	spop (v2sf);
	s29 =	smul.f32 s10, s29;
	v63 =	vmul.f32 s10, v24  }
0x14f: {  	v35 =	vadd.f32 v35, v0;
	s17 =	smul.f32 $1.562500000e-02, s21;
	v57 =	vmul.f32 s10, v26;
	v58 =	vmul.f32 s10, v27;
	v26 =	vmovc v47;
	v47 =	vld [tilespmem:s14+$0xFFFFFF80];
	s4 =	sadd.f32 $9.999999740e-06, s4  }
0x150: {  	s12 =	smul.f32 s12, s15;
	v53 =	vmul.f32 s10, v25;
	v33 =	vadd.f32 v33, v52;
	s10 =	ssub.f32 s16, s24;
	v59 =	vmov s29  }
0x151: {  	v51 =	vld [tilespmem:s14+$0xFFFFFF90];
	s17 =	ssub.f32 s17, s26;
	v61 =	vsub.f32 v63, v59;
	v63 =	vsub.f32 v58, v59;
	s24 =	sshrl.u32 s4, $0x1;
	s21 =	smul.f32 $5.000000000e-01, s4  }
0x152: {  	v1 =	vmul.f32 v33, v33;
	v53 =	vsub.f32 v53, v59;
	v56 =	vsub.f32 v57, v59;
	v57 =	vld [tilespmem:s14+$0xFFFFFFB0];
	s10 =	sadd.f32 $9.999999740e-06, s10;
	s4 =	smul.f32 s19, s7;
	s29 =	ssub.s32 $0x5F3759DF, s24  }
0x153: {  	v24 =	vmovc v40;
	v27 =	vmov v41;
	v59 =	vld [tilespmem:s14+$0xFFFFFFE0];
	s17 =	sadd.f32 $9.999999740e-06, s17;
	v41 =	vmul.f32 v61, v2;
	v48 =	vmul.f32 v63, v5;
	s16 =	smul.f32 s29, s21  }
0x154: {  	v25 =	vmovc v42;
	v58 =	vld [tilespmem:s14+$0xFFFFFFC0];
	s7 =	smov.u32 s25;
	v42 =	vmul.f32 v53, v3;
	v40 =	vmul.f32 v56, v4;
	v61 =	vadd.f32 v54, v47;
	s24 =	sshrl.u32 s10, $0x1;
	s19 =	smul.f32 $5.000000000e-01, s10  }
0x155: {  	v60, _, _ =	vpop (xrf2);
	v54 =	vld [tilespmem:s14+$0xFFFFFFD0];
	v47 =	vmul.f32 s28, v9;
	s25 =	sshrl.u32 s17, $0x1;
	s22 =	smul.f32 $5.000000000e-01, s17;
	s17 =	ssub.s32 $0x5F3759DF, s24;
	v63 =	vadd.f32 v48, v62;
	v48 =	vmul.f32 s28, v8  }
0x156: {  	s10 =	ssub.s32 $0x5F3759DF, s25;
	v8 =	vmovc v21;
	v21 =	vadd.f32 v49, v51;
	v51 =	vmul.f32 v61, v61;
	v49 =	vmul.f32 s28, v11;
	s26 =	smul.f32 s17, s19  }
0x157: {  	(v2sf) =	vpush v60, $0xF;
	v9 =	vmovc v22;
	v22 =	vmovc v61;
	v61 =	vmul.f32 v50, v50;
	v62 =	vmul.f32 s28, v10;
	s24 =	smul.f32 s10, s22  }
0x158: {  	v10 =	vmov v23;
	v23, _, _ =	vpop (xrf2);
	s16 =	smul.f32 s29, s16;
	v53 =	vadd.f32 v55, v57;
	v29 =	vadd.f32 v29, v59  }
0x159: {  	s9 =	smov.u32 s8;
	v11 =	vmovc v20;
	v57 =	vld [tilespmem:s14+$0x0];
	v28 =	vadd.f32 v28, v58;
	(v2sf) =	vpush v23, $0xF;
	v56 =	vmul.f32 v21, v21;
	s25 =	smul.f32 s17, s26  }
0x15a: {  	s8 =	sadd.s32 $0x100, s8;
	v20 =	vmovc v50;
	v58 =	vld [tilespmem:s14+$0x10];
	v55 =	vadd.f32 v21, v22;
	s26 =	smul.f32 s10, s24;
	s16 =	ssub.f32 $1.500000000e+00, s16;
	v30 =	vadd.f32 v30, v54;
	v60 =	vmul.f32 v29, v29  }
0x15b: {  	[tilespmem:s8+$0x70] =	vst v63;
	v50 =	vadd.f32 v53, v20;
	v63 =	vmul.f32 v53, v53;
	v54 =	vld [tilespmem:s14+$0x20];
	s25 =	ssub.f32 $1.500000000e+00, s25;
	v51 =	vadd.f32 v56, v51  }
0x15c: {  	v23 =	vmovc v53;
	s24 =	ssub.f32 $1.500000000e+00, s26;
	s16 =	smul.f32 s29, s16;
	v56 =	vmov s12;
	v53 =	vadd.f32 v30, v28;
	v1 =	vadd.f32 v1, v60  }
0x15d: {  	v50 =	vadd.f32 v50, v55;
	v43 =	vsub.f32 v43, v56;
	s17 =	smul.f32 s17, s25  }
0x15e: {  	s15 =	smov.u32 s23;
	v59 =	vmul.f32 v28, v28;
	v44 =	vsub.f32 v44, v56;
	v45 =	vsub.f32 v45, v56;
	s23 =	smul.f32 s10, s24  }
0x15f: {  	v52 =	vmul.f32 v30, v30;
	v31 =	vadd.f32 v31, v57;
	v32 =	vadd.f32 v32, v58;
	s26 =	smul.f32 s16, s21  }
0x160: {  	v57 =	vadd.f32 v33, v29;
	v34 =	vadd.f32 v34, v54;
	s25 =	smul.f32 s17, s19  }
0x161: {  	v60 =	vmul.f32 v35, v35;
	v52 =	vadd.f32 v52, v59;
	v0 =	vadd.f32 v32, v31;
	s24 =	smul.f32 s23, s22  }
0x162: {  	v43 =	vmul.f32 v43, v2;
	v53 =	vadd.f32 v57, v53;
	s10 =	smul.f32 s26, s16;
	v59 =	vadd.f32 v35, v34  }
0x163: {  	v46 =	vsub.f32 v46, v56;
	v54 =	vmul.f32 v31, v31;
	v58 =	vmul.f32 v32, v32;
	s26 =	smul.f32 s25, s17  }
0x164: {  	v1 =	vadd.f32 v1, v52;
	(xrf2) =	vadd.scan.msk.f32 $0xffff, v53;
	v53 =	vmov s4;
	s4 =	smul.f32 s24, s23;
	s10 =	ssub.f32 $1.500000000e+00, s10;
	v0 =	vadd.f32 v59, v0  }
0x165: {  	v57 =	vmul.f32 v34, v34;
	v54 =	vadd.f32 v58, v54;
	s24 =	smul.f32 s28, s13;
	v36 =	vsub.f32 v36, v53;
	s25 =	ssub.f32 $1.500000000e+00, s26  }
0x166: {  	v44 =	vmul.f32 v44, v3;
	v38 =	vsub.f32 v38, v53;
	v39 =	vsub.f32 v39, v53;
	s12 =	smul.f32 s10, s16;
	s16 =	spop (v2sf);
	(xrf2) =	vadd.scan.msk.f32 $0xffff, v0  }
0x167: {  	v55 =	vadd.f32 v60, v57;
	v57 =	vadd.f32 v63, v61;
	s4 =	ssub.f32 $1.500000000e+00, s4;
	v59 =	vmov s24;
	s29 =	smul.f32 $1.562500000e-02, s16  }
0x168: {  	s13 =	smov.u32 s18;
	v61 =	vld [tilespmem:$0x1FFE0];
	v60 =	vmul.f32 v46, v5;
	v46 =	vadd.f32 v43, v6;
	v43 =	vadd.f32 v44, v7;
	s18 =	smul.f32 s25, s17  }
0x169: {  	v56 =	vmul.f32 v45, v4;
	v47 =	vsub.f32 v47, v59;
	v52 =	vadd.f32 v55, v54;
	s28 =	smul.f32 s4, s23  }
0x16a: {  	s11 =	sadd.s32 $0x4, s11;
	v36 =	vmul.f32 v36, v3;
	v0 =	vsub.f32 v37, v53;
	v37 =	vadd.f32 v57, v51;
	s25 =	smul.f32 s29, s29;
	s24 =	spop (v2sf)  }
0x16b: {  	p0 =	slt.u32 s11, $0x9C;
	v51 =	vsub.f32 v48, v59;
	v53 =	vmul.f32 v38, v4;
	(xrf2) =	vadd.scan.msk.f32 $0xffff, v50;
	v50 =	vsub.f32 v62, v59;
	v62 =	vld [tilespmem:$0x1FFF0];
	s10 =	smul.f32 $1.562500000e-02, s24  }
.Ltmp3:
0x16c: {  	v54 =	vmul.f32 v39, v5;
	v55 =	vadd.f32 v36, v7;
	v0 =	vmul.f32 v0, v2;
	(pc) =	sbr.rel @p0 .LBB2_5-.Ltmp3, $4  }
0x16d: {  	s26 =	smul.f32 s12, s21;
	v45 =	vmul.f32 v47, v2;
	(xrf2) =	vadd.scan.msk.f32 $0xffff, v1;
	v1 =	vsub.f32 v49, v59;
	v63 =	vadd.f32 v53, v61  }
0x16e: {  	v38 =	vmul.f32 v51, v3;
	s4 =	smul.f32 s18, s19;
	v36 =	vmul.f32 v50, v5;
	[tilespmem:s9+$0xFFFFFFD0] =	vst v55;
	v0 =	vadd.f32 v0, v6;
	s10 =	ssub.f32 s10, s25  }
0x16f: {  	s19 =	smul.f32 s28, s22;
	v44 =	vadd.f32 v56, v61;
	v39 =	vmul.f32 v1, v4;
	[tilespmem:s9+$0xFFFFFFE0] =	vst v63;
	v48, _, _ =	vpop (xrf2);
	(xrf2) =	vadd.scan.msk.f32 $0xffff, v52  }
0x170: {  	s16 =	smul.f32 s26, s12;
	[tilespmem:s9+$0xFFFFFFC0] =	vst v0;
	v47 =	vadd.f32 v54, v62;
	s21 =	sadd.f32 $9.999999740e-06, s10;
	v49, _, _ =	vpop (xrf2);
	(xrf2) =	vadd.scan.msk.f32 $0xffff, v37;
	v37 =	vadd.f32 v60, v62  }
0x171: {  	(v2sf) =	vpush v48, $0xF  }
0x172: {  	s5 =	sshrl.u32 s21, $0x1;
	s10 =	smul.f32 $5.000000000e-01, s21  }
0x173: {  	(v2sf) =	vpush v49, $0xF;
	s5 =	ssub.s32 $0x5F3759DF, s5  }
0x174: {  	s11 =	smul.f32 s5, s10;
	_ =	sdelay $0x1  }
0x175: {  	v0, _, _ =	vpop (xrf2);
	s11 =	smul.f32 s5, s11  }
0x176: {  	(v2sf) =	vpush v0, $0xF;
	v59, _, _ =	vpop (xrf2)  }
0x177: {  	s4 =	smul.f32 s4, s18;
	(v2sf) =	vpush v59, $0xF;
	s11 =	ssub.f32 $1.500000000e+00, s11  }
0x178: {  	s14 =	ssub.f32 $1.500000000e+00, s16;
	s16 =	smul.f32 s19, s28  }
0x179: {  	v60, _, _ =	vpop (xrf2);
	s5 =	smul.f32 s5, s11  }
0x17a: {  	s4 =	ssub.f32 $1.500000000e+00, s4;
	s17 =	smul.f32 s14, s12;
	(v2sf) =	vpush v60, $0xF  }
0x17b: {  	v63, _, _ =	vpop (xrf2);
	s11 =	smul.f32 s5, s10  }
0x17c: {  	s4 =	smul.f32 s4, s18;
	(v2sf) =	vpush v63, $0xF  }
0x17d: {  	s11 =	smul.f32 s11, s5  }
0x17e: {  	s7 =	smul.f32 s17, s7  }
0x17f: {  	s11 =	ssub.f32 $1.500000000e+00, s11;
	s21 =	spop (v2sf)  }
0x180: {  	s14 =	smul.f32 $1.562500000e-02, s21  }
0x181: {  	s22 =	spop (v2sf);
	s5 =	smul.f32 s11, s5  }
0x182: {  	s12 =	smul.f32 $1.562500000e-02, s22  }
0x183: {  	s10 =	smul.f32 s5, s10  }
0x184: {  	s25 =	smul.f32 s14, s14  }
0x185: {  	s23 =	spop (v2sf);
	s10 =	smul.f32 s10, s5  }
0x186: {  	s11 =	smul.f32 $1.562500000e-02, s23;
	s24 =	spop (v2sf)  }
0x187: {  	s10 =	ssub.f32 $1.500000000e+00, s10;
	s18 =	smul.f32 $1.562500000e-02, s24  }
0x188: {  	s16 =	ssub.f32 $1.500000000e+00, s16;
	s23 =	smul.f32 s11, s11  }
0x189: {  	s26 =	spop (v2sf);
	s5 =	smul.f32 s10, s5  }
0x18a: {  	s10 =	ssub.f32 s18, s25;
	s21 =	smul.f32 $1.562500000e-02, s26  }
0x18b: {  	s24 =	spop (v2sf);
	s25 =	smul.f32 s12, s12  }
0x18c: {  	s19 =	smul.f32 $1.562500000e-02, s24;
	s10 =	sadd.f32 $9.999999740e-06, s10  }
0x18d: {  	s22 =	smul.f32 s5, s29;
	s25 =	ssub.f32 s21, s25  }
0x18e: {  	s24 =	ssub.f32 s19, s23;
	s26 =	sshrl.u32 s10, $0x1;
	s18 =	smul.f32 $5.000000000e-01, s10  }
0x18f: {  	s21 =	smul.f32 s16, s28;
	s19 =	sadd.f32 $9.999999740e-06, s25;
	s23 =	ssub.s32 $0x5F3759DF, s26  }
0x190: {  	s10 =	sadd.f32 $9.999999740e-06, s24;
	s26 =	smul.f32 s23, s18  }
0x191: {  	s25 =	sshrl.u32 s19, $0x1;
	s19 =	smul.f32 $5.000000000e-01, s19  }
0x192: {  	s28 =	sshrl.u32 s10, $0x1;
	s16 =	smul.f32 $5.000000000e-01, s10;
	s10 =	ssub.s32 $0x5F3759DF, s25  }
0x193: {  	s25 =	ssub.s32 $0x5F3759DF, s28;
	s28 =	smul.f32 s10, s19  }
0x194: {  	s26 =	smul.f32 s23, s26  }
0x195: {  	s29 =	smul.f32 s25, s16  }
0x196: {  	v48 =	vadd.f32 v41, v6;
	v1 =	vadd.f32 v42, v7;
	s28 =	smul.f32 s10, s28  }
0x197: {  	v40 =	vadd.f32 v40, v61;
	v38 =	vadd.f32 v38, v7;
	v18 =	vmul.f32 s17, v18;
	s15 =	smul.f32 s4, s15;
	s26 =	ssub.f32 $1.500000000e+00, s26  }
0x198: {  	v39 =	vadd.f32 v39, v61;
	v15 =	vmul.f32 s17, v15;
	v16 =	vmul.f32 s17, v16;
	s29 =	smul.f32 s25, s29;
	s24 =	ssub.f32 $1.500000000e+00, s28  }
0x199: {  	v36 =	vadd.f32 v36, v62;
	v14 =	vmul.f32 s4, v14;
	v12 =	vmul.f32 s4, v12;
	s23 =	smul.f32 s23, s26  }
0x19a: {  	v13 =	vmul.f32 s4, v13;
	v51 =	vmov s7;
	v53 =	vmov s15;
	s28 =	ssub.f32 $1.500000000e+00, s29;
	s10 =	smul.f32 s10, s24  }
0x19b: {  	v27 =	vmul.f32 s5, v27;
	v24 =	vmul.f32 s5, v24;
	v50 =	vmov s22;
	s22 =	smul.f32 s23, s18  }
0x19c: {  	[tilespmem:s9+$0x0] =	vst v46;
	v15 =	vsub.f32 v15, v51;
	v25 =	vmul.f32 s5, v25;
	v26 =	vmul.f32 s5, v26;
	s5 =	smul.f32 s25, s28  }
0x19d: {  	[tilespmem:s9+$0x10] =	vst v43;
	v17 =	vmul.f32 s4, v17;
	v16 =	vsub.f32 v16, v51;
	v14 =	vsub.f32 v14, v53;
	s24 =	smul.f32 s10, s19  }
0x19e: {  	[tilespmem:s8+$0x50] =	vst v1;
	v19 =	vmul.f32 s17, v19;
	v12 =	vsub.f32 v12, v53;
	v1 =	vsub.f32 v13, v53;
	s17 =	smul.f32 s22, s23  }
0x19f: {  	[tilespmem:s9+$0x20] =	vst v44;
	v17 =	vsub.f32 v17, v53;
	v15 =	vmul.f32 v15, v4;
	v16 =	vmul.f32 v16, v5;
	s25 =	smul.f32 s5, s16  }
0x1a0: {  	v49 =	vadd.f32 v45, v6;
	[tilespmem:s9+$0xFFFFFFF0] =	vst v47;
	v12 =	vmul.f32 v12, v4;
	v1 =	vmul.f32 v1, v5;
	s4 =	smul.f32 s24, s10  }
0x1a1: {  	[tilespmem:s9+$0x30] =	vst v37;
	v14 =	vmul.f32 v14, v2;
	v17 =	vmul.f32 v17, v3;
	v15 =	vadd.f32 v15, v61;
	s13 =	smul.f32 s21, s13;
	s17 =	ssub.f32 $1.500000000e+00, s17  }
0x1a2: {  	[tilespmem:s8+$0x40] =	vst v48;
	v12 =	vadd.f32 v12, v61;
	v1 =	vadd.f32 v1, v62;
	v9 =	vmul.f32 s21, v9;
	s26 =	smul.f32 s25, s5;
	s4 =	ssub.f32 $1.500000000e+00, s4  }
0x1a3: {  	[tilespmem:s8+$0x60] =	vst v40;
	v52 =	vmul.f32 s21, v10;
	v10 =	vsub.f32 v18, v51;
	v18 =	vsub.f32 v19, v51;
	s22 =	smul.f32 s17, s23  }
0x1a4: {  	[tilespmem:s9+$0xFFFFFF90] =	vst v38;
	v8 =	vmul.f32 s21, v8;
	v27 =	vsub.f32 v27, v50;
	v24 =	vsub.f32 v24, v50;
	s7 =	ssub.f32 $1.500000000e+00, s26;
	s4 =	smul.f32 s4, s10  }
0x1a5: {  	[tilespmem:s9+$0xFFFFFFA0] =	vst v39;
	v11 =	vmul.f32 s21, v11;
	v25 =	vsub.f32 v25, v50;
	v26 =	vsub.f32 v26, v50;
	s23 =	smul.f32 s22, s18  }
0x1a6: {  	[tilespmem:s9+$0xFFFFFFB0] =	vst v36;
	v10 =	vmul.f32 v10, v2;
	v19 =	vmov s13;
	v13 =	vmul.f32 v18, v3;
	s5 =	smul.f32 s7, s5  }
0x1a7: {  	[tilespmem:s9+$0xFFFFFF80] =	vst v49;
	v27 =	vmul.f32 v27, v5;
	v24 =	vmul.f32 v24, v2;
	v9 =	vsub.f32 v9, v19;
	s25 =	smul.f32 s4, s19  }
0x1a8: {  	[tilespmem:s8+$0xFFFFFFE0] =	vst v15;
	v25 =	vmul.f32 v25, v3;
	v8 =	vsub.f32 v8, v19;
	v11 =	vsub.f32 v11, v19;
	s10 =	smul.f32 s23, s22  }
0x1a9: {  	[tilespmem:s8+$0x20] =	vst v12;
	v26 =	vmul.f32 v26, v4;
	v0 =	vsub.f32 v52, v19;
	v10 =	vadd.f32 v10, v6;
	s26 =	smul.f32 s5, s16  }
0x1aa: {  	[tilespmem:s8+$0x30] =	vst v1;
	v13 =	vadd.f32 v13, v7;
	v27 =	vadd.f32 v27, v62;
	v9 =	vmul.f32 v9, v2;
	s10 =	ssub.f32 $1.500000000e+00, s10;
	s9 =	smul.f32 s25, s4  }
0x1ab: {  	v8 =	vmul.f32 v8, v3;
	v15 =	vadd.f32 v24, v6;
	[tilespmem:s8+$0xFFFFFFC0] =	vst v10;
	v10 =	vadd.f32 v16, v62;
	s13 =	smul.f32 s26, s5  }
0x1ac: {  	v11 =	vmul.f32 v11, v4;
	[tilespmem:s8+$0xFFFFFFD0] =	vst v13;
	v13 =	vadd.f32 v14, v6;
	v14 =	vadd.f32 v17, v7;
	s9 =	ssub.f32 $1.500000000e+00, s9;
	s10 =	smul.f32 s10, s22  }
0x1ad: {  	v0 =	vmul.f32 v0, v5;
	v9 =	vadd.f32 v9, v6;
	v8 =	vadd.f32 v8, v7;
	[tilespmem:s8+$0xFFFFFFF0] =	vst v10  }
0x1ae: {  	v11 =	vadd.f32 v11, v61;
	[tilespmem:s8+$0x10] =	vst v14;
	s13 =	ssub.f32 $1.500000000e+00, s13;
	s4 =	smul.f32 s9, s4;
	v14 =	vmul.f32 s10, v28;
	v16 =	vmul.f32 s10, v30  }
0x1af: {  	v0 =	vadd.f32 v0, v62;
	[tilespmem:s8+$0x0] =	vst v13;
	v12 =	vmul.f32 s10, v29;
	v17 =	vmul.f32 s10, v33;
	s10 =	smul.f32 s10, s14  }
0x1b0: {  	v10 =	vadd.f32 v25, v7;
	v13 =	vadd.f32 v26, v61;
	[tilespmem:s8+$0xFFFFFF80] =	vst v9;
	s24 =	sadd.s32 $0x100, s8;
	s5 =	smul.f32 s13, s5;
	v54 =	vmul.f32 s4, v31  }
0x1b1: {  	[tilespmem:s24+$0x40] =	vst v15;
	v18 =	vmul.f32 s4, v32;
	v15 =	vmul.f32 s4, v34;
	v24 =	vmov s10  }
0x1b2: {  	[tilespmem:s24+$0x50] =	vst v10;
	v19 =	vmul.f32 s4, v35;
	s4 =	smul.f32 s4, s12;
	v10 =	vmul.f32 s5, v22;
	v14 =	vsub.f32 v14, v24  }
0x1b3: {  	[tilespmem:s24+$0x60] =	vst v13;
	v13 =	vmul.f32 s5, v20;
	v16 =	vsub.f32 v16, v24;
	v12 =	vsub.f32 v12, v24  }
0x1b4: {  	[tilespmem:s8+$0xFFFFFF90] =	vst v8;
	s13 =	smul.f32 s5, s11;
	v8 =	vsub.f32 v17, v24;
	v9 =	vmov s4;
	v14 =	vmul.f32 v14, v2  }
0x1b5: {  	[tilespmem:s8+$0xFFFFFFA0] =	vst v11;
	v16 =	vmul.f32 v16, v3;
	v1 =	vsub.f32 v54, v9;
	v11 =	vsub.f32 v18, v9  }
0x1b6: {  	[tilespmem:s8+$0xFFFFFFB0] =	vst v0;
	v12 =	vmul.f32 v12, v4;
	v55 =	vmov s13;
	v14 =	vadd.f32 v14, v6  }
0x1b7: {  	[tilespmem:s24+$0x70] =	vst v27;
	v8 =	vmul.f32 v8, v5;
	v15 =	vsub.f32 v15, v9;
	v16 =	vadd.f32 v16, v7  }
0x1b8: {  	v9 =	vsub.f32 v19, v9;
	v1 =	vmul.f32 v1, v2;
	v12 =	vadd.f32 v12, v61;
	[tilespmem:s24+$0xFFFFFFC0] =	vst v14  }
0x1b9: {  	v10 =	vsub.f32 v10, v55;
	v11 =	vmul.f32 v11, v3;
	v8 =	vadd.f32 v8, v62;
	[tilespmem:s24+$0xFFFFFFD0] =	vst v16  }
0x1ba: {  	v20 =	vmul.f32 s5, v23;
	v9 =	vmul.f32 v9, v5;
	v1 =	vadd.f32 v1, v6;
	[tilespmem:s24+$0xFFFFFFE0] =	vst v12  }
0x1bb: {  	v21 =	vmul.f32 s5, v21;
	v10 =	vmul.f32 v10, v2;
	v11 =	vadd.f32 v11, v7;
	[tilespmem:s24+$0xFFFFFFF0] =	vst v8  }
0x1bc: {  	v0 =	vsub.f32 v20, v55;
	v14 =	vmul.f32 v15, v4;
	v9 =	vadd.f32 v9, v62;
	[tilespmem:s24+$0x0] =	vst v1  }
0x1bd: {  	v12 =	vsub.f32 v21, v55;
	v10 =	vadd.f32 v10, v6;
	[tilespmem:s24+$0x10] =	vst v11  }
0x1be: {  	v8 =	vsub.f32 v13, v55;
	v13 =	vadd.f32 v14, v61;
	[tilespmem:s24+$0x30] =	vst v9  }
0x1bf: {  	v0 =	vmul.f32 v0, v5;
	[tilespmem:s24+$0xFFFFFF80] =	vst v10  }
0x1c0: {  	v56 =	vmul.f32 v12, v3;
	[tilespmem:s24+$0x20] =	vst v13  }
0x1c1: {  	s14 =	sshll.u32 s1, $0x4;
	v0 =	vadd.f32 v0, v62;
	v8 =	vmul.f32 v8, v4;
	s15 =	rddreg [dreg:$0x11]  }
0x1c2: {  	v1 =	vadd.f32 v56, v7;
	s4 =	sadd.s32 s15, s14  }
0x1c3: {  	v8 =	vadd.f32 v8, v61;
	[tilespmem:s24+$0xFFFFFFB0] =	vst v0;
	s4 =	smul.u32 $0xA0, s4  }
0x1c4: {  	p0 =	seq.s32 s1, $0x0;
	s17 =	simm.s32 $0x11F00;
	s18 =	sshll.u32 s1, $0x1;
	[tilespmem:s24+$0xFFFFFF90] =	vst v1  }
0x1c5: {  	s16 =	simm.s32 $0x0;
	s5 =	simm.s32 @!p0 $0x4;
	[tilespmem:s24+$0xFFFFFFA0] =	vst v8;
	s4 =	sadd.s32 s20, s4  }
0x1c6: {  	[hbm4b:s4+s16] =	stream.linear.scatter [tilespmem:s17], [sflag:$0x3], $0x2800, $0x38;
	[tilespmem:$0x16F00] =	vst v63  }
0x1c7: {  	s13 =	sor.u32 $0x1, s18;
	_ =	swait.ge @!p0 [sflag:s5], $0x2800  }
0x1c8: {  	s19 =	simm.s32 $0x50;
	s4 =	smul.u32 $0xA0, s13;
	[sflag:s5] =	ssyncset.done @!p0 $0x0  }
0x1c9: {  	s24 =	smov.u32 s20;
	s20 =	simm.s32 $0xF700;
	[sflag:s5] =	ssyncadd.s32 @!p0 $0xFFFFD800  }
0x1ca: {  	[tilespmem:s20], [sflag:$0x2] =	stream.indirect.gather [hbm4b:s6+s19], $0x40, s4, s19, $0xb8;
	[tilespmem:$0x16F00] =	vst v63  }
0x1cb: {  	s21 =	simm.s32 $0x10B00;
	s22 =	simm.s32 $0x2;
	s4 =	sadd.s32 $0x50, s4  }
0x1cc: {  	[tilespmem:s21], [sflag:$0x2] =	stream.indirect.gather [hbm4b:s6+s19], $0x40, s4, s19, $0xb8;
	[tilespmem:$0x16F00] =	vst v63  }
0x1cd: {  	_ =	swait.ge [sflag:s22], $0x1400  }
0x1ce: {  	[sflag:s22] =	ssyncset.done $0x0  }
0x1cf: {  	[sflag:s22] =	ssyncadd.s32 $0xFFFFEC00  }
0x1d0: {  	_ =	swait.ge [sflag:s22], $0x1400  }
0x1d1: {  	s23 =	rddreg [dreg:$0x9];
	[sflag:s22] =	ssyncset.done $0x0  }
0x1d2: {  	s26 =	simm.s32 $0xF7F0;
	[sflag:s22] =	ssyncadd.s32 $0xFFFFEC00;
	s5 =	sadd.s32 $0xFFFFFFFC, s23  }
0x1d3: {  	s25 =	rddreg [dreg:$0xa];
	s11 =	sadd.s32 $0xA6, s5;
	v57 =	vld [tilespmem:s26+$0xFFFFFF90]  }
0x1d4: {  	s8 =	rddreg [dreg:$0xd];
	v58 =	vld [tilespmem:s26+$0xFFFFFFA0];
	p0 =	sgt.u32 s11, $0x207  }
0x1d5: {  	s7 =	sadd.s32 s2, s25;
	v8 =	vld [tilespmem:s26+$0xFFFFFFB0];
	s8 =	simm.s32 @!p0 $0xFFFFFFC0  }
0x1d6: {  	v9 =	vld [tilespmem:s26+$0xFFFFFFC0];
	s8 =	sadd.s32 s8, s7  }
0x1d7: {  	v10 =	vld [tilespmem:s8+$0x4C80]  }
0x1d8: {  	v11 =	vld [tilespmem:s8+$0x4C90]  }
0x1d9: {  	v12 =	vld [tilespmem:s8+$0x4CA0]  }
0x1da: {  	v13 =	vld [tilespmem:s8+$0x4CB0];
	_ =	sdelay $0x2  }
0x1db: {  	v18 =	vld [tilespmem:s26+$0xFFFFFF10]  }
0x1dc: {  	v19 =	vld [tilespmem:s26+$0xFFFFFF20];
	v26 =	vadd.f32 v10, v57;
	v24 =	vadd.f32 v11, v58  }
0x1dd: {  	v20 =	vld [tilespmem:s26+$0xFFFFFF30];
	v25 =	vadd.f32 v12, v8;
	v27 =	vadd.f32 v13, v9  }
0x1de: {  	v21 =	vld [tilespmem:s26+$0xFFFFFF40];
	v60 =	vmul.f32 v26, v26;
	v8 =	vmul.f32 v24, v24  }
0x1df: {  	s12 =	sadd.s32 $0xA4, s5;
	v22 =	vld [tilespmem:s26+$0xFFFFFF50];
	v10 =	vmul.f32 v25, v25;
	v11 =	vmul.f32 v27, v27  }
0x1e0: {  	v28 =	vld [tilespmem:s26+$0xFFFFFF60];
	p0 =	sgt.u32 s12, $0x207;
	s8 =	rddreg [dreg:$0xb];
	v13 =	vadd.f32 v24, v26;
	v14 =	vadd.f32 v27, v25  }
0x1e1: {  	s9 =	rddreg [dreg:$0xc];
	s14 =	sadd.s32 $0xA5, s5;
	v29 =	vld [tilespmem:s26+$0xFFFFFF70];
	s8 =	simm.s32 @!p0 $0xFFFFFF40;
	v1 =	vadd.f32 v8, v60;
	v8 =	vadd.f32 v11, v10  }
0x1e2: {  	s5 =	sadd.s32 $0xA7, s5;
	v62 =	vld [tilespmem:s26+$0xFFFFFFD0];
	p0 =	sgt.u32 s14, $0x207;
	s8 =	sadd.s32 s8, s7;
	v11 =	vadd.f32 v14, v13  }
0x1e3: {  	s9 =	simm.s32 @!p0 $0xFFFFFF80;
	p0 =	sgt.u32 s5, $0x207;
	s5 =	sadd.s32 $0xFFFF7E00, s7;
	v59 =	vld [tilespmem:s8+$0x4C80];
	v1 =	vadd.f32 v8, v1  }
0x1e4: {  	s9 =	sadd.s32 s9, s7;
	v15 =	vld [tilespmem:s8+$0x4CB0];
	s7 =	smov.u32 @p0 s5;
	(xrf2) =	vadd.scan.msk.f32 $0xffff, v11  }
0x1e5: {  	v61 =	vld [tilespmem:s7+$0x4C80];
	(xrf2) =	vadd.scan.msk.f32 $0xffff, v1  }
0x1e6: {  	v16 =	vld [tilespmem:s7+$0x4CA0]  }
0x1e7: {  	v17 =	vld [tilespmem:s7+$0x4CB0]  }
0x1e8: {  	v9 =	vld [tilespmem:s8+$0x4C90]  }
0x1e9: {  	v12 =	vld [tilespmem:s8+$0x4CA0]  }
0x1ea: {  	v35 =	vadd.f32 v59, v18;
	v18 =	vld [tilespmem:s26+$0xFFFFFFF0]  }
0x1eb: {  	v10 =	vld [tilespmem:s9+$0x4C80]  }
0x1ec: {  	v13 =	vld [tilespmem:s9+$0x4C90]  }
0x1ed: {  	v14 =	vld [tilespmem:s7+$0x4C90]  }
0x1ee: {  	v33 =	vadd.f32 v9, v19;
	v9 =	vld [tilespmem:s26+$0xFFFFFFE0];
	v23, _, _ =	vpop (xrf2)  }
0x1ef: {  	v8 =	vld [tilespmem:s9+$0x4CA0];
	(v2sf) =	vpush v23, $0xF;
	v23, _, _ =	vpop (xrf2)  }
0x1f0: {  	v11 =	vld [tilespmem:s9+$0x4CB0];
	(v2sf) =	vpush v23, $0xF  }
0x1f1: {  	v32 =	vadd.f32 v15, v21;
	v34 =	vadd.f32 v12, v20;
	v23 =	vld [tilespmem:s26+$0xFFFFFF80]  }
0x1f2: {  	v63 =	vadd.f32 v61, v62;
	v12 =	vmul.f32 v35, v35;
	v31 =	vadd.f32 v10, v22;
	v10 =	vld [tilespmem:s26+$0x0]  }
0x1f3: {  	v15 =	vadd.f32 v33, v35;
	v19 =	vmul.f32 v33, v33;
	v21 =	vadd.f32 v32, v34  }
0x1f4: {  	v39 =	vadd.f32 v16, v18;
	v30 =	vadd.f32 v13, v28  }
0x1f5: {  	v20 =	vmul.f32 v34, v34;
	v12 =	vadd.f32 v19, v12;
	v44 =	vadd.f32 v14, v9  }
0x1f6: {  	v22 =	vmul.f32 v32, v32;
	v29 =	vadd.f32 v8, v29;
	v28 =	vadd.f32 v11, v23  }
0x1f7: {  	v14 =	vmul.f32 v63, v63;
	v23 =	vadd.f32 v17, v10;
	v10 =	vadd.f32 v21, v15  }
0x1f8: {  	v19 =	vmul.f32 v39, v39;
	v8 =	vmul.f32 v31, v31;
	v13 =	vadd.f32 v30, v31  }
0x1f9: {  	v18 =	vadd.f32 v22, v20;
	v16 =	vmul.f32 v44, v44;
	v43 =	vadd.f32 v28, v29;
	(xrf2) =	vadd.scan.msk.f32 $0xffff, v10  }
0x1fa: {  	v11 =	vmul.f32 v30, v30;
	v15 =	vadd.f32 v44, v63;
	v17 =	vadd.f32 v23, v39  }
0x1fb: {  	v42 =	vmul.f32 v29, v29;
	v9 =	vmul.f32 v28, v28;
	v1 =	vadd.f32 v43, v13  }
0x1fc: {  	v10 =	vmul.f32 v23, v23;
	v8 =	vadd.f32 v11, v8;
	v11 =	vadd.f32 v17, v15  }
0x1fd: {  	v45 =	vadd.f32 v18, v12;
	v0 =	vadd.f32 v9, v42;
	(xrf2) =	vadd.scan.msk.f32 $0xffff, v1  }
0x1fe: {  	v9 =	vadd.f32 v16, v14;
	v10 =	vadd.f32 v10, v19;
	(xrf2) =	vadd.scan.msk.f32 $0xffff, v11;
	s15 =	spop (v2sf)  }
0x1ff: {  	v0 =	vadd.f32 v0, v8;
	(xrf2) =	vadd.scan.msk.f32 $0xffff, v45;
	s8 =	smul.f32 $1.562500000e-02, s15;
	s16 =	spop (v2sf)  }
0x200: {  	v46 =	vadd.f32 v10, v9;
	s4 =	smul.f32 $1.562500000e-02, s16  }
0x201: {  	s18 =	rddreg [dreg:$0x9];
	(xrf2) =	vadd.scan.msk.f32 $0xffff, v0;
	s17 =	smul.f32 s8, s8  }
0x202: {  	s19 =	rddreg [dreg:$0xa];
	(xrf2) =	vadd.scan.msk.f32 $0xffff, v46  }
0x203: {  	s5 =	sadd.s32 $0x0, s18;
	[tilespmem:$0x1FF80] =	vst v63;
	v47, _, _ =	vpop (xrf2);
	s4 =	ssub.f32 s4, s17  }
0x204: {  	s10 =	rddreg [dreg:$0xd];
	s14 =	simm.s32 $0xF8F0;
	s21 =	sadd.s32 $0xA6, s5;
	[tilespmem:$0x1FF90] =	vst v44;
	(v2sf) =	vpush v47, $0xF  }
0x205: {  	p0 =	sgt.u32 s21, $0x207;
	s7 =	sadd.s32 $0x100, s2;
	[tilespmem:$0x1FFA0] =	vst v23;
	s4 =	sadd.f32 $9.999999740e-06, s4  }
0x206: {  	s10 =	simm.s32 @!p0 $0xFFFFFFC0;
	s12 =	sadd.s32 s7, s19;
	v48 =	vld [tilespmem:s14+$0xFFFFFF90]  }
0x207: {  	s9 =	sadd.s32 s10, s12;
	v49 =	vld [tilespmem:s14+$0xFFFFFFA0];
	v8, _, _ =	vpop (xrf2);
	s20 =	sshrl.u32 s4, $0x1;
	s4 =	smul.f32 $5.000000000e-01, s4  }
0x208: {  	v12 =	vld [tilespmem:s9+$0x4C90];
	v9, _, _ =	vpop (xrf2);
	(v2sf) =	vpush v8, $0xF;
	s22 =	ssub.s32 $0x5F3759DF, s20  }
0x209: {  	v13 =	vld [tilespmem:s9+$0x4CA0];
	v10, _, _ =	vpop (xrf2);
	(v2sf) =	vpush v9, $0xF;
	s23 =	smul.f32 s22, s4  }
0x20a: {  	v8 =	vld [tilespmem:s14+$0xFFFFFFB0];
	(v2sf) =	vpush v10, $0xF  }
0x20b: {  	v9 =	vld [tilespmem:s14+$0xFFFFFFC0];
	v11, _, _ =	vpop (xrf2);
	s25 =	smul.f32 s22, s23  }
0x20c: {  	v10 =	vld [tilespmem:s9+$0x4C80];
	(v2sf) =	vpush v11, $0xF;
	v11, _, _ =	vpop (xrf2)  }
0x20d: {  	(v2sf) =	vpush v11, $0xF;
	v11 =	vld [tilespmem:s9+$0x4CB0];
	s10 =	ssub.f32 $1.500000000e+00, s25;
	_ =	sdelay $0x1  }
0x20e: {  	s26 =	smul.f32 s22, s10;
	_ =	sdelay $0x1  }
0x20f: {  	s18 =	sadd.s32 $0xA4, s5;
	v40 =	vadd.f32 v12, v49;
	v41 =	vadd.f32 v13, v8;
	s17 =	smul.f32 s26, s4  }
0x210: {  	p0 =	sgt.u32 s18, $0x207;
	v18 =	vld [tilespmem:s14+$0xFFFFFF50];
	v42 =	vadd.f32 v10, v48;
	s10 =	rddreg [dreg:$0xb];
	v43 =	vadd.f32 v11, v9  }
0x211: {  	s19 =	sadd.s32 $0xA5, s5;
	v57 =	vld [tilespmem:s14+$0xFFFFFF60];
	v51 =	vmul.f32 v40, v40;
	v8 =	vmul.f32 v41, v41;
	s20 =	spop (v2sf);
	s11 =	smul.f32 s17, s26  }
0x212: {  	v58 =	vld [tilespmem:s14+$0xFFFFFF70];
	s16 =	rddreg [dreg:$0xc];
	s10 =	simm.s32 @!p0 $0xFFFFFF40;
	v50 =	vmul.f32 v42, v42;
	v9 =	vmul.f32 v43, v43;
	s28 =	smul.f32 $1.562500000e-02, s20  }
0x213: {  	v14 =	vld [tilespmem:s14+$0xFFFFFF20];
	p0 =	sgt.u32 s19, $0x207;
	v11 =	vadd.f32 v40, v42;
	s10 =	sadd.s32 s10, s12;
	v12 =	vadd.f32 v43, v41;
	s11 =	ssub.f32 $1.500000000e+00, s11  }
0x214: {  	s16 =	simm.s32 @!p0 $0xFFFFFF80;
	v10 =	vld [tilespmem:s10+$0x4C80];
	v0 =	vadd.f32 v51, v50;
	v52 =	vadd.f32 v9, v8;
	s17 =	smul.f32 s28, s28  }
0x215: {  	v13 =	vld [tilespmem:s10+$0x4C90];
	s22 =	sadd.s32 s16, s12;
	v9 =	vadd.f32 v12, v11;
	s21 =	spop (v2sf);
	s18 =	smul.f32 s11, s26  }
0x216: {  	v53 =	vld [tilespmem:s22+$0x4C80];
	v0 =	vadd.f32 v52, v0;
	s23 =	spop (v2sf);
	s11 =	smul.f32 $1.562500000e-02, s21  }
0x217: {  	v54 =	vld [tilespmem:s22+$0x4C90];
	(xrf2) =	vadd.scan.msk.f32 $0xffff, v9;
	s25 =	spop (v2sf);
	s9 =	smul.f32 $1.562500000e-02, s23  }
0x218: {  	s5 =	sadd.s32 $0xA7, s5;
	v55 =	vld [tilespmem:s22+$0x4CA0];
	(xrf2) =	vadd.scan.msk.f32 $0xffff, v0;
	s26 =	smul.f32 $1.562500000e-02, s25  }
0x219: {  	p0 =	sgt.u32 s5, $0x207;
	v8 =	vld [tilespmem:s10+$0x4CA0];
	s16 =	spop (v2sf);
	s20 =	smul.f32 s11, s11  }
0x21a: {  	s5 =	sadd.s32 $0xFFFF7E00, s12;
	v11 =	vld [tilespmem:s10+$0x4CB0];
	s19 =	spop (v2sf);
	s10 =	smul.f32 $1.562500000e-02, s16  }
0x21b: {  	s12 =	smov.u32 @p0 s5;
	v19 =	vld [tilespmem:s22+$0x4CB0];
	s22 =	smul.f32 s9, s9;
	s5 =	ssub.f32 s26, s17  }
0x21c: {  	v15 =	vld [tilespmem:s14+$0xFFFFFF30];
	s21 =	smul.f32 $1.562500000e-02, s19;
	s10 =	ssub.f32 s10, s20  }
0x21d: {  	v17 =	vld [tilespmem:s14+$0xFFFFFF40];
	s4 =	smul.f32 s18, s4;
	s5 =	sadd.f32 $9.999999740e-06, s5  }
0x21e: {  	v20 =	vld [tilespmem:s12+$0x4C80];
	s25 =	ssub.f32 s21, s22  }
0x21f: {  	v21 =	vld [tilespmem:s12+$0x4C90];
	s4 =	smul.f32 s4, s18;
	s10 =	sadd.f32 $9.999999740e-06, s10  }
0x220: {  	v22 =	vld [tilespmem:s12+$0x4CA0];
	s23 =	sshrl.u32 s5, $0x1;
	s15 =	smul.f32 $5.000000000e-01, s5;
	s5 =	sadd.f32 $9.999999740e-06, s25  }
0x221: {  	v12 =	vld [tilespmem:s14+$0xFFFFFF10];
	s17 =	ssub.s32 $0x5F3759DF, s23;
	v16, _, _ =	vpop (xrf2);
	s16 =	smul.f32 $5.000000000e-01, s10  }
0x222: {  	v23 =	vld [tilespmem:s12+$0x4CB0];
	s26 =	sshrl.u32 s10, $0x1;
	s12 =	smul.f32 s17, s15;
	(v2sf) =	vpush v16, $0xF;
	v16, _, _ =	vpop (xrf2)  }
0x223: {  	v59 =	vld [tilespmem:s14+$0xFFFFFF80];
	s10 =	ssub.s32 $0x5F3759DF, s26;
	s20 =	sshrl.u32 s5, $0x1;
	s21 =	smul.f32 $5.000000000e-01, s5;
	(v2sf) =	vpush v16, $0xF  }
0x224: {  	s22 =	smul.f32 s10, s16;
	s19 =	ssub.s32 $0x5F3759DF, s20  }
0x225: {  	v60 =	vld [tilespmem:s14+$0xFFFFFFD0];
	v13 =	vadd.f32 v13, v14;
	v50 =	vadd.f32 v53, v18;
	s23 =	smul.f32 s19, s21  }
0x226: {  	v51 =	vadd.f32 v54, v57;
	v12 =	vadd.f32 v10, v12;
	v10 =	vld [tilespmem:s14+$0xFFFFFFE0];
	s12 =	smul.f32 s17, s12  }
0x227: {  	v61 =	vadd.f32 v8, v15;
	v8 =	vld [tilespmem:s14+$0xFFFFFFF0];
	v62 =	vadd.f32 v11, v17;
	s4 =	ssub.f32 $1.500000000e+00, s4;
	s5 =	smul.f32 s10, s22  }
0x228: {  	v56 =	vld [tilespmem:s14+$0x0];
	v58 =	vadd.f32 v55, v58;
	v52 =	vadd.f32 v19, v59;
	s25 =	ssub.f32 $1.500000000e+00, s12;
	s22 =	smul.f32 s19, s23  }
0x229: {  	v63 =	vadd.f32 v13, v12;
	v57 =	vadd.f32 v62, v61;
	s12 =	smul.f32 s4, s18;
	s26 =	ssub.f32 $1.500000000e+00, s5  }
0x22a: {  	v9 =	vadd.f32 v20, v60;
	v59 =	vadd.f32 v51, v50;
	s5 =	smul.f32 s17, s25;
	s17 =	ssub.f32 $1.500000000e+00, s22  }
0x22b: {  	v20 =	vmul.f32 v12, v12;
	v17 =	vmovc v62;
	v62 =	vmul.f32 v62, v62;
	v1 =	vadd.f32 v57, v63;
	s4 =	smul.f32 s10, s26  }
0x22c: {  	[tilespmem:$0x1FF60] =	vst v12;
	v11 =	vadd.f32 v21, v10;
	v12 =	vadd.f32 v22, v8;
	v21 =	vmul.f32 v13, v13;
	s10 =	smul.f32 s19, s17  }
0x22d: {  	v8 =	vadd.f32 v23, v56;
	v22 =	vadd.f32 v52, v58;
	v23 =	vmul.f32 v61, v61;
	s18 =	smul.f32 s5, s15  }
0x22e: {  	v37 =	vmul.f32 v58, v58;
	v60 =	vadd.f32 v11, v9;
	v20 =	vadd.f32 v21, v20;
	s20 =	smul.f32 s4, s16  }
0x22f: {  	v49 =	vmul.f32 v52, v52;
	v21 =	vadd.f32 v62, v23;
	v16 =	vmovc v61;
	v61 =	vadd.f32 v8, v12;
	s19 =	smul.f32 s10, s21  }
0x230: {  	v63 =	vmul.f32 v50, v50;
	v0 =	vadd.f32 v22, v59;
	v22 =	vmul.f32 v51, v51;
	s14 =	smul.f32 s18, s5  }
0x231: {  	(xrf2) =	vadd.scan.msk.f32 $0xffff, v1;
	v20 =	vadd.f32 v21, v20;
	v38 =	vadd.f32 v61, v60;
	s17 =	smul.f32 s20, s4;
	s22 =	spop (v2sf)  }
0x232: {  	(xrf2) =	vadd.scan.msk.f32 $0xffff, v0;
	v21 =	vadd.f32 v22, v63;
	v22 =	vadd.f32 v49, v37;
	s18 =	smul.f32 $1.562500000e-02, s22;
	s23 =	spop (v2sf)  }
0x233: {  	v18 =	vmov v50;
	(xrf2) =	vadd.scan.msk.f32 $0xffff, v38;
	s25 =	smul.f32 $1.562500000e-02, s23  }
0x234: {  	v50 =	vmul.f32 v9, v9;
	v23 =	vmul.f32 v11, v11;
	(xrf2) =	vadd.scan.msk.f32 $0xffff, v20;
	v20 =	vadd.f32 v22, v21;
	s14 =	ssub.f32 $1.500000000e+00, s14;
	s26 =	smul.f32 s18, s18  }
0x235: {  	v14 =	vmovc v52;
	v10 =	vmov v51;
	v51 =	vmul.f32 v12, v12;
	v52 =	vmul.f32 v8, v8;
	s19 =	smul.f32 s19, s10;
	s17 =	ssub.f32 $1.500000000e+00, s17  }
0x236: {  	(xrf2) =	vadd.scan.msk.f32 $0xffff, v20;
	s5 =	smul.f32 s14, s5;
	s23 =	ssub.f32 s25, s26  }
0x237: {  	v0 =	vadd.f32 v23, v50;
	v1 =	vadd.f32 v52, v51;
	s20 =	ssub.f32 $1.500000000e+00, s19;
	s22 =	smul.f32 s12, s8  }
0x238: {  	s8 =	smul.f32 s17, s4;
	s23 =	sadd.f32 $9.999999740e-06, s23  }
0x239: {  	v0 =	vadd.f32 v1, v0;
	s19 =	smul.f32 s20, s10  }
0x23a: {  	s25 =	sshrl.u32 s23, $0x1;
	s14 =	smul.f32 $5.000000000e-01, s23  }
0x23b: {  	(xrf2) =	vadd.scan.msk.f32 $0xffff, v0;
	s17 =	smul.f32 s5, s15;
	s10 =	ssub.s32 $0x5F3759DF, s25  }
0x23c: {  	[tilespmem:$0x1FF70] =	vst v8;
	v53, _, _ =	vpop (xrf2);
	s15 =	simm.s32 $0xF9F0;
	s26 =	rddreg [dreg:$0x9];
	s20 =	smul.f32 s10, s14  }
0x23d: {  	s29 =	rddreg [dreg:$0xd];
	(v2sf) =	vpush v53, $0xF;
	v54, _, _ =	vpop (xrf2);
	v55 =	vld [tilespmem:s15+$0xFFFFFF90];
	s17 =	smul.f32 s17, s5;
	s26 =	sadd.s32 $0x4, s26  }
0x23e: {  	(v2sf) =	vpush v54, $0xF;
	v20, _, _ =	vpop (xrf2);
	v56 =	vld [tilespmem:s15+$0xFFFFFFA0];
	s23 =	sadd.s32 $0xA6, s26;
	s25 =	rddreg [dreg:$0xa];
	s4 =	smul.f32 s10, s20  }
0x23f: {  	v27 =	vmul.f32 s12, v27;
	(v2sf) =	vpush v20, $0xF;
	v20 =	vld [tilespmem:s15+$0xFFFFFFB0];
	v21, _, _ =	vpop (xrf2);
	p0 =	sgt.u32 s23, $0x207;
	s20 =	smul.f32 s8, s16;
	s16 =	sadd.s32 $0x100, s7  }
0x240: {  	v19 =	vmov v58;
	v23 =	vld [tilespmem:s15+$0xFFFFFFC0];
	(v2sf) =	vpush v21, $0xF;
	v38 =	vmov s22;
	v58, _, _ =	vpop (xrf2);
	s29 =	simm.s32 @!p0 $0xFFFFFFC0;
	s23 =	ssub.f32 $1.500000000e+00, s4;
	s4 =	sadd.s32 s16, s25  }
0x241: {  	s17 =	ssub.f32 $1.500000000e+00, s17;
	(v2sf) =	vpush v58, $0xF;
	v58 =	vsub.f32 v27, v38;
	v27 =	vld [tilespmem:s15+$0xFFFFFF30];
	s29 =	sadd.s32 s29, s4  }
0x242: {  	s7 =	smul.f32 s10, s23;
	s23 =	sadd.s32 $0xA4, s26;
	v22 =	vld [tilespmem:s29+$0x4C80]  }
0x243: {  	v21 =	vld [tilespmem:s29+$0x4C90];
	p0 =	sgt.u32 s23, $0x207;
	s23 =	smul.f32 s17, s5  }
0x244: {  	s25 =	rddreg [dreg:$0xb];
	v57 =	vld [tilespmem:s29+$0x4CA0];
	s10 =	smul.f32 s7, s14  }
0x245: {  	v60, _, _ =	vpop (xrf2);
	s20 =	smul.f32 s20, s8;
	v59 =	vld [tilespmem:s29+$0x4CB0];
	s25 =	simm.s32 @!p0 $0xFFFFFF40  }
0x246: {  	(v2sf) =	vpush v60, $0xF;
	s17 =	sadd.s32 s25, s4;
	v60 =	vmul.f32 s23, v33;
	v33 =	vld [tilespmem:s15+$0xFFFFFF40];
	s10 =	smul.f32 s10, s7  }
0x247: {  	s21 =	smul.f32 s19, s21;
	s20 =	ssub.f32 $1.500000000e+00, s20;
	v47 =	vld [tilespmem:s17+$0x4C80]  }
0x248: {  	s25 =	sadd.s32 $0xA5, s26;
	v45 =	vld [tilespmem:s17+$0x4C90];
	s10 =	ssub.f32 $1.500000000e+00, s10  }
0x249: {  	v26 =	vmul.f32 s12, v26;
	s5 =	rddreg [dreg:$0xc];
	p0 =	sgt.u32 s25, $0x207;
	v48 =	vld [tilespmem:s17+$0x4CA0];
	s25 =	smul.f32 s21, s19;
	v22 =	vadd.f32 v22, v55;
	v21 =	vadd.f32 v21, v56  }
0x24a: {  	v49 =	vld [tilespmem:s17+$0x4CB0];
	s5 =	simm.s32 @!p0 $0xFFFFFF80;
	v20 =	vadd.f32 v57, v20;
	v23 =	vadd.f32 v59, v23;
	s10 =	smul.f32 s10, s7  }
0x24b: {  	s21 =	smul.f32 s20, s8;
	v57 =	vsub.f32 v26, v38;
	v26 =	vld [tilespmem:s15+$0xFFFFFF20];
	s5 =	sadd.s32 s5, s4;
	v61 =	vmul.f32 v22, v22;
	v62 =	vmul.f32 v21, v21  }
0x24c: {  	s17 =	sadd.s32 $0xA7, s26;
	v0 =	vld [tilespmem:s5+$0x4C80];
	v63 =	vmul.f32 v20, v20;
	v53 =	vmul.f32 v23, v23;
	s20 =	smul.f32 s10, s14  }
0x24d: {  	s26 =	spop (v2sf);
	p0 =	sgt.u32 s17, $0x207;
	v1 =	vld [tilespmem:s5+$0x4C90];
	v54 =	vadd.f32 v21, v22;
	v55 =	vadd.f32 v23, v20  }
0x24e: {  	s17 =	spop (v2sf);
	v44 =	vld [tilespmem:s5+$0x4CA0];
	s7 =	sadd.s32 $0xFFFF7E00, s4;
	v46 =	vadd.f32 v62, v61;
	v36 =	vadd.f32 v53, v63;
	s14 =	smul.f32 s20, s10  }
0x24f: {  	v51 =	vld [tilespmem:s5+$0x4CB0];
	s4 =	smov.u32 @p0 s7;
	s7 =	smul.f32 $1.562500000e-02, s17;
	v37 =	vadd.f32 v55, v54  }
0x250: {  	v24 =	vmul.f32 s12, v24;
	v25 =	vmul.f32 s12, v25;
	s8 =	smul.f32 $1.562500000e-02, s26;
	v53 =	vld [tilespmem:s15+$0xFFFFFF10];
	v46 =	vadd.f32 v36, v46;
	s26 =	ssub.f32 $1.500000000e+00, s14  }
0x251: {  	v56 =	vld [tilespmem:s4+$0x4C80];
	(xrf2) =	vadd.scan.msk.f32 $0xffff, v37;
	s22 =	smul.f32 s7, s7  }
0x252: {  	v55 =	vsub.f32 v25, v38;
	s20 =	spop (v2sf);
	(xrf2) =	vadd.scan.msk.f32 $0xffff, v46;
	v46 =	vsub.f32 v24, v38;
	v38 =	vmul.f32 s21, v31;
	v31 =	vld [tilespmem:s15+$0xFFFFFF70];
	s5 =	smul.f32 s26, s10  }
0x253: {  	v59 =	vmul.f32 s23, v35;
	v52 =	vld [tilespmem:s4+$0x4C90];
	s14 =	smul.f32 $1.562500000e-02, s20  }
0x254: {  	v61 =	vmul.f32 s23, v34;
	v62 =	vmul.f32 s23, v32;
	v54 =	vld [tilespmem:s4+$0x4CA0];
	s12 =	spop (v2sf);
	s10 =	smul.f32 s5, s18  }
0x255: {  	v50 =	vld [tilespmem:s4+$0x4CB0];
	v37 =	vmul.f32 s21, v30;
	s4 =	smul.f32 $1.562500000e-02, s12;
	s17 =	spop (v2sf);
	v24 =	vmul.f32 s5, v42  }
0x256: {  	v32 =	vld [tilespmem:s15+$0xFFFFFF60];
	s20 =	spop (v2sf);
	s18 =	smul.f32 s8, s8;
	v25 =	vmul.f32 s5, v43;
	v34 =	vmul.f32 s5, v40;
	v40 =	vmov s10  }
0x257: {  	v36 =	vld [tilespmem:s15+$0xFFFFFFD0];
	s12 =	smul.f32 $1.562500000e-02, s17;
	s17 =	ssub.f32 $1.500000000e+00, s25;
	v35 =	vmul.f32 s5, v41;
	v30 =	vadd.f32 v44, v31;
	v42 =	vsub.f32 v24, v40  }
0x258: {  	s20 =	smul.f32 $1.562500000e-02, s20;
	v43 =	vld [tilespmem:s15+$0xFFFFFF50];
	s4 =	ssub.f32 s4, s18;
	v63 =	vsub.f32 v25, v40;
	v41 =	vsub.f32 v34, v40  }
0x259: {  	s26 =	smul.f32 s14, s14;
	s5 =	ssub.f32 s12, s22;
	v40 =	vsub.f32 v35, v40;
	v24 =	vadd.f32 v47, v53  }
0x25a: {  	s11 =	smul.f32 s21, s11;
	v25 =	vadd.f32 v45, v26;
	v34 =	vld [tilespmem:s15+$0xFFFFFF80];
	v26 =	vadd.f32 v48, v27;
	s25 =	sadd.f32 $9.999999740e-06, s4  }
0x25b: {  	v45 =	vmul.f32 s21, v29;
	v27 =	vadd.f32 v49, v33;
	v48, _, _ =	vpop (xrf2);
	v29 =	vadd.f32 v1, v32;
	s4 =	smul.f32 s17, s19;
	s17 =	ssub.f32 s20, s26  }
0x25c: {  	s12 =	smul.f32 s23, s28;
	v44 =	vld [tilespmem:s15+$0x0];
	s5 =	sadd.f32 $9.999999740e-06, s5;
	v47 =	vmul.f32 s21, v28;
	v32 =	vadd.f32 v56, v36;
	(v2sf) =	vpush v48, $0xF  }
0x25d: {  	v33 =	vld [tilespmem:s15+$0xFFFFFFE0];
	v35 =	vadd.f32 v25, v24;
	v28 =	vadd.f32 v0, v43;
	v43 =	vmul.f32 v24, v24;
	s22 =	sshrl.u32 s25, $0x1;
	s19 =	smul.f32 $5.000000000e-01, s25;
	s17 =	sadd.f32 $9.999999740e-06, s17  }
0x25e: {  	v8 =	vld [tilespmem:$0x1FFF0];
	v49 =	vadd.f32 v27, v26;
	v53 =	vmul.f32 v25, v25;
	v0, _, _ =	vpop (xrf2);
	v48 =	vmul.f32 v26, v26;
	s10 =	ssub.s32 $0x5F3759DF, s22;
	s22 =	smul.f32 $5.000000000e-01, s5  }
0x25f: {  	v1 =	vld [tilespmem:s15+$0xFFFFFFF0];
	s25 =	sshrl.u32 s5, $0x1;
	(v2sf) =	vpush v0, $0xF;
	s18 =	smul.f32 s10, s19;
	v31 =	vadd.f32 v51, v34;
	v51 =	vmul.f32 v27, v27  }
0x260: {  	s5 =	ssub.s32 $0x5F3759DF, s25;
	v0 =	vadd.f32 v29, v28;
	v49 =	vadd.f32 v49, v35;
	s26 =	sshrl.u32 s17, $0x1;
	s23 =	smul.f32 $5.000000000e-01, s17  }
0x261: {  	v58 =	vmul.f32 v58, v5;
	v43 =	vadd.f32 v53, v43;
	s25 =	smul.f32 s5, s22;
	s20 =	ssub.s32 $0x5F3759DF, s26;
	v48 =	vadd.f32 v51, v48  }
0x262: {  	v36 =	vmul.f32 v28, v28;
	v35 =	vadd.f32 v50, v44;
	v34 =	vadd.f32 v52, v33;
	s26 =	smul.f32 s20, s23  }
0x263: {  	v52 =	vmul.f32 v29, v29;
	s18 =	smul.f32 s10, s18;
	v43 =	vadd.f32 v48, v43;
	v48 =	vadd.f32 v58, v8;
	v8 =	vld [tilespmem:$0x1FF80]  }
0x264: {  	v33 =	vadd.f32 v54, v1;
	v1 =	vmul.f32 v30, v30;
	v56 =	vadd.f32 v31, v30;
	s17 =	smul.f32 s5, s25  }
0x265: {  	v44 =	vmul.f32 v31, v31;
	v50 =	vadd.f32 v34, v32;
	v36 =	vadd.f32 v52, v36;
	s18 =	ssub.f32 $1.500000000e+00, s18;
	s26 =	smul.f32 s20, s26  }
0x266: {  	s9 =	smul.f32 s4, s9;
	v51 =	vmul.f32 v32, v32;
	v0 =	vadd.f32 v56, v0;
	v56 =	vadd.f32 v35, v33;
	s17 =	ssub.f32 $1.500000000e+00, s17  }
0x267: {  	v52 =	vmul.f32 v34, v34;
	v1 =	vadd.f32 v44, v1;
	v44 =	vmul.f32 v33, v33;
	s10 =	smul.f32 s10, s18;
	s18 =	ssub.f32 $1.500000000e+00, s26  }
0x268: {  	v50 =	vadd.f32 v56, v50;
	v56 =	vmul.f32 v35, v35;
	s5 =	smul.f32 s5, s17;
	v53 =	vmul.f32 s4, v8;
	v8 =	vld [tilespmem:$0x1FF90]  }
0x269: {  	v46 =	vmul.f32 v46, v3;
	v51 =	vadd.f32 v52, v51;
	s17 =	smul.f32 s20, s18  }
0x26a: {  	v1 =	vadd.f32 v1, v36;
	v36 =	vmul.f32 v57, v2;
	v44 =	vadd.f32 v56, v44;
	s20 =	smul.f32 s10, s19  }
0x26b: {  	v46 =	vadd.f32 v46, v7;
	v39 =	vmul.f32 s4, v39;
	v52 =	vmul.f32 v55, v4;
	s21 =	smul.f32 s5, s22  }
0x26c: {  	v15 =	vmovc v13;
	v36 =	vadd.f32 v36, v6;
	v44 =	vadd.f32 v44, v51;
	v51 =	vmov s12;
	s25 =	smul.f32 s17, s23  }
0x26d: {  	v13 =	vmovc v9;
	(xrf2) =	vadd.scan.msk.f32 $0xffff, v49;
	s12 =	smul.f32 s20, s10;
	v55 =	vsub.f32 v59, v51;
	v57 =	vsub.f32 v60, v51;
	v54 =	vmul.f32 s4, v8;
	v8 =	vld [tilespmem:$0x1FFA0]  }
0x26e: {  	v9 =	vmovc v11;
	(xrf2) =	vadd.scan.msk.f32 $0xffff, v0;
	v58 =	vsub.f32 v61, v51;
	v60 =	vld [tilespmem:$0x1FFE0];
	v51 =	vsub.f32 v62, v51;
	v61 =	vmov s11;
	s18 =	smul.f32 s21, s5  }
0x26f: {  	(xrf2) =	vadd.scan.msk.f32 $0xffff, v50;
	v50 =	vmul.f32 v42, v2;
	s20 =	spop (v2sf);
	s12 =	ssub.f32 $1.500000000e+00, s12;
	v38 =	vsub.f32 v38, v61;
	v49 =	vsub.f32 v37, v61  }
0x270: {  	v11 =	vmovc v12;
	(xrf2) =	vadd.scan.msk.f32 $0xffff, v43;
	v62 =	vld [tilespmem:$0x1FFF0];
	v59 =	vmov s9;
	v45 =	vsub.f32 v45, v61;
	v47 =	vsub.f32 v47, v61;
	s29 =	smul.f32 $1.562500000e-02, s20  }
0x271: {  	(xrf2) =	vadd.scan.msk.f32 $0xffff, v1;
	s11 =	simm.s32 $0x147F0;
	v42 =	vsub.f32 v53, v59;
	v37 =	vmul.f32 v40, v4;
	s26 =	ssub.f32 $1.500000000e+00, s18;
	v61 =	vmul.f32 v55, v2;
	s18 =	smul.f32 s12, s10  }
0x272: {  	v12 =	vmovc v3;
	v39 =	vsub.f32 v39, v59;
	v55 =	vmul.f32 v58, v4;
	[tilespmem:s11+$0xFFFFFFC0] =	vst v48;
	v56 =	vmul.f32 s4, v8;
	s4 =	smul.f32 s25, s17  }
0x273: {  	[tilespmem:s11+$0xFFFFFF90] =	vst v36;
	v36 =	vmul.f32 v41, v3;
	s12 =	smul.f32 s26, s5;
	v48 =	vadd.f32 v52, v60;
	v52 =	vmul.f32 v63, v5  }
0x274: {  	(xrf2) =	vadd.scan.msk.f32 $0xffff, v44;
	v38 =	vmul.f32 v38, v2;
	s5 =	smul.f32 s29, s29;
	v63 =	vsub.f32 v54, v59;
	v54 =	vmul.f32 v57, v3;
	s4 =	ssub.f32 $1.500000000e+00, s4  }
0x275: {  	[tilespmem:s11+$0xFFFFFFA0] =	vst v46;
	v58 =	vmul.f32 v49, v3;
	v43 =	vmul.f32 v39, v4;
	s10 =	smul.f32 s18, s19;
	v0 =	vadd.f32 v52, v62  }
0x276: {  	s9 =	simm.s32 $0x148F0;
	v39 =	vadd.f32 v50, v6;
	v57 =	vmul.f32 v51, v5;
	[tilespmem:s11+$0xFFFFFFB0] =	vst v48;
	v41 =	vadd.f32 v54, v7;
	s25 =	spop (v2sf);
	s21 =	smul.f32 s4, s17  }
0x277: {  	v40 =	vmul.f32 v42, v2;
	v46 =	vadd.f32 v58, v7;
	[tilespmem:s9+$0xFFFFFFC0] =	vst v0;
	v0 =	vadd.f32 v55, v60;
	s4 =	smul.f32 $1.562500000e-02, s25  }
0x278: {  	[tilespmem:s11+$0xFFFFFF20] =	vst v41;
	v41 =	vmul.f32 v63, v3;
	v63 =	vadd.f32 v57, v62;
	v53 =	vsub.f32 v56, v59  }
0x279: {  	s19 =	smul.f32 s10, s18;
	v48, _, _ =	vpop (xrf2);
	v56 =	vadd.f32 v61, v6;
	v59 =	vmul.f32 v45, v4;
	v61 =	vmul.f32 v47, v5;
	[tilespmem:s11+$0xFFFFFF30] =	vst v0;
	s26 =	ssub.f32 s4, s5  }
0x27a: {  	v8 =	vmov v4;
	v45 =	vadd.f32 v38, v6;
	v47, _, _ =	vpop (xrf2);
	v4 =	vmov v2;
	[tilespmem:s11+$0xFFFFFF40] =	vst v63;
	s5 =	smul.f32 s12, s22  }
0x27b: {  	s28 =	simm.s32 $0x8;
	v49, _, _ =	vpop (xrf2);
	[tilespmem:s11+$0xFFFFFF10] =	vst v56;
	v42 =	vadd.f32 v59, v60;
	v38 =	vmul.f32 v53, v5;
	v44 =	vadd.f32 v61, v62;
	s4 =	smul.f32 s21, s23;
	s22 =	sadd.f32 $9.999999740e-06, s26  }
.LBB2_7:
0x27c: {  	s5 =	smul.f32 s5, s12  }
0x27d: {  	s10 =	sshrl.u32 s22, $0x1;
	s22 =	smul.f32 $5.000000000e-01, s22  }
0x27e: {  	s17 =	ssub.f32 $1.500000000e+00, s19;
	s26 =	smul.f32 s4, s21;
	s10 =	ssub.s32 $0x5F3759DF, s10  }
0x27f: {  	s20 =	smul.f32 s10, s22  }
0x280: {  	v1 =	vadd.f32 v37, v60;
	(v2sf) =	vpush v48, $0xF;
	s5 =	ssub.f32 $1.500000000e+00, s5;
	s18 =	smul.f32 s17, s18  }
0x281: {  	v0 =	vadd.f32 v36, v7;
	[tilespmem:s9+$0xFFFFFF90] =	vst v39;
	s17 =	ssub.f32 $1.500000000e+00, s26;
	s20 =	smul.f32 s10, s20  }
0x282: {  	s25 =	rddreg [dreg:$0x9];
	s15 =	sadd.s32 $0x100, s15;
	(v2sf) =	vpush v47, $0xF;
	[tilespmem:s9+$0xFFFFFFB0] =	vst v1;
	s19 =	smul.f32 s5, s12  }
0x283: {  	(v2sf) =	vpush v49, $0xF;
	[tilespmem:s9+$0xFFFFFFA0] =	vst v0;
	s26 =	rddreg [dreg:$0xa];
	s12 =	smul.f32 s17, s21;
	s17 =	sadd.s32 s28, s25  }
0x284: {  	v54 =	vld [tilespmem:s15+$0xFFFFFF90];
	s21 =	sadd.s32 $0xA6, s17;
	s5 =	ssub.f32 $1.500000000e+00, s20  }
0x285: {  	s16 =	sadd.s32 $0x100, s16;
	v55 =	vld [tilespmem:s15+$0xFFFFFFA0];
	s20 =	rddreg [dreg:$0xd];
	p0 =	sgt.u32 s21, $0x207  }
0x286: {  	v52 =	vmov v24;
	v24 =	vld [tilespmem:s15+$0xFFFFFFB0];
	s25 =	sadd.s32 s16, s26;
	v59, _, _ =	vpop (xrf2);
	s20 =	simm.s32 @!p0 $0xFFFFFFC0  }
0x287: {  	v48 =	vmul.f32 s18, v15;
	v15 =	vmov v25;
	v25 =	vld [tilespmem:s15+$0xFFFFFFC0];
	(v2sf) =	vpush v59, $0xF;
	s5 =	smul.f32 s10, s5;
	s20 =	sadd.s32 s20, s25  }
0x288: {  	v39 =	vmul.f32 s18, v16;
	v16 =	vmov v26;
	v50, _, _ =	vpop (xrf2);
	v26 =	vld [tilespmem:s20+$0x4C80]  }
0x289: {  	v63 =	vadd.f32 v38, v62;
	v38 =	vmul.f32 s18, v17;
	v17 =	vmovc v27;
	(v2sf) =	vpush v50, $0xF;
	v27 =	vld [tilespmem:s20+$0x4C90];
	s10 =	smul.f32 s5, s22  }
0x28a: {  	v57 =	vadd.f32 v40, v6;
	v40 =	vmul.f32 s19, v18;
	v18 =	vmov v28;
	v53, _, _ =	vpop (xrf2);
	v28 =	vld [tilespmem:s20+$0x4CA0]  }
0x28b: {  	s23 =	rddreg [dreg:$0xb];
	v58 =	vadd.f32 v41, v7;
	v41 =	vmul.f32 s19, v10;
	v10 =	vmovc v29;
	(v2sf) =	vpush v53, $0xF;
	v29 =	vld [tilespmem:s20+$0x4CB0];
	s10 =	smul.f32 s10, s5  }
0x28c: {  	[tilespmem:s11+$0xFFFFFF50] =	vst v45;
	s4 =	rddreg [dreg:$0xc];
	s26 =	sadd.s32 $0xA5, s17  }
0x28d: {  	[tilespmem:s11+$0xFFFFFF60] =	vst v46;
	s21 =	sadd.s32 $0xA4, s17;
	p2 =	sgt.u32 s26, $0x207;
	s10 =	ssub.f32 $1.500000000e+00, s10  }
0x28e: {  	[tilespmem:s11+$0xFFFFFF70] =	vst v42;
	s26 =	sadd.s32 $0xA7, s17;
	p1 =	sgt.u32 s21, $0x207;
	s4 =	simm.s32 @!p2 $0xFFFFFF80  }
0x28f: {  	v51 =	vld [tilespmem:$0x1FF60];
	v56 =	vmov v35;
	[tilespmem:s11+$0xFFFFFF80] =	vst v44;
	s23 =	simm.s32 @!p1 $0xFFFFFF40;
	v1 =	vadd.f32 v26, v54;
	v0 =	vadd.f32 v27, v55;
	s5 =	smul.f32 s10, s5;
	s10 =	spop (v2sf)  }
0x290: {  	v2 =	vld [tilespmem:$0x1FF70];
	[tilespmem:$0x1FF70] =	vst v56;
	p1 =	sgt.u32 s26, $0x207;
	s17 =	sadd.s32 s23, s25;
	v24 =	vadd.f32 v28, v24;
	v25 =	vadd.f32 v29, v25;
	s23 =	smul.f32 $1.562500000e-02, s10  }
0x291: {  	v56 =	vld [tilespmem:s15+$0xFFFFFF50];
	[tilespmem:s11+$0xFFFFFFD0] =	vst v57;
	v42 =	vmul.f32 s19, v19;
	v45 =	vmul.f32 s12, v9;
	s26 =	sadd.s32 s4, s25;
	v26 =	vadd.f32 v0, v1;
	s20 =	spop (v2sf);
	s10 =	smul.f32 s5, s22  }
0x292: {  	v9 =	vmovc v34;
	v34 =	vld [tilespmem:s26+$0x4C80];
	v27 =	vadd.f32 v25, v24;
	v28 =	vmul.f32 v1, v1;
	v57 =	vmul.f32 v0, v0;
	s21 =	spop (v2sf);
	s4 =	smul.f32 $1.562500000e-02, s20  }
0x293: {  	[tilespmem:s11+$0xFFFFFFE0] =	vst v58;
	v19 =	vmov v30;
	v30 =	vld [tilespmem:s17+$0x4C80];
	v58 =	vmul.f32 v24, v24;
	v50 =	vmul.f32 v25, v25;
	s21 =	smul.f32 $1.562500000e-02, s21  }
0x294: {  	v61 =	vadd.f32 v43, v60;
	v43 =	vmul.f32 s19, v14;
	v14 =	vmovc v31;
	v31 =	vld [tilespmem:s17+$0x4C90];
	v26 =	vadd.f32 v27, v26;
	s10 =	smul.f32 s10, s5  }
0x295: {  	v44 =	vmul.f32 s12, v13;
	v13 =	vmovc v32;
	v32 =	vld [tilespmem:s17+$0x4CA0];
	v27 =	vadd.f32 v57, v28;
	v28 =	vadd.f32 v50, v58;
	s20 =	smul.f32 s23, s23  }
0x296: {  	[tilespmem:s11+$0xFFFFFFF0] =	vst v61;
	v46 =	vmul.f32 s12, v11;
	v11 =	vmov v33;
	v33 =	vld [tilespmem:s17+$0x4CB0];
	s17 =	spop (v2sf);
	s10 =	ssub.f32 $1.500000000e+00, s10  }
0x297: {  	[tilespmem:s11+$0x0] =	vst v63;
	s11 =	sadd.s32 $0xFFFF7E00, s25;
	v35 =	vld [tilespmem:s26+$0x4CA0];
	v60 =	vadd.f32 v28, v27;
	s17 =	smul.f32 $1.562500000e-02, s17  }
0x298: {  	v49 =	vmul.f32 s18, v51;
	s25 =	smov.u32 @p1 s11;
	v51 =	vld [tilespmem:s26+$0x4CB0];
	(xrf2) =	vadd.scan.msk.f32 $0xffff, v26;
	s22 =	spop (v2sf);
	s5 =	smul.f32 s10, s5  }
0x299: {  	[tilespmem:$0x1FF60] =	vst v52;
	v52 =	vld [tilespmem:s25+$0x4C80];
	(xrf2) =	vadd.scan.msk.f32 $0xffff, v60;
	s10 =	ssub.f32 s17, s20;
	s17 =	smul.f32 $1.562500000e-02, s22  }
0x29a: {  	v29 =	vld [tilespmem:s26+$0x4C90];
	s26 =	spop (v2sf);
	s20 =	smul.f32 s5, s29;
	v26 =	vmul.f32 s5, v22;
	v59 =	vmul.f32 s5, v21  }
0x29b: {  	v55 =	vld [tilespmem:s15+$0xFFFFFF20];
	v27 =	vmul.f32 s5, v20;
	v28 =	vmul.f32 s5, v23;
	s5 =	smul.f32 $1.562500000e-02, s26  }
0x29c: {  	v20 =	vmov v24;
	v24 =	vld [tilespmem:s15+$0xFFFFFF10];
	s26 =	smul.f32 s21, s21  }
0x29d: {  	v53 =	vld [tilespmem:s25+$0x4C90];
	s22 =	smul.f32 s4, s4;
	v23 =	vmov v25;
	v25 =	vmov s20  }
0x29e: {  	v54 =	vld [tilespmem:s25+$0x4CA0];
	s5 =	ssub.f32 s5, s26;
	s26 =	smul.f32 s18, s8;
	v61 =	vsub.f32 v26, v25;
	v26 =	vsub.f32 v28, v25  }
0x29f: {  	s17 =	ssub.f32 s17, s22;
	v28 =	vld [tilespmem:s15+$0xFFFFFF30];
	v36 =	vsub.f32 v59, v25;
	v25 =	vsub.f32 v27, v25  }
0x2a0: {  	v47 =	vmul.f32 s12, v2;
	s12 =	smul.f32 s12, s14;
	s10 =	sadd.f32 $9.999999740e-06, s10;
	v27 =	vld [tilespmem:s15+$0xFFFFFF40];
	v57 =	vmov s26;
	v63 =	vmul.f32 v26, v5  }
0x2a1: {  	v22 =	vmovc v1;
	v1 =	vld [tilespmem:s25+$0x4CB0];
	s20 =	smul.f32 s19, s7;
	s17 =	sadd.f32 $9.999999740e-06, s17;
	v37 =	vmul.f32 v25, v8;
	v24 =	vadd.f32 v30, v24;
	v25 =	vadd.f32 v31, v55  }
0x2a2: {  	v21 =	vmov v0;
	s8 =	smov.u32 s23;
	s25 =	sshrl.u32 s10, $0x1;
	s22 =	smul.f32 $5.000000000e-01, s10;
	v60, _, _ =	vpop (xrf2);
	v30 =	vld [tilespmem:s15+$0xFFFFFF60];
	v49 =	vsub.f32 v49, v57;
	v48 =	vsub.f32 v48, v57  }
0x2a3: {  	v59 =	vld [tilespmem:s15+$0xFFFFFFD0];
	s25 =	ssub.s32 $0x5F3759DF, s25;
	s23 =	sshrl.u32 s17, $0x1;
	s19 =	smul.f32 $5.000000000e-01, s17;
	(v2sf) =	vpush v60, $0xF;
	v60, _, _ =	vpop (xrf2);
	v0 =	vadd.f32 v63, v62;
	v55 =	vmul.f32 v24, v24  }
0x2a4: {  	s7 =	smov.u32 s4;
	s18 =	smul.f32 s25, s22;
	v31 =	vld [tilespmem:s15+$0xFFFFFF70];
	s4 =	ssub.s32 $0x5F3759DF, s23;
	v58 =	vmul.f32 v25, v25;
	(v2sf) =	vpush v60, $0xF;
	v26 =	vadd.f32 v32, v28  }
0x2a5: {  	s5 =	sadd.f32 $9.999999740e-06, s5;
	s10 =	smul.f32 s4, s19;
	v49 =	vmul.f32 v49, v4;
	v32 =	vld [tilespmem:s15+$0xFFFFFF80];
	v27 =	vadd.f32 v33, v27;
	v33 =	vadd.f32 v25, v24  }
0x2a6: {  	s11 =	smov.u32 s9;
	s9 =	sadd.s32 $0x100, s9;
	v50 =	vmul.f32 v61, v4;
	s18 =	smul.f32 s25, s18;
	v28 =	vadd.f32 v34, v56;
	v34 =	vld [tilespmem:s15+$0xFFFFFFE0];
	v55 =	vadd.f32 v58, v55  }
0x2a7: {  	s26 =	sshrl.u32 s5, $0x1;
	s23 =	smul.f32 $5.000000000e-01, s5;
	v63 =	vld [tilespmem:s15+$0xFFFFFFF0];
	[tilespmem:s9+$0xFFFFFFC0] =	vst v0;
	v0 =	vmov s20;
	v49 =	vadd.f32 v49, v6;
	v29 =	vadd.f32 v29, v30  }
0x2a8: {  	s20 =	ssub.s32 $0x5F3759DF, s26;
	s5 =	smul.f32 s4, s10;
	s18 =	ssub.f32 $1.500000000e+00, s18;
	v61 =	vmul.f32 v26, v26;
	v56 =	vadd.f32 v27, v26;
	v62 =	vmul.f32 v27, v27  }
0x2a9: {  	s17 =	smul.f32 s20, s23;
	v30 =	vadd.f32 v35, v31;
	v35 =	vld [tilespmem:s15+$0x0];
	v60 =	vadd.f32 v29, v28  }
0x2aa: {  	s5 =	ssub.f32 $1.500000000e+00, s5;
	s18 =	smul.f32 s25, s18;
	v58 =	vadd.f32 v62, v61;
	v31 =	vadd.f32 v51, v32  }
0x2ab: {  	v2 =	vmul.f32 v28, v28;
	s17 =	smul.f32 s20, s17;
	v32 =	vadd.f32 v52, v59;
	v34 =	vadd.f32 v53, v34  }
0x2ac: {  	v3 =	vmul.f32 v30, v30;
	v53 =	vadd.f32 v56, v33;
	v33 =	vadd.f32 v54, v63;
	s4 =	smul.f32 s4, s5  }
0x2ad: {  	s14 =	smov.u32 s21;
	v51 =	vmul.f32 v29, v29;
	s21 =	smul.f32 s18, s22;
	v63 =	vsub.f32 v41, v0;
	v52 =	vadd.f32 v31, v30  }
0x2ae: {  	s17 =	ssub.f32 $1.500000000e+00, s17;
	v59 =	vmul.f32 v31, v31;
	v54 =	vmul.f32 v32, v32;
	v35 =	vadd.f32 v1, v35;
	s25 =	smul.f32 s4, s19  }
0x2af: {  	v1 =	vadd.f32 v34, v32;
	v56 =	vmul.f32 v34, v34;
	v2 =	vadd.f32 v51, v2;
	s10 =	smul.f32 s21, s18  }
0x2b0: {  	v61 =	vmul.f32 v33, v33;
	(xrf2) =	vadd.scan.msk.f32 $0xffff, v53;
	s5 =	smul.f32 s20, s17;
	v52 =	vadd.f32 v52, v60;
	v53 =	vadd.f32 v35, v33  }
0x2b1: {  	v51 =	vmov s12;
	v3 =	vadd.f32 v59, v3;
	v59 =	vadd.f32 v56, v54;
	s17 =	smul.f32 s25, s4;
	s10 =	ssub.f32 $1.500000000e+00, s10  }
0x2b2: {  	v60 =	vmul.f32 v35, v35;
	v54 =	vsub.f32 v44, v51;
	s26 =	smul.f32 s5, s23;
	v1 =	vadd.f32 v53, v1  }
0x2b3: {  	v56 =	vsub.f32 v45, v51;
	(xrf2) =	vadd.scan.msk.f32 $0xffff, v52;
	v52 =	vadd.f32 v58, v55;
	s12 =	ssub.f32 $1.500000000e+00, s17;
	s18 =	smul.f32 s10, s18  }
0x2b4: {  	v58 =	vadd.f32 v60, v61;
	v2 =	vadd.f32 v3, v2;
	s21 =	smul.f32 s26, s5;
	(xrf2) =	vadd.scan.msk.f32 $0xffff, v1  }
0x2b5: {  	v36 =	vmul.f32 v36, v12;
	v3 =	vsub.f32 v39, v57;
	v61 =	vsub.f32 v40, v0;
	s26 =	spop (v2sf);
	s12 =	smul.f32 s12, s4  }
0x2b6: {  	v60 =	vld [tilespmem:$0x1FFE0];
	v55 =	vmul.f32 v48, v12;
	v53 =	vsub.f32 v42, v0;
	v0 =	vsub.f32 v43, v0;
	s29 =	smul.f32 $1.562500000e-02, s26;
	s17 =	spop (v2sf)  }
0x2b7: {  	v62 =	vld [tilespmem:$0x1FFF0];
	v40 =	vmul.f32 v54, v4;
	v41 =	vmul.f32 v56, v12;
	v39 =	vadd.f32 v58, v59;
	s25 =	ssub.f32 $1.500000000e+00, s21;
	s4 =	smul.f32 $1.562500000e-02, s17  }
0x2b8: {  	s28 =	sadd.s32 $0x4, s28;
	v59 =	vsub.f32 v38, v57;
	v3 =	vmul.f32 v3, v8;
	v42 =	vmul.f32 v61, v4;
	s20 =	smul.f32 s29, s29  }
0x2b9: {  	p0 =	slt.u32 s28, $0x9C;
	v57 =	vmul.f32 v63, v12;
	v58 =	vsub.f32 v46, v51;
	v61 =	vmul.f32 v53, v8;
	s21 =	smul.f32 s25, s5  }
.Ltmp4:
0x2ba: {  	[tilespmem:s11+$0xFFFFFF10] =	vst v49;
	v63 =	vadd.f32 v55, v7;
	v1 =	vmul.f32 v59, v5;
	v59 =	vsub.f32 v47, v51;
	(pc) =	sbr.rel @p0 .LBB2_7-.Ltmp4, $4  }
0x2bb: {  	v0 =	vmul.f32 v0, v5;
	(xrf2) =	vadd.scan.msk.f32 $0xffff, v52;
	v45 =	vadd.f32 v42, v6;
	s25 =	smul.f32 s18, s22;
	v3 =	vadd.f32 v3, v60  }
0x2bc: {  	v43 =	vmul.f32 v58, v8;
	[tilespmem:s11+$0xFFFFFF20] =	vst v63;
	v46 =	vadd.f32 v57, v7;
	s5 =	smul.f32 s12, s19;
	v48, _, _ =	vpop (xrf2);
	s26 =	ssub.f32 s4, s20;
	v1 =	vadd.f32 v1, v62  }
0x2bd: {  	v44 =	vadd.f32 v0, v62;
	v42 =	vadd.f32 v61, v60;
	(xrf2) =	vadd.scan.msk.f32 $0xffff, v2;
	s4 =	smul.f32 s21, s23;
	[tilespmem:s11+$0xFFFFFF30] =	vst v3;
	v47, _, _ =	vpop (xrf2)  }
0x2be: {  	v38 =	vmul.f32 v59, v5;
	s19 =	smul.f32 s25, s18;
	s22 =	sadd.f32 $9.999999740e-06, s26;
	[tilespmem:s11+$0xFFFFFF40] =	vst v1;
	(xrf2) =	vadd.scan.msk.f32 $0xffff, v39;
	v39 =	vadd.f32 v50, v6;
	v49, _, _ =	vpop (xrf2)  }
0x2bf: {  	(v2sf) =	vpush v48, $0xF  }
0x2c0: {  	s10 =	sshrl.u32 s22, $0x1;
	s15 =	smul.f32 $5.000000000e-01, s22;
	(v2sf) =	vpush v47, $0xF  }
0x2c1: {  	s10 =	ssub.s32 $0x5F3759DF, s10;
	(v2sf) =	vpush v49, $0xF  }
0x2c2: {  	s16 =	smul.f32 s10, s15;
	_ =	sdelay $0x1  }
0x2c3: {  	s16 =	smul.f32 s10, s16;
	_ =	sdelay $0x1  }
0x2c4: {  	s5 =	smul.f32 s5, s12;
	s16 =	ssub.f32 $1.500000000e+00, s16  }
0x2c5: {  	s4 =	smul.f32 s4, s21;
	s17 =	ssub.f32 $1.500000000e+00, s19;
	v0, _, _ =	vpop (xrf2)  }
0x2c6: {  	(v2sf) =	vpush v0, $0xF;
	v57, _, _ =	vpop (xrf2);
	s10 =	smul.f32 s10, s16  }
0x2c7: {  	s5 =	ssub.f32 $1.500000000e+00, s5;
	s17 =	smul.f32 s17, s18;
	(v2sf) =	vpush v57, $0xF;
	v58, _, _ =	vpop (xrf2)  }
0x2c8: {  	(v2sf) =	vpush v58, $0xF;
	s16 =	smul.f32 s10, s15  }
0x2c9: {  	s4 =	ssub.f32 $1.500000000e+00, s4;
	s5 =	smul.f32 s5, s12  }
0x2ca: {  	s16 =	smul.f32 s16, s10  }
0x2cb: {  	s4 =	smul.f32 s4, s21  }
0x2cc: {  	s18 =	ssub.f32 $1.500000000e+00, s16;
	s19 =	spop (v2sf)  }
0x2cd: {  	s16 =	smul.f32 $1.562500000e-02, s19;
	s20 =	spop (v2sf)  }
0x2ce: {  	s10 =	smul.f32 s18, s10;
	s22 =	spop (v2sf)  }
0x2cf: {  	s12 =	smul.f32 $1.562500000e-02, s22  }
0x2d0: {  	s21 =	smul.f32 s10, s15  }
0x2d1: {  	s15 =	smul.f32 $1.562500000e-02, s20  }
0x2d2: {  	s20 =	smul.f32 s16, s16  }
0x2d3: {  	s18 =	smul.f32 s21, s10  }
0x2d4: {  	s28 =	smul.f32 s15, s15  }
0x2d5: {  	s23 =	spop (v2sf);
	s18 =	ssub.f32 $1.500000000e+00, s18  }
0x2d6: {  	s19 =	smul.f32 $1.562500000e-02, s23;
	s25 =	spop (v2sf)  }
0x2d7: {  	s10 =	smul.f32 s18, s10;
	s26 =	spop (v2sf)  }
0x2d8: {  	s21 =	smul.f32 $1.562500000e-02, s25;
	s19 =	ssub.f32 s19, s20  }
0x2d9: {  	s22 =	smul.f32 $1.562500000e-02, s26  }
0x2da: {  	s26 =	smul.f32 s12, s12;
	s25 =	sadd.f32 $9.999999740e-06, s19  }
0x2db: {  	s23 =	smul.f32 s10, s29;
	s20 =	ssub.f32 s21, s28  }
0x2dc: {  	s19 =	ssub.f32 s22, s26;
	s28 =	sshrl.u32 s25, $0x1;
	s18 =	smul.f32 $5.000000000e-01, s25  }
0x2dd: {  	s22 =	smul.f32 s17, s8;
	s29 =	sadd.f32 $9.999999740e-06, s20;
	s21 =	ssub.s32 $0x5F3759DF, s28  }
0x2de: {  	s25 =	sadd.f32 $9.999999740e-06, s19;
	s20 =	smul.f32 s21, s18  }
0x2df: {  	s26 =	sshrl.u32 s29, $0x1;
	s19 =	smul.f32 $5.000000000e-01, s29  }
0x2e0: {  	v59 =	vld [tilespmem:$0x1FF60];
	[tilespmem:s11+$0xFFFFFF50] =	vst v45;
	s26 =	ssub.s32 $0x5F3759DF, s26;
	s8 =	smul.f32 $5.000000000e-01, s25  }
0x2e1: {  	[tilespmem:s11+$0xFFFFFF60] =	vst v46;
	s28 =	sshrl.u32 s25, $0x1;
	s25 =	smul.f32 s26, s19  }
0x2e2: {  	v48 =	vmul.f32 s5, v10;
	v10 =	vld [tilespmem:$0x1FF70];
	s28 =	ssub.s32 $0x5F3759DF, s28;
	s20 =	smul.f32 s21, s20  }
0x2e3: {  	s29 =	smul.f32 s28, s8  }
0x2e4: {  	v63 =	vadd.f32 v36, v7;
	v1 =	vmul.f32 s17, v15;
	s25 =	smul.f32 s26, s25  }
0x2e5: {  	v50 =	vadd.f32 v37, v60;
	v2 =	vmul.f32 s17, v16;
	v3 =	vmul.f32 s17, v17;
	s14 =	smul.f32 s4, s14;
	s20 =	ssub.f32 $1.500000000e+00, s20  }
0x2e6: {  	v51 =	vadd.f32 v40, v6;
	v55 =	vmul.f32 s4, v9;
	v9 =	vmul.f32 s4, v11;
	s29 =	smul.f32 s28, s29;
	s25 =	ssub.f32 $1.500000000e+00, s25  }
0x2e7: {  	[tilespmem:s9+$0xFFFFFFA0] =	vst v63;
	v0 =	vmul.f32 s17, v59;
	v63 =	vmov s14;
	v56 =	vmul.f32 s4, v10;
	s17 =	smul.f32 s21, s20  }
0x2e8: {  	v52 =	vadd.f32 v41, v7;
	v9 =	vsub.f32 v9, v63;
	s20 =	ssub.f32 $1.500000000e+00, s29;
	s26 =	smul.f32 s26, s25  }
0x2e9: {  	v53 =	vadd.f32 v43, v60;
	v54 =	vmul.f32 s4, v13;
	v36 =	vsub.f32 v56, v63;
	s21 =	smul.f32 s17, s18  }
0x2ea: {  	v38 =	vadd.f32 v38, v62;
	v47 =	vmul.f32 s5, v18;
	v9 =	vmul.f32 v9, v8;
	s20 =	smul.f32 s28, s20  }
0x2eb: {  	v49 =	vmul.f32 s5, v19;
	v11 =	vsub.f32 v54, v63;
	v17 =	vmul.f32 v36, v5;
	s28 =	smul.f32 s26, s19  }
0x2ec: {  	v15 =	vmul.f32 s5, v14;
	[tilespmem:s11+$0xFFFFFF80] =	vst v44;
	v10 =	vsub.f32 v55, v63;
	v44 =	vadd.f32 v9, v60;
	s21 =	smul.f32 s21, s17  }
0x2ed: {  	v45 =	vadd.f32 v17, v62;
	v23 =	vmul.f32 s10, v23;
	v22 =	vmul.f32 s10, v22;
	s29 =	smul.f32 s20, s8  }
0x2ee: {  	v21 =	vmul.f32 s10, v21;
	v20 =	vmul.f32 s10, v20;
	v61 =	vmov s23;
	s10 =	smul.f32 s28, s26  }
0x2ef: {  	s7 =	smul.f32 s5, s7;
	[tilespmem:s11+$0xFFFFFF70] =	vst v42;
	v10 =	vmul.f32 v10, v12;
	v23 =	vsub.f32 v23, v61;
	v22 =	vsub.f32 v22, v61;
	s21 =	ssub.f32 $1.500000000e+00, s21  }
0x2f0: {  	[tilespmem:s9+$0xFFFFFF90] =	vst v39;
	v21 =	vsub.f32 v21, v61;
	v16 =	vsub.f32 v20, v61;
	v59 =	vmov s22;
	s4 =	smul.f32 s29, s20;
	s14 =	ssub.f32 $1.500000000e+00, s10  }
0x2f1: {  	[tilespmem:s9+$0xFFFFFFB0] =	vst v50;
	v61 =	vmov s7;
	v0 =	vsub.f32 v0, v59;
	v1 =	vsub.f32 v1, v59;
	s5 =	smul.f32 s21, s17  }
0x2f2: {  	[tilespmem:s11+$0xFFFFFFD0] =	vst v51;
	v2 =	vsub.f32 v2, v59;
	v3 =	vsub.f32 v3, v59;
	v23 =	vmul.f32 v23, v5;
	s4 =	ssub.f32 $1.500000000e+00, s4;
	s10 =	smul.f32 s14, s26  }
0x2f3: {  	[tilespmem:s11+$0xFFFFFFE0] =	vst v52;
	v13 =	vsub.f32 v48, v61;
	v57 =	vmul.f32 v22, v4;
	v21 =	vmul.f32 v21, v12;
	s18 =	smul.f32 s5, s18  }
0x2f4: {  	[tilespmem:s11+$0xFFFFFFF0] =	vst v53;
	v14 =	vsub.f32 v49, v61;
	v0 =	vmul.f32 v0, v4;
	v1 =	vmul.f32 v1, v12;
	s4 =	smul.f32 s4, s20  }
0x2f5: {  	[tilespmem:s11+$0x0] =	vst v38;
	v15 =	vsub.f32 v15, v61;
	v2 =	vmul.f32 v2, v8;
	v3 =	vmul.f32 v3, v5;
	s21 =	smul.f32 s10, s19  }
0x2f6: {  	[tilespmem:s9+$0xFFFFFFF0] =	vst v44;
	v13 =	vmul.f32 v13, v12;
	v58 =	vadd.f32 v23, v62;
	v0 =	vadd.f32 v0, v6;
	s14 =	smul.f32 s18, s5  }
0x2f7: {  	[tilespmem:s9+$0x0] =	vst v45;
	v14 =	vmul.f32 v14, v8;
	v23 =	vsub.f32 v47, v61;
	v1 =	vadd.f32 v1, v7;
	s8 =	smul.f32 s4, s8  }
0x2f8: {  	v15 =	vmul.f32 v15, v5;
	v41 =	vadd.f32 v57, v6;
	v37 =	vadd.f32 v2, v60;
	[tilespmem:s9+$0xFFFFFF10] =	vst v0;
	s11 =	smul.f32 s21, s10;
	s14 =	ssub.f32 $1.500000000e+00, s14  }
0x2f9: {  	v38 =	vadd.f32 v3, v62;
	v3 =	vmul.f32 v11, v4;
	v11 =	vadd.f32 v13, v7;
	[tilespmem:s9+$0xFFFFFF20] =	vst v1;
	s8 =	smul.f32 s8, s4  }
0x2fa: {  	v16 =	vmul.f32 v16, v8;
	v40 =	vadd.f32 v14, v60;
	v42 =	vadd.f32 v15, v62;
	[tilespmem:s9+$0xFFFFFF30] =	vst v37;
	s11 =	ssub.f32 $1.500000000e+00, s11;
	s5 =	smul.f32 s14, s5  }
0x2fb: {  	v13 =	vadd.f32 v21, v7;
	v18 =	vmul.f32 v23, v4;
	[tilespmem:s9+$0xFFFFFF40] =	vst v38;
	v43 =	vadd.f32 v3, v6  }
0x2fc: {  	[tilespmem:s9+$0xFFFFFF60] =	vst v11;
	v3 =	vadd.f32 v10, v7;
	s8 =	ssub.f32 $1.500000000e+00, s8;
	v10 =	vmul.f32 s5, v24;
	v11 =	vmul.f32 s5, v25;
	s10 =	smul.f32 s11, s10  }
0x2fd: {  	v14 =	vadd.f32 v16, v60;
	[tilespmem:s9+$0xFFFFFF70] =	vst v40;
	v9 =	vmul.f32 s5, v26;
	v15 =	vmul.f32 s5, v27;
	s5 =	smul.f32 s5, s16  }
0x2fe: {  	[tilespmem:s9+$0xFFFFFF80] =	vst v42;
	v39 =	vadd.f32 v18, v6;
	s4 =	smul.f32 s8, s4;
	v46 =	vmul.f32 s10, v28;
	v47 =	vmul.f32 s10, v29  }
0x2ff: {  	[tilespmem:s9+$0xFFFFFFD0] =	vst v43;
	s20 =	sadd.s32 $0x100, s9;
	v48 =	vmul.f32 s10, v30;
	v49 =	vmul.f32 s10, v31;
	v50 =	vmov s5  }
0x300: {  	[tilespmem:s20+$0xFFFFFFA0] =	vst v13;
	s22 =	smul.f32 s10, s15;
	v13 =	vmul.f32 s4, v32;
	v51 =	vmul.f32 s4, v34;
	v10 =	vsub.f32 v10, v50  }
0x301: {  	[tilespmem:s20+$0xFFFFFFB0] =	vst v14;
	v14 =	vmul.f32 s4, v33;
	v52 =	vmul.f32 s4, v35;
	v11 =	vsub.f32 v11, v50;
	s4 =	smul.f32 s4, s12  }
0x302: {  	[tilespmem:s9+$0xFFFFFFE0] =	vst v3;
	v9 =	vsub.f32 v9, v50;
	v15 =	vsub.f32 v15, v50;
	v10 =	vmul.f32 v10, v4  }
0x303: {  	[tilespmem:s9+$0xFFFFFF50] =	vst v39;
	v53 =	vmov s22;
	v3 =	vmov s4;
	v11 =	vmul.f32 v11, v12  }
0x304: {  	[tilespmem:s20+$0xFFFFFFC0] =	vst v58;
	v54 =	vmul.f32 v9, v8;
	v55 =	vsub.f32 v46, v53;
	v9 =	vadd.f32 v10, v6  }
0x305: {  	[tilespmem:s20+$0xFFFFFF90] =	vst v41;
	v56 =	vsub.f32 v47, v53;
	v10 =	vmul.f32 v15, v5;
	v11 =	vadd.f32 v11, v7  }
0x306: {  	v1 =	vsub.f32 v49, v53;
	v15 =	vmul.f32 v55, v4;
	v0 =	vadd.f32 v54, v60;
	[tilespmem:s20+$0xFFFFFF10] =	vst v9  }
0x307: {  	v57 =	vsub.f32 v48, v53;
	v2 =	vmul.f32 v56, v12;
	[tilespmem:s20+$0xFFFFFF20] =	vst v11;
	v9 =	vadd.f32 v10, v62  }
0x308: {  	v1 =	vmul.f32 v1, v5;
	v10 =	vsub.f32 v13, v3;
	v13 =	vadd.f32 v15, v6;
	[tilespmem:s20+$0xFFFFFF30] =	vst v0  }
0x309: {  	v11 =	vmul.f32 v57, v8;
	v2 =	vadd.f32 v2, v7;
	[tilespmem:s20+$0xFFFFFF40] =	vst v9  }
0x30a: {  	v1 =	vadd.f32 v1, v62;
	v10 =	vmul.f32 v10, v4;
	[tilespmem:s20+$0xFFFFFF50] =	vst v13  }
0x30b: {  	v58 =	vsub.f32 v51, v3;
	v11 =	vadd.f32 v11, v60;
	[tilespmem:s20+$0xFFFFFF60] =	vst v2  }
0x30c: {  	v9 =	vsub.f32 v14, v3;
	v14 =	vmov v4;
	[tilespmem:s20+$0xFFFFFF80] =	vst v1;
	v4 =	vadd.f32 v10, v6  }
0x30d: {  	v0 =	vmul.f32 v58, v12;
	v3 =	vsub.f32 v52, v3;
	[tilespmem:s20+$0xFFFFFF70] =	vst v11  }
0x30e: {  	v59 =	vmul.f32 v9, v8;
	[tilespmem:s20+$0xFFFFFFD0] =	vst v4  }
0x30f: {  	s23 =	sshll.u32 s13, $0x3;
	v0 =	vadd.f32 v0, v7;
	v3 =	vmul.f32 v3, v5;
	s25 =	rddreg [dreg:$0x11]  }
0x310: {  	v61 =	vadd.f32 v59, v60;
	s4 =	sadd.s32 s25, s23  }
0x311: {  	v63 =	vadd.f32 v3, v62;
	[tilespmem:s20+$0xFFFFFFE0] =	vst v0;
	s4 =	smul.u32 $0xA0, s4  }
0x312: {  	p0 =	seq.s32 s1, $0x33;
	s28 =	simm.s32 $0x14700;
	s29 =	simm.s32 $0x3;
	[tilespmem:s20+$0xFFFFFFF0] =	vst v61  }
.Ltmp5:
0x313: {  	s26 =	simm.s32 $0x0;
	[tilespmem:s20+$0x0] =	vst v63;
	s4 =	sadd.s32 s24, s4;
	(pc) =	sbr.rel @p0 .LBB2_10-.Ltmp5, $4  }
0x314: {  	[hbm4b:s4+s26] =	stream.linear.scatter [tilespmem:s28], [sflag:$0x4], $0x2800, $0x38;
	[tilespmem:$0x16F00] =	vst v63  }
0x315: {  	_ =	swait.ge [sflag:s29], $0x2800  }
0x316: {  	[sflag:s29] =	ssyncset.done $0x0  }
0x317: {  	s20 =	smov.u32 s24;
	[sflag:s29] =	ssyncadd.s32 $0xFFFFD800  }
0x318: {  	s4 =	sadd.s32 $0x140, s3;
	s5 =	simm.s32 $0x50  }
.Ltmp6:
0x319: {  	s7 =	simm.s32 $0xCF00;
	s28 =	sadd.s32 $0x190, s3;
	(pc) =	sbr.rel .LBB2_4-.Ltmp6, $4  }
0x31a: {  	s29 =	simm.s32 $0xE300;
	s1 =	sadd.s32 $0x1, s1;
	s0 =	sadd.s32 $0x140, s0  }
0x31b: {  	[tilespmem:s7], [sflag:$0x1] =	stream.indirect.gather [hbm4b:s6+s5], $0x40, s4, s5, $0xb8;
	[tilespmem:$0x16F00] =	vst v63  }
0x31c: {  	s30 =	sadd.s32 $0x5000, s30;
	s31 =	sadd.s32 $0x140, s31;
	s2 =	sadd.s32 $0x5000, s2  }
0x31d: {  	v3 =	vmov v12;
	v4 =	vmov v8;
	v2 =	vmov v14;
	[tilespmem:s29], [sflag:$0x1] =	stream.indirect.gather [hbm4b:s6+s5], $0x40, s28, s5, $0xb8;
	[tilespmem:$0x16F00] =	vst v63  }
.LBB2_11:
0x31e: {  	_ =	sfence.sel $0x180000  }
0x31f: {  	[bflag:$0x0] =	sbarrier.arrive $0xFFFF  }
0x320: {  	_ =	strace $0x90000047  }
0x321: {  	s0 =	stileid.u32;
	[bflag:$0x2] =	sbarrier.arrive $0xFFFF  }
0x322: {  	p0 =	sne.s32 s0, $0x0;
	s0 =	rddreg [dreg:$0x4]  }
0x323: {  	s0 =	sadd.s32 @!p0 $0x100000, s0  }
0x324: {  	[sflag:s0] =	ssyncadd.tile.s32 @!p0 $0x1;
	_ =	shalt  }
.Lfunc_end2:
_tile_overlayer_lowered:
.L_overlay_start_2:
0x325: {  	(tag) =	ssettag $0x2  }
0x326: {  	s0 =	rddreg [dreg:$0x0];
	s2 =	stileid.u32  }
0x327: {  	s1 =	rddreg [dreg:$0x1];
	p0 =	sne.s32 s2, $0x0  }
0x328: {  	s3 =	rddreg [dreg:$0x2];
	[bflag:$0x3] =	sbarrier.arrive $0xFFFF;
	s2 =	simm.s32 @!p0 $0x1C05  }
0x329: {  	[timem:s3], [sflag:s2] =	dma.local @!p0 [hbm:s0], s1  }
0x32a: {  	s0 =	simm.s32 @!p0 $0x5  }
0x32b: {  	_ =	swait.ge @!p0 [sflag:s0], s1  }
0x32c: {  	s1 =	ssub.s32 @!p0 $0x0, s1;
	[sflag:s0] =	ssyncset.done @!p0 $0x0  }
0x32d: {  	[sflag:s0] =	ssyncadd.s32 @!p0 s1  }
0x32e: {  	[bflag:$0x3] =	sbarrier.arrive $0xFFFF  }
0x32f: {  	_ =	shalt  }

// kernel: sparse-core-data-format-call.cloned.1.call-start
scs
called_computation_lowered:
.L_overlay_start_0:
0x0: {  	s2 =	sld [smem:$0x3FD9]  }
0x1: {  	s3 =	sld [smem:$0x3FFE];
	_ =	sdelay $0x1  }
0x2: {  	s1 =	srdreg.scid  }
0x3: {  	s0 =	sand.u32 $0x1, s1  }
0x4: {  	s18 =	sshll.u32 s0, $0xA;
	s2 =	sadd.s32 s3, s2  }
0x5: {  	s2 =	sadd.s32 s2, s18  }
0x6: {  	[smem:$0x3FC2] =	sst s2  }
0x7: {  	_ = 	snop  }
0x8: {  	s2 =	sld [smem:$0x3FD0];
	(tm) =	ssettm $0x1  }
0x9: {  	s19 =	sld [smem:$0x3FFB];
	_ =	sdelay $0x3  }
0xa: {  	_ =	strace s19  }
0xb: {  	s3 =	sld [smem:$0x3FFC];
	_ =	sdelay $0x3  }
0xc: {  	_ =	strace s3  }
0xd: {  	s3 =	sld [smem:$0x3FFD];
	_ =	sdelay $0x3  }
0xe: {  	_ =	strace s3  }
0xf: {  	_ =	strace $0x8FFFFFFF  }
0x10: {  	s20 =	sld [smem:$0x3FDB];
	_ =	sdelay $0x1  }
0x11: {  	s4 =	simm.s32 $_scs_section_size  }
0x12: {  	s5 =	simm.s32 $_size__tile_overlayer_lowered;
	s6 =	simm.s32 $_tile_overlayer_lowered  }
0x13: {  	s23 =	simm.s32 $0x1BFF;
	s22 =	sshll.u32 s6, $0x1;
	s3 =	sadd.s32 s4, s20  }
0x14: {  	s7 =	simm.s32 $0x0;
	s21 =	sshll.u32 s5, $0x1;
	s5 =	sadd.s32 s22, s3  }
0x15: {  	[timem:s7], [sflag:s23] =	dma.local [hbm:s5], s21  }
0x16: {  	_ =	swait.ge [sflag:s23], s21  }
0x17: {  	s4 =	ssub.s32 $0x0, s21;
	[sflag:s23] =	ssyncset.done $0x0  }
0x18: {  	[sflag:s23] =	ssyncadd.s32 s4;
	_ =	sdelay $0x1  }
0x19: {  	s24 =	simm.s32 $0x1B8B  }
0x1a: {  	_ =	swait.ge [sflag:s24], $0x1  }
0x1b: {  	[sflag:s24] =	ssyncset.done $0x0  }
0x1c: {  	s26 =	simm.s32 $0x1B8E;
	s25 =	sld [smem:$0x3FFE];
	[sflag:s24] =	ssyncadd.s32 $0xFFFFFFFF  }
0x1d: {  	s27 =	simm.s32 $execute0_lowered;
	[smem:$0x3FD2] =	sst s26  }
0x1e: {  	s5 =	sshll.u32 s27, $0x1;
	_ =	strace $0x80000049;
	[dreg:$0x1] =	wrdreg $0xFFFFFFFF  }
0x1f: {  	s28 =	simm.s32 $_size_execute0_lowered;
	s3 =	sadd.s32 s3, s5;
	[dreg:$0x0] =	wrdreg $0x0  }
0x20: {  	s5 =	sshll.u32 s28, $0x1;
	[dreg:$0x2] =	wrdreg s3  }
0x21: {  	[dreg:$0x3] =	wrdreg s5  }
0x22: {  	[dreg:$0x4] =	wrdreg $0xC0  }
0x23: {  	_ =	task [dreg:s7], $0x5FFFF  }
0x24: {  	[dreg:$0x1] =	wrdreg $0xFFFFFFFF  }
0x25: {  	[dreg:$0x0] =	wrdreg $0x60  }
0x26: {  	[dreg:$0x2] =	wrdreg s25  }
0x27: {  	[dreg:$0x3] =	wrdreg s2  }
0x28: {  	[dreg:$0x4] =	wrdreg $0x9  }
0x29: {  	_ =	task.clear_ibuf [dreg:s7], $0x5FFFF;
	_ =	strace $0x90000049  }
0x2a: {  	s29 =	simm.s32 $0x9;
	_ =	strace $0x8000004B  }
0x2b: {  	_ =	swait.ge [sflag:s29], $0x1  }
0x2c: {  	[sflag:s29] =	ssyncadd.s32 $0xFFFFFFFF  }
0x2d: {  	_ =	strace $0x9000004B  }
0x2e: {  	_ =	sfence  }
0x2f: {  	s30 =	sld [smem:$0x0];
	_ =	sdelay $0x2  }
0x30: {  	s31 =	sshll.u32 s1, $0xD;
	s1 =	sshrl.u32 s1, $0x2  }
0x31: {  	s3 =	sand.u32 $0x4000, s31;
	s1 =	sadd.s32 s1, s30  }
0x32: {  	s0 =	sor.u32 s3, s0;
	s1 =	sshll.u32 s1, $0x11  }
0x33: {  	s0 =	sor.u32 s1, s0  }
0x34: {  	s0 =	sadd.s32 $0x8F2B, s0  }
0x35: {  	[sflag:s0] =	ssyncadd.remote.s32 $0x1  }
0x36: {  	_ =	sfence.sel $0xFFFF  }
0x37: {  	[dreg:$0x0] =	wrdreg $0xFFFFFFFF;
	(pc) =	sbr.abs _section_cstart, $3  }
0x38: {  	[dreg:$0x1] =	wrdreg $0xFFFFFFFF  }
0x39: {  	_ =	task.clear_ibuf [dreg:s7], $0x2FFFF;
	_ =	strace $0x9FFFFFFF  }
0x3a: {  	(tm) =	ssettm $0x7FFFFFFF  }
0x3b: {  	_ =	shalt  }
tec
execute0_lowered:
.L_overlay_start_1:
0x0: {  	(tag) =	ssettag $0x1  }
0x1: {  	s0 =	srdreg.scid  }
0x2: {  	s1 =	sshll.u32 s0, $0x4  }
0x3: {  	s0 =	stileid.u32;
	s1 =	sand.u32 $0x10, s1  }
0x4: {  	s1 =	sor.u32 s0, s1  }
0x5: {  	s6 =	rddreg [dreg:$0x0];
	s4 =	simm.s32 $0x1;
	s2 =	sshll.u32 s1, $0x7  }
0x6: {  	s7 =	simm.s32 $0x2;
	s12 =	simm.s32 $0x0;
	s1 =	ssub.s32 $0x6800, s2  }
0x7: {  	s8 =	simm.s32 $0x34000;
	s13 =	simm.s32 $0x0;
	s3 =	sand.u32 $0xF80, s1  }
0x8: {  	s9 =	simm.s32 $0x0;
	s5 =	sshrl.u32 s1, $0xC;
	p0 =	sne.s32 s3, $0x0  }
.Ltmp0:
0x9: {  	s1 =	rddreg [dreg:$0x2];
	s4 =	simm.s32 @!p0 $0x0;
	(pc) =	sbr.rel .LBB1_1-.Ltmp0, $4  }
0xa: {  	s11 =	simm.s32 $0x0;
	s3 =	rddreg [dreg:$0x1];
	s5 =	sadd.s32 s4, s5  }
0xb: {  	_ =	strace $0x8000004A;
	s4 =	simm.s32 $0x1;
	s5 =	smul.u32 $0x14, s5  }
0xc: {  	s6 =	sadd.s32 $0xA00, s6;
	s10 =	smov.u32 s2;
	[sflag:s4] =	ssyncpa.u1 $0x0  }
0xd: {  	p0 =	por $0x0, $0x0;
	[sflag:s7] =	ssyncpa.u1 $0x0;
	s7 =	sor.u32 $0x1, s5  }
.LBB1_4:
0xe: {  	s16 =	sshll.u32 s13, $0x3  }
0xf: {  	s29 =	sand.u32 $0x7F, s13;
	s17 =	sand.u32 $0xFFFFFC00, s16  }
0x10: {  	s13 =	sor.u32 s29, s17  }
0x11: {  	s17 =	smulhi.u32 $0x4EC4EC4F, s13  }
0x12: {  	s16 =	smulhi.u32 $0x4EC4EC4F, s16  }
0x13: {  	s17 =	sshrl.u32 s17, $0xD  }
0x14: {  	s16 =	sshrl.u32 s16, $0xD;
	s17 =	smul.u32 $0x6800, s17  }
0x15: {  	s12 =	smul.u32 $0x34000, s12;
	s16 =	sand.u32 $0x3F, s16  }
0x16: {  	s16 =	smul.u32 $0xD00, s16;
	s13 =	ssub.s32 s13, s17  }
0x17: {  	[tilespmem:s15+$0x810 ss:$0x81] =	vst.msk $0xffff, v2;
	s12 =	sadd.s32 s3, s12;
	s17 =	sand.u32 $0x7, s13  }
0x18: {  	[tilespmem:s15+$0x1020 ss:$0x81] =	vst.msk $0xffff, v0;
	s12 =	sadd.s32 s16, s12;
	s13 =	sshrl.u32 s13, $0x3;
	s30 =	sshll.u32 s17, $0x12  }
0x19: {  	[tilespmem:s15+$0x0 ss:$0x81] =	vst.msk $0xffff, v1;
	s12 =	sadd.s32 s13, s12;
	s31 =	sor.u32 $0x400, s30  }
0x1a: {  	[hbm4b:s12+s31] =	stream.strided.scatter [tilespmem:s14], [sflag:$0x2], $0x2000, s8, s31, $0x20;
	[tilespmem:$0x8080] =	vst v63  }
.LBB1_5:
0x1b: {  	s14 =	sadd.s32 $0x1, s9  }
0x1c: {  	s12 =	sadd.s32 $0x1000, s10;
	s16 =	smov.u32 s10;
	p2 =	sgt.s32 s14, $0x13  }
0x1d: {  	s16 =	smov.u32 @p2 s12  }
0x1e: {  	s14 =	simm.s32 @p2 $0x0;
	p2 =	sgt.s32 s16, $0x67FF  }
0x1f: {  	s16 =	smov.u32 @p2 s2;
	p2 =	sne.s32 s11, s7  }
.Ltmp1:
0x20: {  	p1 =	slt.u32 s11, $0x2;
	(pc) =	sbr.rel @!p2 .LBB1_6-.Ltmp1, $4  }
0x21: {  	s15 =	simm.s32 @!p1 $0x2  }
0x22: {  	s13 =	smov.u32 s10;
	p0 =	por !p0, !p0;
	_ =	swait.ge @!p1 [sflag:s15], $0x2000  }
0x23: {  	s12 =	smov.u32 s9;
	[sflag:s15] =	ssyncset.done @!p1 $0x0;
	s9 =	smov.u32 s14  }
0x24: {  	s11 =	sadd.s32 $0x1, s11;
	[sflag:s15] =	ssyncadd.s32 @!p1 $0xFFFFE000;
	s10 =	smov.u32 s16  }
.LBB1_1:
0x25: {  	p1 =	sge.u32 s11, s5  }
0x26: {  	s14 =	sand.u32 @!p1 $0x1FFFFFF, s9  }
0x27: {  	s15 =	smulhi.u32 @!p1 $0xAAAAAAB, s14;
	_ =	sdelay $0x1  }
0x28: {  	s15 =	smul.u32 @!p1 $0x18, s15  }
0x29: {  	s16 =	sxor.u32 @!p1 $0xFFFFFFFF, s11;
	s17 =	smul.u32 @!p1 $0x180, s10  }
0x2a: {  	s31 =	sadd.s32 $0xFFFFFFFF, s11;
	s16 =	sshll.u32 @!p1 s16, $0xD;
	s14 =	ssub.s32 @!p1 s14, s15  }
0x2b: {  	s15 =	sand.u32 @!p1 $0x2000, s16;
	s16 =	sadd.s32 @!p1 s6, s17;
	s14 =	sshll.u32 @!p1 s14, $0x4  }
0x2c: {  	s17 =	simm.s32 @!p1 $0xC00;
	s14 =	sadd.s32 @!p1 s14, s16;
	s16 =	simm.s32 @!p1 $0x40  }
0x2d: {  	[tilespmem:s15], [sflag:$0x1] =	stream.strided.gather @!p1 [hbm4b:s14+s16], $0x2000, s17, s16, $0x38;
	[tilespmem:$0x8080] =	vst v63  }
0x2e: {  	p1 =	sge.u32 s31, s5  }
.Ltmp2:
0x2f: {  	_ = 	snop;
	(pc) =	sbr.rel @p1 .LBB1_5-.Ltmp2, $1  }
0x30: {  	_ =	sdelay $0x3  }
0x31: {  	s14 =	simm.s32 $0x1  }
0x32: {  	_ =	swait.ge [sflag:s4], $0x2000;
	s14 =	simm.s32 @!p0 $0x0  }
0x33: {  	[sflag:s4] =	ssyncset.done $0x0;
	s15 =	sshll.u32 s14, $0xD  }
0x34: {  	[sflag:s4] =	ssyncadd.s32 $0xFFFFE000;
	s18 =	sor.u32 $0x20, s15  }
0x35: {  	s14 =	smul.u32 $0x8100, s14;
	v3 =	vld [tilespmem:s18+$0x10]  }
0x36: {  	s30 =	sand.u32 $0x1, s11;
	v2 =	vld [tilespmem:s18+$0xFFFFFFF0]  }
0x37: {  	s15 =	smul.u32 $0x8100, s30;
	s14 =	sshrl.u32 s14, $0x2;
	v0 =	vld [tilespmem:s18+$0x0]  }
0x38: {  	v1 =	vld [tilespmem:s18+$0xFFFFFFE0];
	s16 =	sor.u32 $0x4000, s14  }
0x39: {  	s31 =	sshrl.u32 s15, $0x2;
	s15 =	sadd.s32 $0x0, s16  }
0x3a: {  	s17 =	simm.s32 $0x4;
	s18 =	sadd.s32 $0x40, s18;
	s14 =	sor.u32 $0x4000, s31;
	[tilespmem:s15+$0x1830 ss:$0x81] =	vst.msk $0xffff, v3  }
.LBB1_3:
0x3b: {  	v3 =	vld [tilespmem:s18+$0x10];
	p1 =	sne.s32 s17, $0x1FC;
	[tilespmem:s15+$0x810 ss:$0x81] =	vst.msk $0xffff, v2;
	s19 =	smov.u32 s17;
	s17 =	sadd.s32 $0x4, s17  }
.Ltmp3:
0x3c: {  	v2 =	vld [tilespmem:s18+$0xFFFFFFF0];
	[tilespmem:s15+$0x1020 ss:$0x81] =	vst.msk $0xffff, v0;
	(pc) =	sbr.rel @p1 .LBB1_3-.Ltmp3, $4  }
0x3d: {  	v0 =	vld [tilespmem:s18+$0x0];
	[tilespmem:s15+$0x0 ss:$0x81] =	vst.msk $0xffff, v1  }
0x3e: {  	s15 =	sshra.s32 s19, $0x2;
	v1 =	vld [tilespmem:s18+$0xFFFFFFE0]  }
0x3f: {  	s15 =	sadd.s32 s15, s16  }
0x40: {  	s18 =	sadd.s32 $0x40, s18;
	[tilespmem:s15+$0x1830 ss:$0x81] =	vst.msk $0xffff, v3  }
.Ltmp4:
0x41: {  	_ = 	snop;
	(pc) =	sbr.rel .LBB1_4-.Ltmp4, $1  }
0x42: {  	_ =	sdelay $0x3  }
.LBB1_6:
0x43: {  	_ =	sfence.sel $0x180000  }
0x44: {  	s2 =	simm.s32 $0x1;
	[bflag:$0x0] =	sbarrier.arrive $0xFFFF  }
0x45: {  	s31 =	simm.s32 $0x2;
	[sflag:s2] =	ssyncpa.u1 $0x1  }
0x46: {  	[sflag:s31] =	ssyncpa.u1 $0x1  }
0x47: {  	p0 =	sne.s32 s0, $0x0;
	_ =	strace $0x9000004A  }
0x48: {  	s0 =	sadd.s32 @!p0 $0x100000, s1;
	[bflag:$0x2] =	sbarrier.arrive $0xFFFF  }
0x49: {  	[sflag:s0] =	ssyncadd.tile.s32 @!p0 $0x1;
	_ =	shalt  }
.Lfunc_end1:
_tile_overlayer_lowered:
.L_overlay_start_2:
0x4a: {  	(tag) =	ssettag $0x2  }
0x4b: {  	s0 =	rddreg [dreg:$0x0];
	s2 =	stileid.u32  }
0x4c: {  	s1 =	rddreg [dreg:$0x1];
	p0 =	sne.s32 s2, $0x0  }
0x4d: {  	s3 =	rddreg [dreg:$0x2];
	[bflag:$0x3] =	sbarrier.arrive $0xFFFF;
	s2 =	simm.s32 @!p0 $0x1C01  }
0x4e: {  	[timem:s3], [sflag:s2] =	dma.local @!p0 [hbm:s0], s1  }
0x4f: {  	s0 =	simm.s32 @!p0 $0x1  }
0x50: {  	_ =	swait.ge @!p0 [sflag:s0], s1  }
0x51: {  	s1 =	ssub.s32 @!p0 $0x0, s1;
	[sflag:s0] =	ssyncset.done @!p0 $0x0  }
0x52: {  	[sflag:s0] =	ssyncadd.s32 @!p0 s1  }
0x53: {  	[bflag:$0x3] =	sbarrier.arrive $0xFFFF  }
0x54: {  	_ =	shalt  }

</sc_bundles>
